<compile_context>
chip_gen: v7x
topology: tpu7x:2x2x1
jax: 0.10.2.dev20260603
libtpu: 0.0.44.dev20260713+nightly
codegen_flags: <defaults>
</compile_context>

<pallas_src>
import functools

import jax
import jax.numpy as jnp
from jax import lax
from jax.experimental import pallas as pl
from jax.experimental.pallas import tpu as pltpu
from jax.experimental.pallas import tpu_sc as plsc

N = 10000
E = 320000
D_IN = 128
D_HID = 128
D_OUT = 64
DW = 128

NC = 2
NS = 16
NT = NC * NS
NPAD = 10240
SLAB = NPAD // NS
CH = 80
NCH = (E // NT) // CH

_MESH = plsc.VectorSubcoreMesh(
    core_axis_name="c", subcore_axis_name="s", num_cores=NC, num_subcores=NS
)



ET = E // NT
DNI = 8
DILA = 4
DSLAG = 3


@functools.partial(
    pl.kernel,
    out_type=jax.ShapeDtypeStruct((NC * NPAD,), jnp.float32),
    mesh=_MESH,
    compiler_params=pltpu.CompilerParams(use_tc_tiling_on_sc=False),
    scratch_types=[
        pltpu.VMEM((NCH, CH), jnp.int32),
        pltpu.VMEM((CH,), jnp.float32),
        pltpu.VMEM((SLAB,), jnp.float32),
        pltpu.VMEM_SHARED((NPAD,), jnp.float32),
    ],
)
def _deg_kernel(dst3d, deg_out, idx_d, ones_v, zbuf, sdeg):
    c = lax.axis_index("c")
    s = lax.axis_index("s")
    t = c * NS + s
    slab = pl.ds(s * SLAB, SLAB)
    z16 = jnp.zeros((16,), dtype=jnp.float32)
    ones16 = jnp.full((16,), 1.0, dtype=jnp.float32)

    def fill(i, carry):
        zbuf[pl.ds(i * 16, 16)] = z16
        return carry

    lax.fori_loop(0, SLAB // 16, fill, 0)
    for j in range(CH // 16):
        ones_v[pl.ds(j * 16, 16)] = ones16
    pltpu.sync_copy(zbuf, sdeg.at[slab])
    pltpu.sync_copy(dst3d.at[t], idx_d)
    plsc.subcore_barrier()

    def body(i, carry):
        pltpu.sync_copy(ones_v, sdeg.at[idx_d.at[i]], add=True)
        return carry

    lax.fori_loop(0, NCH, body, 0)
    plsc.subcore_barrier()
    pltpu.sync_copy(sdeg.at[slab], deg_out.at[pl.ds(c * NPAD + s * SLAB, SLAB)])


def _make_scatter(ds, nr, ni, slag, gla, ila, tc_tiling=True):
    assert ni >= ila + slag + 1 and nr >= gla + slag

    @functools.partial(
        pl.kernel,
        out_type=jax.ShapeDtypeStruct((NC * NPAD, ds), jnp.float32),
        mesh=_MESH,
        compiler_params=pltpu.CompilerParams(use_tc_tiling_on_sc=tc_tiling),
        scratch_types=[
            pltpu.VMEM((ni, CH), jnp.int32),
            pltpu.VMEM((ni, CH), jnp.int32),
            pltpu.VMEM((nr, CH, ds), jnp.float32),
            pltpu.SemaphoreType.DMA,
            pltpu.SemaphoreType.DMA,
            pltpu.SemaphoreType.DMA,
            pltpu.VMEM_SHARED((NPAD, ds), jnp.float32),
        ],
    )
    def _scatter(h, src3d, dst3d, acc_out,
                 idx_s, idx_d, rows, gsem, isem, ssem, sacc):
        c = lax.axis_index("c")
        s = lax.axis_index("s")
        t = c * NS + s
        slab = pl.ds(s * SLAB, SLAB)
        z16 = jnp.zeros((16,), dtype=jnp.float32)

        def fill(r, carry):
            for j in range(ds // 16):
                rows[0, r, pl.ds(j * 16, 16)] = z16
            return carry

        lax.fori_loop(0, CH, fill, 0)
        for k in range(SLAB // CH):
            pltpu.sync_copy(rows.at[0], sacc.at[pl.ds(s * SLAB + k * CH, CH)])
        plsc.subcore_barrier()

        def load_idx(j, slot):
            pltpu.async_copy(src3d.at[t, j], idx_s.at[slot], isem)
            pltpu.async_copy(dst3d.at[t, j], idx_d.at[slot], isem)

        def wait_idx(slot):
            pltpu.make_async_copy(src3d.at[t, 0], idx_s.at[slot], isem).wait()
            pltpu.make_async_copy(dst3d.at[t, 0], idx_d.at[slot], isem).wait()

        def gather(slot_i, slot_r):
            pltpu.async_copy(h.at[idx_s.at[slot_i]], rows.at[slot_r], gsem)

        def wait_gather(slot_i, slot_r):
            pltpu.make_async_copy(
                h.at[idx_s.at[slot_i]], rows.at[slot_r], gsem
            ).wait()

        def scat(slot_i, slot_r):
            pltpu.async_copy(
                rows.at[slot_r], sacc.at[idx_d.at[slot_i]], ssem, add=True
            )

        def wait_scat(slot_i, slot_r):
            pltpu.make_async_copy(
                rows.at[slot_r], sacc.at[idx_d.at[slot_i]], ssem
            ).wait()

        for j in range(ila):
            load_idx(j, j)
        for j in range(gla):
            wait_idx(j)
            gather(j, j)

        def body(i, carry):
            ri = lax.rem(i, nr)
            ii = lax.rem(i, ni)
            wait_gather(ii, ri)
            scat(ii, ri)

            @pl.when(i - slag >= 0)
            def _():
                wait_scat(lax.rem(i - slag, ni), lax.rem(i - slag, nr))

            @pl.when(i + gla < NCH)
            def _():
                wait_idx(lax.rem(i + gla, ni))
                gather(lax.rem(i + gla, ni), lax.rem(i + gla, nr))

            @pl.when(i + ila < NCH)
            def _():
                load_idx(i + ila, lax.rem(i + ila, ni))

            return carry

        lax.fori_loop(0, NCH, body, 0)
        for j in range(slag, 0, -1):
            wait_scat(lax.rem(NCH - j, ni), lax.rem(NCH - j, nr))
        plsc.subcore_barrier()
        pltpu.sync_copy(
            sacc.at[slab], acc_out.at[pl.ds(c * NPAD + s * SLAB, SLAB)]
        )

    return _scatter


_scatter_l1 = _make_scatter(ds=DW, nr=4, ni=6, slag=2, gla=2, ila=3,
                            tc_tiling=False)
_scatter_l2 = _make_scatter(ds=D_OUT, nr=6, ni=10, slag=3, gla=3, ila=6,
                            tc_tiling=False)



def _k1_body(x_ref, deg2_ref, w_ref, o_ref, dinv_ref):
    d2 = deg2_ref[...]
    d = d2[:, 0:1] + d2[:, 1:2] + 1.0
    dinv = lax.rsqrt(d)
    dinv_ref[...] = dinv
    h = jnp.dot(x_ref[...], w_ref[...], preferred_element_type=jnp.float32)
    o_ref[...] = dinv * h


def _k2_body(acc_ref, h1p_ref, dinv_ref, b1_ref, w2_ref, o_ref):
    dinv = dinv_ref[...]
    t = dinv * (acc_ref[0] + acc_ref[1] + h1p_ref[...]) + b1_ref[...]
    r = jnp.maximum(t, 0.0)
    h2 = jnp.dot(r, w2_ref[...], preferred_element_type=jnp.float32)
    o_ref[...] = dinv * h2


def _k3_body(acc_ref, h2p_ref, dinv2_ref, b2_ref, o_ref):
    acc = acc_ref[0] + acc_ref[1] + h2p_ref[...]
    d2 = dinv2_ref[...]
    b2 = b2_ref[...]

    def half(x, d):
        t = d * x + b2
        m = jnp.max(t, axis=1, keepdims=True)
        e = jnp.exp(t - m)
        ssum = jnp.sum(e, axis=1, keepdims=True)
        return (t - m) - jnp.log(ssum)

    o_ref[...] = jnp.concatenate(
        [half(acc[:, :D_OUT], d2[:, 0:1]), half(acc[:, D_OUT:], d2[:, 1:2])],
        axis=1,
    )


def _full(shape):
    return pl.BlockSpec(shape, lambda i: tuple(0 for _ in shape))


def kernel(x, edge_index, W1, b1, W2, b2):
    ei = edge_index.astype(jnp.int32)
    src3d = lax.optimization_barrier(ei[0].reshape(NT, NCH, CH))
    dst3d = ei[1].reshape(NT, NCH, CH)

    degflat = _deg_kernel(dst3d)
    deg2 = degflat.reshape(NC, NPAD).T[:N]

    h1p, dinv = pl.pallas_call(
        _k1_body,
        out_shape=[
            jax.ShapeDtypeStruct((N, D_HID), jnp.float32),
            jax.ShapeDtypeStruct((N, 1), jnp.float32),
        ],
    )(x, deg2, W1)

    acc1 = _scatter_l1(h1p, src3d, dst3d).reshape(NC, NPAD, DW)

    h2p = pl.pallas_call(
        _k2_body,
        grid=(1,),
        in_specs=[
            _full((NC, N, DW)),
            _full((N, D_HID)),
            _full((N, 1)),
            _full((1, D_HID)),
            _full((D_HID, D_OUT)),
        ],
        out_specs=_full((N, D_OUT)),
        out_shape=jax.ShapeDtypeStruct((N, D_OUT), jnp.float32),
    )(acc1, h1p, dinv, b1.reshape(1, D_HID), W2)

    acc2 = _scatter_l2(h2p, src3d, dst3d).reshape(NC, NPAD // 2, DW)
    h2pv = h2p.reshape(N // 2, DW)
    dinv2 = dinv.reshape(N // 2, 2)

    out = pl.pallas_call(
        _k3_body,
        grid=(1,),
        in_specs=[
            _full((NC, N // 2, DW)),
            _full((N // 2, DW)),
            _full((N // 2, 2)),
            _full((1, D_OUT)),
        ],
        out_specs=_full((N // 2, DW)),
        out_shape=jax.ShapeDtypeStruct((N // 2, DW), jnp.float32),
    )(acc2, h2pv, dinv2, b2.reshape(1, D_OUT))
    return out.reshape(N, D_OUT)

# --- scband reference (transcript-rebuilt; emitter-appended) ---
"""Pipeline reference for scband-ssp-6828998001545 (READ-ONLY COPY).

The authoritative reference and input builder live on the scoring server;
editing this copy changes nothing except your own understanding.
"""

import jax, jax.numpy as jnp
import numpy as np

N_NODES = 10000
N_EDGES = 320000
D_IN = 128
D_HID = 128
D_OUT = 64

def setup_inputs(seed: int = 0) -> dict:
    key = jax.random.key(seed)
    k1, k2, k3, k4, k5, k6 = jax.random.split(key, 6)
    x = jax.random.normal(k1, (N_NODES, D_IN), dtype=jnp.float32)
    edge_index = jax.random.randint(k2, (2, N_EDGES), 0, N_NODES, dtype=jnp.int64)
    # Glorot init for GCNConv weights, zeros for bias (matches PyG defaults)
    s1 = float(np.sqrt(6.0 / (D_IN + D_HID)))
    W1 = jax.random.uniform(k3, (D_IN, D_HID), dtype=jnp.float32, minval=-s1, maxval=s1)
    b1 = jnp.zeros((D_HID,), dtype=jnp.float32)
    s2 = float(np.sqrt(6.0 / (D_HID + D_OUT)))
    W2 = jax.random.uniform(k4, (D_HID, D_OUT), dtype=jnp.float32, minval=-s2, maxval=s2)
    b2 = jnp.zeros((D_OUT,), dtype=jnp.float32)
    return {"x": x, "edge_index": edge_index, "W1": W1, "b1": b1, "W2": W2, "b2": b2}

def _gcn_conv(x, edge_index, W, b):
    N = x.shape[0]
    # add self loops
    loop = jnp.arange(N, dtype=edge_index.dtype)
    src = jnp.concatenate([edge_index[0], loop])
    dst = jnp.concatenate([edge_index[1], loop])
    # linear transform
    h = x @ W
    # symmetric normalization: deg computed on dst with edge weight 1
    deg = jnp.zeros((N,), dtype=h.dtype).at[dst].add(1.0)
    deg_inv_sqrt = jnp.where(deg > 0, jax.lax.rsqrt(jnp.maximum(deg, 1e-12)), 0.0)
    norm = deg_inv_sqrt[src] * deg_inv_sqrt[dst]
    # gather messages from src, scale, scatter-add into dst
    msgs = norm[:, None] * jnp.take(h, src, axis=0)
    out = jnp.zeros((N, h.shape[1]), dtype=h.dtype).at[dst].add(msgs)
    return out + b

def reference(x, edge_index, W1, b1, W2, b2):
    # CRD: GCNConv -> ReLU -> dropout (identity in eval mode)
    h = _gcn_conv(x, edge_index, W1, b1)
    h = jax.nn.relu(h)
    # CLS: GCNConv -> log_softmax over classes
    out = _gcn_conv(h, edge_index, W2, b2)
    return jax.nn.log_softmax(out, axis=1)

if __name__ == "__main__":
    import jax
    _d = setup_inputs()
    print(jax.jit(kernel)(*tuple(_d.values())))

</pallas_src>

<mosaic_0001>
#map = affine_map<(d0, d1) -> (0, 0, 0)>
#map1 = affine_map<(d0, d1) -> (0)>
module attributes {stable_mosaic.version = 14 : i64} {
  func.func @_deg_kernel(%arg0: i32, %arg1: i32, %arg2: memref<32x125x80xi32, #tpu.memory_space<hbm>>, %arg3: memref<20480xf32, #tpu.memory_space<hbm>>, %arg4: memref<125x80xi32, #tpu.memory_space<vmem>>, %arg5: memref<80xf32, #tpu.memory_space<vmem>>, %arg6: memref<640xf32, #tpu.memory_space<vmem>>, %arg7: memref<10240xf32, #tpu.memory_space<vmem_shared>>) attributes {dimension_semantics = [#tpu.dimension_semantics<core_parallel>, #tpu.dimension_semantics<subcore_parallel>], iteration_bounds = array<i64: 2, 16>, scalar_prefetch = 0 : i64, scratch_operands = 4 : i64, tpu.core_type = #tpu.core_type<sc_vector_subcore>, window_params = [{transform_indices = #map}, {transform_indices = #map1}]} {
    %mul3A = arith.constant 16 : i32
    %mul3A_0 = arith.muli %arg0, %mul3A : i32
    %add3A = arith.addi %mul3A_0, %arg1 : i32
    %mul3A_1 = arith.constant 640 : i32
    %mul3A_2 = arith.muli %arg1, %mul3A_1 : i32
    %broadcast_in_dim3A = arith.constant 0.000000e+00 : f32
    %broadcast_in_dim3A_3 = vector.broadcast %broadcast_in_dim3A : f32 to vector<16xf32>
    %broadcast_in_dim3A_4 = arith.constant 1.000000e+00 : f32
    %broadcast_in_dim3A_5 = vector.broadcast %broadcast_in_dim3A_4 : f32 to vector<16xf32>
    %scan3A = arith.constant 0 : i32
    %scan3A_6 = arith.constant 0 : i32
    %scan3A_7 = arith.constant 40 : i32
    %scan3A_8 = arith.addi %scan3A_6, %scan3A_7 : i32
    %scan3A_9 = arith.constant 1 : i32
    scf.for %scan3A_42 = %scan3A_6 to %scan3A_8 step %scan3A_9  : i32 {
      %mul3A_43 = arith.constant 16 : i32
      %mul3A_44 = arith.muli %scan3A_42, %mul3A_43 : i32
      %swap3A_45 = arith.index_cast %mul3A_44 : i32 to index
      %swap3A_46 = tpu.vector_load %arg6[%swap3A_45] {strides = array<i32>} : memref<640xf32, #tpu.memory_space<vmem>>, vector<16xf32>,
      %swap3A_47 = vector.shape_cast %swap3A_46 : vector<16xf32> to vector<16xf32>
      %swap3A_48 = vector.shape_cast %broadcast_in_dim3A_3 : vector<16xf32> to vector<16xf32>
      tpu.vector_store %arg6[%swap3A_45], %swap3A_48 {strides = array<i32>} : memref<640xf32, #tpu.memory_space<vmem>>, vector<16xf32>,
    }
    %scan3A_10 = arith.constant 40 : i32
    %swap3A = arith.constant 0 : index
    %swap3A_11 = tpu.vector_load %arg5[%swap3A] {strides = array<i32>} : memref<80xf32, #tpu.memory_space<vmem>>, vector<16xf32>,
    %swap3A_12 = vector.shape_cast %swap3A_11 : vector<16xf32> to vector<16xf32>
    %swap3A_13 = vector.shape_cast %broadcast_in_dim3A_5 : vector<16xf32> to vector<16xf32>
    tpu.vector_store %arg5[%swap3A], %swap3A_13 {strides = array<i32>} : memref<80xf32, #tpu.memory_space<vmem>>, vector<16xf32>,
    %swap3A_14 = arith.constant 16 : index
    %swap3A_15 = tpu.vector_load %arg5[%swap3A_14] {strides = array<i32>} : memref<80xf32, #tpu.memory_space<vmem>>, vector<16xf32>,
    %swap3A_16 = vector.shape_cast %swap3A_15 : vector<16xf32> to vector<16xf32>
    %swap3A_17 = vector.shape_cast %broadcast_in_dim3A_5 : vector<16xf32> to vector<16xf32>
    tpu.vector_store %arg5[%swap3A_14], %swap3A_17 {strides = array<i32>} : memref<80xf32, #tpu.memory_space<vmem>>, vector<16xf32>,
    %swap3A_18 = arith.constant 32 : index
    %swap3A_19 = tpu.vector_load %arg5[%swap3A_18] {strides = array<i32>} : memref<80xf32, #tpu.memory_space<vmem>>, vector<16xf32>,
    %swap3A_20 = vector.shape_cast %swap3A_19 : vector<16xf32> to vector<16xf32>
    %swap3A_21 = vector.shape_cast %broadcast_in_dim3A_5 : vector<16xf32> to vector<16xf32>
    tpu.vector_store %arg5[%swap3A_18], %swap3A_21 {strides = array<i32>} : memref<80xf32, #tpu.memory_space<vmem>>, vector<16xf32>,
    %swap3A_22 = arith.constant 48 : index
    %swap3A_23 = tpu.vector_load %arg5[%swap3A_22] {strides = array<i32>} : memref<80xf32, #tpu.memory_space<vmem>>, vector<16xf32>,
    %swap3A_24 = vector.shape_cast %swap3A_23 : vector<16xf32> to vector<16xf32>
    %swap3A_25 = vector.shape_cast %broadcast_in_dim3A_5 : vector<16xf32> to vector<16xf32>
    tpu.vector_store %arg5[%swap3A_22], %swap3A_25 {strides = array<i32>} : memref<80xf32, #tpu.memory_space<vmem>>, vector<16xf32>,
    %swap3A_26 = arith.constant 64 : index
    %swap3A_27 = tpu.vector_load %arg5[%swap3A_26] {strides = array<i32>} : memref<80xf32, #tpu.memory_space<vmem>>, vector<16xf32>,
    %swap3A_28 = vector.shape_cast %swap3A_27 : vector<16xf32> to vector<16xf32>
    %swap3A_29 = vector.shape_cast %broadcast_in_dim3A_5 : vector<16xf32> to vector<16xf32>
    tpu.vector_store %arg5[%swap3A_26], %swap3A_29 {strides = array<i32>} : memref<80xf32, #tpu.memory_space<vmem>>, vector<16xf32>,
    "tpu.region"() ({
      %run_scoped3A = tpu.sem_alloc : memref<!tpu.dma_semaphore, #tpu.memory_space<semaphore_mem>>
      %dma_start3A = tpu.memref_slice %arg7[%mul3A_2] : memref<10240xf32, #tpu.memory_space<vmem_shared>> -> memref<640xf32, #tpu.memory_space<vmem_shared>>
      %dma_start3A_42 = tpu.memref_slice %arg7[%mul3A_2] : memref<10240xf32, #tpu.memory_space<vmem_shared>> -> memref<640xf32, #tpu.memory_space<vmem_shared>>
      tpu.enqueue_dma source(%arg6 : memref<640xf32, #tpu.memory_space<vmem>>) target(%dma_start3A_42 : memref<640xf32, #tpu.memory_space<vmem_shared>>) target_semaphore(%run_scoped3A : memref<!tpu.dma_semaphore, #tpu.memory_space<semaphore_mem>>)
      %dma_wait3A = tpu.memref_slice %arg7[%mul3A_2] : memref<10240xf32, #tpu.memory_space<vmem_shared>> -> memref<640xf32, #tpu.memory_space<vmem_shared>>
      %dma_wait3A_43 = tpu.memref_slice %arg7[%mul3A_2] : memref<10240xf32, #tpu.memory_space<vmem_shared>> -> memref<640xf32, #tpu.memory_space<vmem_shared>>
      tpu.wait_dma2 semaphore(%run_scoped3A : memref<!tpu.dma_semaphore, #tpu.memory_space<semaphore_mem>>) src(%arg6 : memref<640xf32, #tpu.memory_space<vmem>>) dst(%dma_wait3A_43 : memref<640xf32, #tpu.memory_space<vmem_shared>>)
      tpu.yield
    }) : () -> ()
    "tpu.region"() ({
      %run_scoped3A = tpu.sem_alloc : memref<!tpu.dma_semaphore, #tpu.memory_space<semaphore_mem>>
      %dma_start3A = arith.constant 0 : i32
      %dma_start3A_42 = arith.constant 0 : i32
      %dma_start3A_43 = tpu.memref_slice %arg2[%add3A, %dma_start3A, %dma_start3A_42] : memref<32x125x80xi32, #tpu.memory_space<hbm>> -> memref<1x125x80xi32, #tpu.memory_space<hbm>>
      %dma_start3A_44 = tpu.memref_squeeze %dma_start3A_43 : memref<1x125x80xi32, #tpu.memory_space<hbm>> -> memref<125x80xi32, #tpu.memory_space<hbm>>
      %dma_start3A_45 = arith.constant 0 : i32
      %dma_start3A_46 = arith.constant 0 : i32
      %dma_start3A_47 = tpu.memref_slice %arg2[%add3A, %dma_start3A_45, %dma_start3A_46] : memref<32x125x80xi32, #tpu.memory_space<hbm>> -> memref<1x125x80xi32, #tpu.memory_space<hbm>>
      %dma_start3A_48 = tpu.memref_squeeze %dma_start3A_47 : memref<1x125x80xi32, #tpu.memory_space<hbm>> -> memref<125x80xi32, #tpu.memory_space<hbm>>
      tpu.enqueue_dma source(%dma_start3A_48 : memref<125x80xi32, #tpu.memory_space<hbm>>) target(%arg4 : memref<125x80xi32, #tpu.memory_space<vmem>>) target_semaphore(%run_scoped3A : memref<!tpu.dma_semaphore, #tpu.memory_space<semaphore_mem>>)
      %dma_wait3A = arith.constant 0 : i32
      %dma_wait3A_49 = arith.constant 0 : i32
      %dma_wait3A_50 = tpu.memref_slice %arg2[%add3A, %dma_wait3A, %dma_wait3A_49] : memref<32x125x80xi32, #tpu.memory_space<hbm>> -> memref<1x125x80xi32, #tpu.memory_space<hbm>>
      %dma_wait3A_51 = tpu.memref_squeeze %dma_wait3A_50 : memref<1x125x80xi32, #tpu.memory_space<hbm>> -> memref<125x80xi32, #tpu.memory_space<hbm>>
      %dma_wait3A_52 = arith.constant 0 : i32
      %dma_wait3A_53 = arith.constant 0 : i32
      %dma_wait3A_54 = tpu.memref_slice %arg2[%add3A, %dma_wait3A_52, %dma_wait3A_53] : memref<32x125x80xi32, #tpu.memory_space<hbm>> -> memref<1x125x80xi32, #tpu.memory_space<hbm>>
      %dma_wait3A_55 = tpu.memref_squeeze %dma_wait3A_54 : memref<1x125x80xi32, #tpu.memory_space<hbm>> -> memref<125x80xi32, #tpu.memory_space<hbm>>
      tpu.wait_dma2 semaphore(%run_scoped3A : memref<!tpu.dma_semaphore, #tpu.memory_space<semaphore_mem>>) src(%dma_wait3A_55 : memref<125x80xi32, #tpu.memory_space<hbm>>) dst(%arg4 : memref<125x80xi32, #tpu.memory_space<vmem>>)
      tpu.yield
    }) : () -> ()
    %barrier3A = arith.constant 0 : index
    tpu.barrier barrier_id(%barrier3A)
    %scan3A_30 = arith.constant 0 : i32
    %scan3A_31 = arith.constant 0 : i32
    %scan3A_32 = arith.constant 125 : i32
    %scan3A_33 = arith.addi %scan3A_31, %scan3A_32 : i32
    %scan3A_34 = arith.constant 1 : i32
    scf.for %scan3A_42 = %scan3A_31 to %scan3A_33 step %scan3A_34  : i32 {
      "tpu.region"() ({
        %run_scoped3A = tpu.sem_alloc : memref<!tpu.dma_semaphore, #tpu.memory_space<semaphore_mem>>
        %dma_start3A = arith.constant 0 : i32
        %dma_start3A_43 = tpu.memref_slice %arg4[%scan3A_42, %dma_start3A] : memref<125x80xi32, #tpu.memory_space<vmem>> -> memref<1x80xi32, #tpu.memory_space<vmem>>
        %dma_start3A_44 = tpu.memref_squeeze %dma_start3A_43 : memref<1x80xi32, #tpu.memory_space<vmem>> -> memref<80xi32, #tpu.memory_space<vmem>>
        %dma_start3A_45 = arith.constant 0 : i32
        %dma_start3A_46 = tpu.memref_slice %arg7[%dma_start3A_45] : memref<10240xf32, #tpu.memory_space<vmem_shared>> -> memref<10240xf32, #tpu.memory_space<vmem_shared>>
        tpu.enqueue_indirect_dma source(%arg5 : memref<80xf32, #tpu.memory_space<vmem>>) target(%dma_start3A_46 : memref<10240xf32, #tpu.memory_space<vmem_shared>>) offsets(%dma_start3A_44 : memref<80xi32, #tpu.memory_space<vmem>>) semaphore(%run_scoped3A : memref<!tpu.dma_semaphore, #tpu.memory_space<semaphore_mem>>) {add = true}
        %dma_wait3A = arith.constant 0 : i32
        %dma_wait3A_47 = tpu.memref_slice %arg4[%scan3A_42, %dma_wait3A] : memref<125x80xi32, #tpu.memory_space<vmem>> -> memref<1x80xi32, #tpu.memory_space<vmem>>
        %dma_wait3A_48 = tpu.memref_squeeze %dma_wait3A_47 : memref<1x80xi32, #tpu.memory_space<vmem>> -> memref<80xi32, #tpu.memory_space<vmem>>
        %dma_wait3A_49 = arith.constant 0 : i32
        %dma_wait3A_50 = tpu.memref_slice %arg7[%dma_wait3A_49] : memref<10240xf32, #tpu.memory_space<vmem_shared>> -> memref<10240xf32, #tpu.memory_space<vmem_shared>>
        tpu.wait_indirect_dma semaphore(%run_scoped3A : memref<!tpu.dma_semaphore, #tpu.memory_space<semaphore_mem>>) src(%arg5 : memref<80xf32, #tpu.memory_space<vmem>>) dst(%dma_wait3A_50 : memref<10240xf32, #tpu.memory_space<vmem_shared>>)
        tpu.yield
      }) : () -> ()
    }
    %scan3A_35 = arith.constant 125 : i32
    %barrier3A_36 = arith.constant 0 : index
    tpu.barrier barrier_id(%barrier3A_36)
    %mul3A_37 = arith.constant 10240 : i32
    %mul3A_38 = arith.muli %arg0, %mul3A_37 : i32
    %mul3A_39 = arith.constant 640 : i32
    %mul3A_40 = arith.muli %arg1, %mul3A_39 : i32
    %add3A_41 = arith.addi %mul3A_38, %mul3A_40 : i32
    "tpu.region"() ({
      %run_scoped3A = tpu.sem_alloc : memref<!tpu.dma_semaphore, #tpu.memory_space<semaphore_mem>>
      %dma_start3A = tpu.memref_slice %arg3[%add3A_41] : memref<20480xf32, #tpu.memory_space<hbm>> -> memref<640xf32, #tpu.memory_space<hbm>>
      %dma_start3A_42 = tpu.memref_slice %arg7[%mul3A_2] : memref<10240xf32, #tpu.memory_space<vmem_shared>> -> memref<640xf32, #tpu.memory_space<vmem_shared>>
      tpu.enqueue_dma source(%dma_start3A_42 : memref<640xf32, #tpu.memory_space<vmem_shared>>) target(%dma_start3A : memref<640xf32, #tpu.memory_space<hbm>>) target_semaphore(%run_scoped3A : memref<!tpu.dma_semaphore, #tpu.memory_space<semaphore_mem>>)
      %dma_wait3A = tpu.memref_slice %arg3[%add3A_41] : memref<20480xf32, #tpu.memory_space<hbm>> -> memref<640xf32, #tpu.memory_space<hbm>>
      %dma_wait3A_43 = tpu.memref_slice %arg7[%mul3A_2] : memref<10240xf32, #tpu.memory_space<vmem_shared>> -> memref<640xf32, #tpu.memory_space<vmem_shared>>
      tpu.wait_dma2 semaphore(%run_scoped3A : memref<!tpu.dma_semaphore, #tpu.memory_space<semaphore_mem>>) src(%dma_wait3A_43 : memref<640xf32, #tpu.memory_space<vmem_shared>>) dst(%dma_wait3A : memref<640xf32, #tpu.memory_space<hbm>>)
      tpu.yield
    }) : () -> ()
    return
  }
}

#map = affine_map<(d0, d1) -> (0, 0)>
#map1 = affine_map<(d0, d1) -> (0, 0, 0)>
module attributes {stable_mosaic.version = 14 : i64} {
  func.func @_scatter(%arg0: i32, %arg1: i32, %arg2: memref<10000x128xf32, #tpu.memory_space<hbm>>, %arg3: memref<32x125x80xi32, #tpu.memory_space<hbm>>, %arg4: memref<32x125x80xi32, #tpu.memory_space<hbm>>, %arg5: memref<20480x128xf32, #tpu.memory_space<hbm>>, %arg6: memref<6x80xi32, #tpu.memory_space<vmem>>, %arg7: memref<6x80xi32, #tpu.memory_space<vmem>>, %arg8: memref<4x80x128xf32, #tpu.memory_space<vmem>>, %arg9: memref<!tpu.dma_semaphore, #tpu.memory_space<semaphore_mem>>, %arg10: memref<!tpu.dma_semaphore, #tpu.memory_space<semaphore_mem>>, %arg11: memref<!tpu.dma_semaphore, #tpu.memory_space<semaphore_mem>>, %arg12: memref<10240x128xf32, #tpu.memory_space<vmem_shared>>) attributes {dimension_semantics = [#tpu.dimension_semantics<core_parallel>, #tpu.dimension_semantics<subcore_parallel>], iteration_bounds = array<i64: 2, 16>, scalar_prefetch = 0 : i64, scratch_operands = 7 : i64, tpu.core_type = #tpu.core_type<sc_vector_subcore>, window_params = [{transform_indices = #map}, {transform_indices = #map1}, {transform_indices = #map1}, {transform_indices = #map}]} {
    %mul3A = arith.constant 16 : i32
    %mul3A_0 = arith.muli %arg0, %mul3A : i32
    %add3A = arith.addi %mul3A_0, %arg1 : i32
    %mul3A_1 = arith.constant 640 : i32
    %mul3A_2 = arith.muli %arg1, %mul3A_1 : i32
    %broadcast_in_dim3A = arith.constant 0.000000e+00 : f32
    %broadcast_in_dim3A_3 = vector.broadcast %broadcast_in_dim3A : f32 to vector<16xf32>
    %scan3A = arith.constant 0 : i32
    %scan3A_4 = arith.constant 0 : i32
    %scan3A_5 = arith.constant 80 : i32
    %scan3A_6 = arith.addi %scan3A_4, %scan3A_5 : i32
    %scan3A_7 = arith.constant 1 : i32
    scf.for %scan3A_253 = %scan3A_4 to %scan3A_6 step %scan3A_7  : i32 {
      %swap3A = arith.constant 0 : i32
      %swap3A_254 = arith.index_cast %swap3A : i32 to index
      %swap3A_255 = arith.index_cast %scan3A_253 : i32 to index
      %swap3A_256 = arith.constant 0 : index
      %swap3A_257 = tpu.vector_load %arg8[%swap3A_254, %swap3A_255, %swap3A_256] {strides = array<i32>} : memref<4x80x128xf32, #tpu.memory_space<vmem>>, vector<1x1x16xf32>,
      %swap3A_258 = vector.shape_cast %swap3A_257 : vector<1x1x16xf32> to vector<16xf32>
      %swap3A_259 = vector.shape_cast %broadcast_in_dim3A_3 : vector<16xf32> to vector<1x1x16xf32>
      tpu.vector_store %arg8[%swap3A_254, %swap3A_255, %swap3A_256], %swap3A_259 {strides = array<i32>} : memref<4x80x128xf32, #tpu.memory_space<vmem>>, vector<1x1x16xf32>,
      %swap3A_260 = arith.constant 0 : i32
      %swap3A_261 = arith.index_cast %swap3A_260 : i32 to index
      %swap3A_262 = arith.index_cast %scan3A_253 : i32 to index
      %swap3A_263 = arith.constant 16 : index
      %swap3A_264 = tpu.vector_load %arg8[%swap3A_261, %swap3A_262, %swap3A_263] {strides = array<i32>} : memref<4x80x128xf32, #tpu.memory_space<vmem>>, vector<1x1x16xf32>,
      %swap3A_265 = vector.shape_cast %swap3A_264 : vector<1x1x16xf32> to vector<16xf32>
      %swap3A_266 = vector.shape_cast %broadcast_in_dim3A_3 : vector<16xf32> to vector<1x1x16xf32>
      tpu.vector_store %arg8[%swap3A_261, %swap3A_262, %swap3A_263], %swap3A_266 {strides = array<i32>} : memref<4x80x128xf32, #tpu.memory_space<vmem>>, vector<1x1x16xf32>,
      %swap3A_267 = arith.constant 0 : i32
      %swap3A_268 = arith.index_cast %swap3A_267 : i32 to index
      %swap3A_269 = arith.index_cast %scan3A_253 : i32 to index
      %swap3A_270 = arith.constant 32 : index
      %swap3A_271 = tpu.vector_load %arg8[%swap3A_268, %swap3A_269, %swap3A_270] {strides = array<i32>} : memref<4x80x128xf32, #tpu.memory_space<vmem>>, vector<1x1x16xf32>,
      %swap3A_272 = vector.shape_cast %swap3A_271 : vector<1x1x16xf32> to vector<16xf32>
      %swap3A_273 = vector.shape_cast %broadcast_in_dim3A_3 : vector<16xf32> to vector<1x1x16xf32>
      tpu.vector_store %arg8[%swap3A_268, %swap3A_269, %swap3A_270], %swap3A_273 {strides = array<i32>} : memref<4x80x128xf32, #tpu.memory_space<vmem>>, vector<1x1x16xf32>,
      %swap3A_274 = arith.constant 0 : i32
      %swap3A_275 = arith.index_cast %swap3A_274 : i32 to index
      %swap3A_276 = arith.index_cast %scan3A_253 : i32 to index
      %swap3A_277 = arith.constant 48 : index
      %swap3A_278 = tpu.vector_load %arg8[%swap3A_275, %swap3A_276, %swap3A_277] {strides = array<i32>} : memref<4x80x128xf32, #tpu.memory_space<vmem>>, vector<1x1x16xf32>,
      %swap3A_279 = vector.shape_cast %swap3A_278 : vector<1x1x16xf32> to vector<16xf32>
      %swap3A_280 = vector.shape_cast %broadcast_in_dim3A_3 : vector<16xf32> to vector<1x1x16xf32>
      tpu.vector_store %arg8[%swap3A_275, %swap3A_276, %swap3A_277], %swap3A_280 {strides = array<i32>} : memref<4x80x128xf32, #tpu.memory_space<vmem>>, vector<1x1x16xf32>,
      %swap3A_281 = arith.constant 0 : i32
      %swap3A_282 = arith.index_cast %swap3A_281 : i32 to index
      %swap3A_283 = arith.index_cast %scan3A_253 : i32 to index
      %swap3A_284 = arith.constant 64 : index
      %swap3A_285 = tpu.vector_load %arg8[%swap3A_282, %swap3A_283, %swap3A_284] {strides = array<i32>} : memref<4x80x128xf32, #tpu.memory_space<vmem>>, vector<1x1x16xf32>,
      %swap3A_286 = vector.shape_cast %swap3A_285 : vector<1x1x16xf32> to vector<16xf32>
      %swap3A_287 = vector.shape_cast %broadcast_in_dim3A_3 : vector<16xf32> to vector<1x1x16xf32>
      tpu.vector_store %arg8[%swap3A_282, %swap3A_283, %swap3A_284], %swap3A_287 {strides = array<i32>} : memref<4x80x128xf32, #tpu.memory_space<vmem>>, vector<1x1x16xf32>,
      %swap3A_288 = arith.constant 0 : i32
      %swap3A_289 = arith.index_cast %swap3A_288 : i32 to index
      %swap3A_290 = arith.index_cast %scan3A_253 : i32 to index
      %swap3A_291 = arith.constant 80 : index
      %swap3A_292 = tpu.vector_load %arg8[%swap3A_289, %swap3A_290, %swap3A_291] {strides = array<i32>} : memref<4x80x128xf32, #tpu.memory_space<vmem>>, vector<1x1x16xf32>,
      %swap3A_293 = vector.shape_cast %swap3A_292 : vector<1x1x16xf32> to vector<16xf32>
      %swap3A_294 = vector.shape_cast %broadcast_in_dim3A_3 : vector<16xf32> to vector<1x1x16xf32>
      tpu.vector_store %arg8[%swap3A_289, %swap3A_290, %swap3A_291], %swap3A_294 {strides = array<i32>} : memref<4x80x128xf32, #tpu.memory_space<vmem>>, vector<1x1x16xf32>,
      %swap3A_295 = arith.constant 0 : i32
      %swap3A_296 = arith.index_cast %swap3A_295 : i32 to index
      %swap3A_297 = arith.index_cast %scan3A_253 : i32 to index
      %swap3A_298 = arith.constant 96 : index
      %swap3A_299 = tpu.vector_load %arg8[%swap3A_296, %swap3A_297, %swap3A_298] {strides = array<i32>} : memref<4x80x128xf32, #tpu.memory_space<vmem>>, vector<1x1x16xf32>,
      %swap3A_300 = vector.shape_cast %swap3A_299 : vector<1x1x16xf32> to vector<16xf32>
      %swap3A_301 = vector.shape_cast %broadcast_in_dim3A_3 : vector<16xf32> to vector<1x1x16xf32>
      tpu.vector_store %arg8[%swap3A_296, %swap3A_297, %swap3A_298], %swap3A_301 {strides = array<i32>} : memref<4x80x128xf32, #tpu.memory_space<vmem>>, vector<1x1x16xf32>,
      %swap3A_302 = arith.constant 0 : i32
      %swap3A_303 = arith.index_cast %swap3A_302 : i32 to index
      %swap3A_304 = arith.index_cast %scan3A_253 : i32 to index
      %swap3A_305 = arith.constant 112 : index
      %swap3A_306 = tpu.vector_load %arg8[%swap3A_303, %swap3A_304, %swap3A_305] {strides = array<i32>} : memref<4x80x128xf32, #tpu.memory_space<vmem>>, vector<1x1x16xf32>,
      %swap3A_307 = vector.shape_cast %swap3A_306 : vector<1x1x16xf32> to vector<16xf32>
      %swap3A_308 = vector.shape_cast %broadcast_in_dim3A_3 : vector<16xf32> to vector<1x1x16xf32>
      tpu.vector_store %arg8[%swap3A_303, %swap3A_304, %swap3A_305], %swap3A_308 {strides = array<i32>} : memref<4x80x128xf32, #tpu.memory_space<vmem>>, vector<1x1x16xf32>,
    }
    %scan3A_8 = arith.constant 80 : i32
    %mul3A_9 = arith.constant 640 : i32
    %mul3A_10 = arith.muli %arg1, %mul3A_9 : i32
    %add3A_11 = arith.constant 0 : i32
    %add3A_12 = arith.addi %mul3A_10, %add3A_11 : i32
    %run_scoped3A = arith.constant 0 : i32
    "tpu.region"() ({
      %run_scoped3A_253 = tpu.sem_alloc : memref<!tpu.dma_semaphore, #tpu.memory_space<semaphore_mem>>
      %dma_start3A_254 = arith.constant 0 : i32
      %dma_start3A_255 = arith.constant 0 : i32
      %dma_start3A_256 = tpu.memref_slice %arg8[%run_scoped3A, %dma_start3A_254, %dma_start3A_255] : memref<4x80x128xf32, #tpu.memory_space<vmem>> -> memref<1x80x128xf32, #tpu.memory_space<vmem>>
      %dma_start3A_257 = tpu.memref_squeeze %dma_start3A_256 : memref<1x80x128xf32, #tpu.memory_space<vmem>> -> memref<80x128xf32, #tpu.memory_space<vmem>>
      %dma_start3A_258 = arith.constant 0 : i32
      %dma_start3A_259 = tpu.memref_slice %arg12[%add3A_12, %dma_start3A_258] : memref<10240x128xf32, #tpu.memory_space<vmem_shared>> -> memref<80x128xf32, #tpu.memory_space<vmem_shared>>
      %dma_start3A_260 = arith.constant 0 : i32
      %dma_start3A_261 = tpu.memref_slice %arg12[%add3A_12, %dma_start3A_260] : memref<10240x128xf32, #tpu.memory_space<vmem_shared>> -> memref<80x128xf32, #tpu.memory_space<vmem_shared>>
      %dma_start3A_262 = arith.constant 0 : i32
      %dma_start3A_263 = arith.constant 0 : i32
      %dma_start3A_264 = tpu.memref_slice %arg8[%run_scoped3A, %dma_start3A_262, %dma_start3A_263] : memref<4x80x128xf32, #tpu.memory_space<vmem>> -> memref<1x80x128xf32, #tpu.memory_space<vmem>>
      %dma_start3A_265 = tpu.memref_squeeze %dma_start3A_264 : memref<1x80x128xf32, #tpu.memory_space<vmem>> -> memref<80x128xf32, #tpu.memory_space<vmem>>
      tpu.enqueue_dma source(%dma_start3A_265 : memref<80x128xf32, #tpu.memory_space<vmem>>) target(%dma_start3A_261 : memref<80x128xf32, #tpu.memory_space<vmem_shared>>) target_semaphore(%run_scoped3A_253 : memref<!tpu.dma_semaphore, #tpu.memory_space<semaphore_mem>>)
      %dma_wait3A_266 = arith.constant 0 : i32
      %dma_wait3A_267 = arith.constant 0 : i32
      %dma_wait3A_268 = tpu.memref_slice %arg8[%run_scoped3A, %dma_wait3A_266, %dma_wait3A_267] : memref<4x80x128xf32, #tpu.memory_space<vmem>> -> memref<1x80x128xf32, #tpu.memory_space<vmem>>
      %dma_wait3A_269 = tpu.memref_squeeze %dma_wait3A_268 : memref<1x80x128xf32, #tpu.memory_space<vmem>> -> memref<80x128xf32, #tpu.memory_space<vmem>>
      %dma_wait3A_270 = arith.constant 0 : i32
      %dma_wait3A_271 = tpu.memref_slice %arg12[%add3A_12, %dma_wait3A_270] : memref<10240x128xf32, #tpu.memory_space<vmem_shared>> -> memref<80x128xf32, #tpu.memory_space<vmem_shared>>
      %dma_wait3A_272 = arith.constant 0 : i32
      %dma_wait3A_273 = tpu.memref_slice %arg12[%add3A_12, %dma_wait3A_272] : memref<10240x128xf32, #tpu.memory_space<vmem_shared>> -> memref<80x128xf32, #tpu.memory_space<vmem_shared>>
      %dma_wait3A_274 = arith.constant 0 : i32
      %dma_wait3A_275 = arith.constant 0 : i32
      %dma_wait3A_276 = tpu.memref_slice %arg8[%run_scoped3A, %dma_wait3A_274, %dma_wait3A_275] : memref<4x80x128xf32, #tpu.memory_space<vmem>> -> memref<1x80x128xf32, #tpu.memory_space<vmem>>
      %dma_wait3A_277 = tpu.memref_squeeze %dma_wait3A_276 : memref<1x80x128xf32, #tpu.memory_space<vmem>> -> memref<80x128xf32, #tpu.memory_space<vmem>>
      tpu.wait_dma2 semaphore(%run_scoped3A_253 : memref<!tpu.dma_semaphore, #tpu.memory_space<semaphore_mem>>) src(%dma_wait3A_277 : memref<80x128xf32, #tpu.memory_space<vmem>>) dst(%dma_wait3A_273 : memref<80x128xf32, #tpu.memory_space<vmem_shared>>)
      tpu.yield
    }) : () -> ()
    %mul3A_13 = arith.constant 640 : i32
    %mul3A_14 = arith.muli %arg1, %mul3A_13 : i32
    %add3A_15 = arith.constant 80 : i32
    %add3A_16 = arith.addi %mul3A_14, %add3A_15 : i32
    %run_scoped3A_17 = arith.constant 0 : i32
    "tpu.region"() ({
      %run_scoped3A_253 = tpu.sem_alloc : memref<!tpu.dma_semaphore, #tpu.memory_space<semaphore_mem>>
      %dma_start3A_254 = arith.constant 0 : i32
      %dma_start3A_255 = arith.constant 0 : i32
      %dma_start3A_256 = tpu.memref_slice %arg8[%run_scoped3A_17, %dma_start3A_254, %dma_start3A_255] : memref<4x80x128xf32, #tpu.memory_space<vmem>> -> memref<1x80x128xf32, #tpu.memory_space<vmem>>
      %dma_start3A_257 = tpu.memref_squeeze %dma_start3A_256 : memref<1x80x128xf32, #tpu.memory_space<vmem>> -> memref<80x128xf32, #tpu.memory_space<vmem>>
      %dma_start3A_258 = arith.constant 0 : i32
      %dma_start3A_259 = tpu.memref_slice %arg12[%add3A_16, %dma_start3A_258] : memref<10240x128xf32, #tpu.memory_space<vmem_shared>> -> memref<80x128xf32, #tpu.memory_space<vmem_shared>>
      %dma_start3A_260 = arith.constant 0 : i32
      %dma_start3A_261 = tpu.memref_slice %arg12[%add3A_16, %dma_start3A_260] : memref<10240x128xf32, #tpu.memory_space<vmem_shared>> -> memref<80x128xf32, #tpu.memory_space<vmem_shared>>
      %dma_start3A_262 = arith.constant 0 : i32
      %dma_start3A_263 = arith.constant 0 : i32
      %dma_start3A_264 = tpu.memref_slice %arg8[%run_scoped3A_17, %dma_start3A_262, %dma_start3A_263] : memref<4x80x128xf32, #tpu.memory_space<vmem>> -> memref<1x80x128xf32, #tpu.memory_space<vmem>>
      %dma_start3A_265 = tpu.memref_squeeze %dma_start3A_264 : memref<1x80x128xf32, #tpu.memory_space<vmem>> -> memref<80x128xf32, #tpu.memory_space<vmem>>
      tpu.enqueue_dma source(%dma_start3A_265 : memref<80x128xf32, #tpu.memory_space<vmem>>) target(%dma_start3A_261 : memref<80x128xf32, #tpu.memory_space<vmem_shared>>) target_semaphore(%run_scoped3A_253 : memref<!tpu.dma_semaphore, #tpu.memory_space<semaphore_mem>>)
      %dma_wait3A_266 = arith.constant 0 : i32
      %dma_wait3A_267 = arith.constant 0 : i32
      %dma_wait3A_268 = tpu.memref_slice %arg8[%run_scoped3A_17, %dma_wait3A_266, %dma_wait3A_267] : memref<4x80x128xf32, #tpu.memory_space<vmem>> -> memref<1x80x128xf32, #tpu.memory_space<vmem>>
      %dma_wait3A_269 = tpu.memref_squeeze %dma_wait3A_268 : memref<1x80x128xf32, #tpu.memory_space<vmem>> -> memref<80x128xf32, #tpu.memory_space<vmem>>
      %dma_wait3A_270 = arith.constant 0 : i32
      %dma_wait3A_271 = tpu.memref_slice %arg12[%add3A_16, %dma_wait3A_270] : memref<10240x128xf32, #tpu.memory_space<vmem_shared>> -> memref<80x128xf32, #tpu.memory_space<vmem_shared>>
      %dma_wait3A_272 = arith.constant 0 : i32
      %dma_wait3A_273 = tpu.memref_slice %arg12[%add3A_16, %dma_wait3A_272] : memref<10240x128xf32, #tpu.memory_space<vmem_shared>> -> memref<80x128xf32, #tpu.memory_space<vmem_shared>>
      %dma_wait3A_274 = arith.constant 0 : i32
      %dma_wait3A_275 = arith.constant 0 : i32
      %dma_wait3A_276 = tpu.memref_slice %arg8[%run_scoped3A_17, %dma_wait3A_274, %dma_wait3A_275] : memref<4x80x128xf32, #tpu.memory_space<vmem>> -> memref<1x80x128xf32, #tpu.memory_space<vmem>>
      %dma_wait3A_277 = tpu.memref_squeeze %dma_wait3A_276 : memref<1x80x128xf32, #tpu.memory_space<vmem>> -> memref<80x128xf32, #tpu.memory_space<vmem>>
      tpu.wait_dma2 semaphore(%run_scoped3A_253 : memref<!tpu.dma_semaphore, #tpu.memory_space<semaphore_mem>>) src(%dma_wait3A_277 : memref<80x128xf32, #tpu.memory_space<vmem>>) dst(%dma_wait3A_273 : memref<80x128xf32, #tpu.memory_space<vmem_shared>>)
      tpu.yield
    }) : () -> ()
    %mul3A_18 = arith.constant 640 : i32
    %mul3A_19 = arith.muli %arg1, %mul3A_18 : i32
    %add3A_20 = arith.constant 160 : i32
    %add3A_21 = arith.addi %mul3A_19, %add3A_20 : i32
    %run_scoped3A_22 = arith.constant 0 : i32
    "tpu.region"() ({
      %run_scoped3A_253 = tpu.sem_alloc : memref<!tpu.dma_semaphore, #tpu.memory_space<semaphore_mem>>
      %dma_start3A_254 = arith.constant 0 : i32
      %dma_start3A_255 = arith.constant 0 : i32
      %dma_start3A_256 = tpu.memref_slice %arg8[%run_scoped3A_22, %dma_start3A_254, %dma_start3A_255] : memref<4x80x128xf32, #tpu.memory_space<vmem>> -> memref<1x80x128xf32, #tpu.memory_space<vmem>>
      %dma_start3A_257 = tpu.memref_squeeze %dma_start3A_256 : memref<1x80x128xf32, #tpu.memory_space<vmem>> -> memref<80x128xf32, #tpu.memory_space<vmem>>
      %dma_start3A_258 = arith.constant 0 : i32
      %dma_start3A_259 = tpu.memref_slice %arg12[%add3A_21, %dma_start3A_258] : memref<10240x128xf32, #tpu.memory_space<vmem_shared>> -> memref<80x128xf32, #tpu.memory_space<vmem_shared>>
      %dma_start3A_260 = arith.constant 0 : i32
      %dma_start3A_261 = tpu.memref_slice %arg12[%add3A_21, %dma_start3A_260] : memref<10240x128xf32, #tpu.memory_space<vmem_shared>> -> memref<80x128xf32, #tpu.memory_space<vmem_shared>>
      %dma_start3A_262 = arith.constant 0 : i32
      %dma_start3A_263 = arith.constant 0 : i32
      %dma_start3A_264 = tpu.memref_slice %arg8[%run_scoped3A_22, %dma_start3A_262, %dma_start3A_263] : memref<4x80x128xf32, #tpu.memory_space<vmem>> -> memref<1x80x128xf32, #tpu.memory_space<vmem>>
      %dma_start3A_265 = tpu.memref_squeeze %dma_start3A_264 : memref<1x80x128xf32, #tpu.memory_space<vmem>> -> memref<80x128xf32, #tpu.memory_space<vmem>>
      tpu.enqueue_dma source(%dma_start3A_265 : memref<80x128xf32, #tpu.memory_space<vmem>>) target(%dma_start3A_261 : memref<80x128xf32, #tpu.memory_space<vmem_shared>>) target_semaphore(%run_scoped3A_253 : memref<!tpu.dma_semaphore, #tpu.memory_space<semaphore_mem>>)
      %dma_wait3A_266 = arith.constant 0 : i32
      %dma_wait3A_267 = arith.constant 0 : i32
      %dma_wait3A_268 = tpu.memref_slice %arg8[%run_scoped3A_22, %dma_wait3A_266, %dma_wait3A_267] : memref<4x80x128xf32, #tpu.memory_space<vmem>> -> memref<1x80x128xf32, #tpu.memory_space<vmem>>
      %dma_wait3A_269 = tpu.memref_squeeze %dma_wait3A_268 : memref<1x80x128xf32, #tpu.memory_space<vmem>> -> memref<80x128xf32, #tpu.memory_space<vmem>>
      %dma_wait3A_270 = arith.constant 0 : i32
      %dma_wait3A_271 = tpu.memref_slice %arg12[%add3A_21, %dma_wait3A_270] : memref<10240x128xf32, #tpu.memory_space<vmem_shared>> -> memref<80x128xf32, #tpu.memory_space<vmem_shared>>
      %dma_wait3A_272 = arith.constant 0 : i32
      %dma_wait3A_273 = tpu.memref_slice %arg12[%add3A_21, %dma_wait3A_272] : memref<10240x128xf32, #tpu.memory_space<vmem_shared>> -> memref<80x128xf32, #tpu.memory_space<vmem_shared>>
      %dma_wait3A_274 = arith.constant 0 : i32
      %dma_wait3A_275 = arith.constant 0 : i32
      %dma_wait3A_276 = tpu.memref_slice %arg8[%run_scoped3A_22, %dma_wait3A_274, %dma_wait3A_275] : memref<4x80x128xf32, #tpu.memory_space<vmem>> -> memref<1x80x128xf32, #tpu.memory_space<vmem>>
      %dma_wait3A_277 = tpu.memref_squeeze %dma_wait3A_276 : memref<1x80x128xf32, #tpu.memory_space<vmem>> -> memref<80x128xf32, #tpu.memory_space<vmem>>
      tpu.wait_dma2 semaphore(%run_scoped3A_253 : memref<!tpu.dma_semaphore, #tpu.memory_space<semaphore_mem>>) src(%dma_wait3A_277 : memref<80x128xf32, #tpu.memory_space<vmem>>) dst(%dma_wait3A_273 : memref<80x128xf32, #tpu.memory_space<vmem_shared>>)
      tpu.yield
    }) : () -> ()
    %mul3A_23 = arith.constant 640 : i32
    %mul3A_24 = arith.muli %arg1, %mul3A_23 : i32
    %add3A_25 = arith.constant 240 : i32
    %add3A_26 = arith.addi %mul3A_24, %add3A_25 : i32
    %run_scoped3A_27 = arith.constant 0 : i32
    "tpu.region"() ({
      %run_scoped3A_253 = tpu.sem_alloc : memref<!tpu.dma_semaphore, #tpu.memory_space<semaphore_mem>>
      %dma_start3A_254 = arith.constant 0 : i32
      %dma_start3A_255 = arith.constant 0 : i32
      %dma_start3A_256 = tpu.memref_slice %arg8[%run_scoped3A_27, %dma_start3A_254, %dma_start3A_255] : memref<4x80x128xf32, #tpu.memory_space<vmem>> -> memref<1x80x128xf32, #tpu.memory_space<vmem>>
      %dma_start3A_257 = tpu.memref_squeeze %dma_start3A_256 : memref<1x80x128xf32, #tpu.memory_space<vmem>> -> memref<80x128xf32, #tpu.memory_space<vmem>>
      %dma_start3A_258 = arith.constant 0 : i32
      %dma_start3A_259 = tpu.memref_slice %arg12[%add3A_26, %dma_start3A_258] : memref<10240x128xf32, #tpu.memory_space<vmem_shared>> -> memref<80x128xf32, #tpu.memory_space<vmem_shared>>
      %dma_start3A_260 = arith.constant 0 : i32
      %dma_start3A_261 = tpu.memref_slice %arg12[%add3A_26, %dma_start3A_260] : memref<10240x128xf32, #tpu.memory_space<vmem_shared>> -> memref<80x128xf32, #tpu.memory_space<vmem_shared>>
      %dma_start3A_262 = arith.constant 0 : i32
      %dma_start3A_263 = arith.constant 0 : i32
      %dma_start3A_264 = tpu.memref_slice %arg8[%run_scoped3A_27, %dma_start3A_262, %dma_start3A_263] : memref<4x80x128xf32, #tpu.memory_space<vmem>> -> memref<1x80x128xf32, #tpu.memory_space<vmem>>
      %dma_start3A_265 = tpu.memref_squeeze %dma_start3A_264 : memref<1x80x128xf32, #tpu.memory_space<vmem>> -> memref<80x128xf32, #tpu.memory_space<vmem>>
      tpu.enqueue_dma source(%dma_start3A_265 : memref<80x128xf32, #tpu.memory_space<vmem>>) target(%dma_start3A_261 : memref<80x128xf32, #tpu.memory_space<vmem_shared>>) target_semaphore(%run_scoped3A_253 : memref<!tpu.dma_semaphore, #tpu.memory_space<semaphore_mem>>)
      %dma_wait3A_266 = arith.constant 0 : i32
      %dma_wait3A_267 = arith.constant 0 : i32
      %dma_wait3A_268 = tpu.memref_slice %arg8[%run_scoped3A_27, %dma_wait3A_266, %dma_wait3A_267] : memref<4x80x128xf32, #tpu.memory_space<vmem>> -> memref<1x80x128xf32, #tpu.memory_space<vmem>>
      %dma_wait3A_269 = tpu.memref_squeeze %dma_wait3A_268 : memref<1x80x128xf32, #tpu.memory_space<vmem>> -> memref<80x128xf32, #tpu.memory_space<vmem>>
      %dma_wait3A_270 = arith.constant 0 : i32
      %dma_wait3A_271 = tpu.memref_slice %arg12[%add3A_26, %dma_wait3A_270] : memref<10240x128xf32, #tpu.memory_space<vmem_shared>> -> memref<80x128xf32, #tpu.memory_space<vmem_shared>>
      %dma_wait3A_272 = arith.constant 0 : i32
      %dma_wait3A_273 = tpu.memref_slice %arg12[%add3A_26, %dma_wait3A_272] : memref<10240x128xf32, #tpu.memory_space<vmem_shared>> -> memref<80x128xf32, #tpu.memory_space<vmem_shared>>
      %dma_wait3A_274 = arith.constant 0 : i32
      %dma_wait3A_275 = arith.constant 0 : i32
      %dma_wait3A_276 = tpu.memref_slice %arg8[%run_scoped3A_27, %dma_wait3A_274, %dma_wait3A_275] : memref<4x80x128xf32, #tpu.memory_space<vmem>> -> memref<1x80x128xf32, #tpu.memory_space<vmem>>
      %dma_wait3A_277 = tpu.memref_squeeze %dma_wait3A_276 : memref<1x80x128xf32, #tpu.memory_space<vmem>> -> memref<80x128xf32, #tpu.memory_space<vmem>>
      tpu.wait_dma2 semaphore(%run_scoped3A_253 : memref<!tpu.dma_semaphore, #tpu.memory_space<semaphore_mem>>) src(%dma_wait3A_277 : memref<80x128xf32, #tpu.memory_space<vmem>>) dst(%dma_wait3A_273 : memref<80x128xf32, #tpu.memory_space<vmem_shared>>)
      tpu.yield
    }) : () -> ()
    %mul3A_28 = arith.constant 640 : i32
    %mul3A_29 = arith.muli %arg1, %mul3A_28 : i32
    %add3A_30 = arith.constant 320 : i32
    %add3A_31 = arith.addi %mul3A_29, %add3A_30 : i32
    %run_scoped3A_32 = arith.constant 0 : i32
    "tpu.region"() ({
      %run_scoped3A_253 = tpu.sem_alloc : memref<!tpu.dma_semaphore, #tpu.memory_space<semaphore_mem>>
      %dma_start3A_254 = arith.constant 0 : i32
      %dma_start3A_255 = arith.constant 0 : i32
      %dma_start3A_256 = tpu.memref_slice %arg8[%run_scoped3A_32, %dma_start3A_254, %dma_start3A_255] : memref<4x80x128xf32, #tpu.memory_space<vmem>> -> memref<1x80x128xf32, #tpu.memory_space<vmem>>
      %dma_start3A_257 = tpu.memref_squeeze %dma_start3A_256 : memref<1x80x128xf32, #tpu.memory_space<vmem>> -> memref<80x128xf32, #tpu.memory_space<vmem>>
      %dma_start3A_258 = arith.constant 0 : i32
      %dma_start3A_259 = tpu.memref_slice %arg12[%add3A_31, %dma_start3A_258] : memref<10240x128xf32, #tpu.memory_space<vmem_shared>> -> memref<80x128xf32, #tpu.memory_space<vmem_shared>>
      %dma_start3A_260 = arith.constant 0 : i32
      %dma_start3A_261 = tpu.memref_slice %arg12[%add3A_31, %dma_start3A_260] : memref<10240x128xf32, #tpu.memory_space<vmem_shared>> -> memref<80x128xf32, #tpu.memory_space<vmem_shared>>
      %dma_start3A_262 = arith.constant 0 : i32
      %dma_start3A_263 = arith.constant 0 : i32
      %dma_start3A_264 = tpu.memref_slice %arg8[%run_scoped3A_32, %dma_start3A_262, %dma_start3A_263] : memref<4x80x128xf32, #tpu.memory_space<vmem>> -> memref<1x80x128xf32, #tpu.memory_space<vmem>>
      %dma_start3A_265 = tpu.memref_squeeze %dma_start3A_264 : memref<1x80x128xf32, #tpu.memory_space<vmem>> -> memref<80x128xf32, #tpu.memory_space<vmem>>
      tpu.enqueue_dma source(%dma_start3A_265 : memref<80x128xf32, #tpu.memory_space<vmem>>) target(%dma_start3A_261 : memref<80x128xf32, #tpu.memory_space<vmem_shared>>) target_semaphore(%run_scoped3A_253 : memref<!tpu.dma_semaphore, #tpu.memory_space<semaphore_mem>>)
      %dma_wait3A_266 = arith.constant 0 : i32
      %dma_wait3A_267 = arith.constant 0 : i32
      %dma_wait3A_268 = tpu.memref_slice %arg8[%run_scoped3A_32, %dma_wait3A_266, %dma_wait3A_267] : memref<4x80x128xf32, #tpu.memory_space<vmem>> -> memref<1x80x128xf32, #tpu.memory_space<vmem>>
      %dma_wait3A_269 = tpu.memref_squeeze %dma_wait3A_268 : memref<1x80x128xf32, #tpu.memory_space<vmem>> -> memref<80x128xf32, #tpu.memory_space<vmem>>
      %dma_wait3A_270 = arith.constant 0 : i32
      %dma_wait3A_271 = tpu.memref_slice %arg12[%add3A_31, %dma_wait3A_270] : memref<10240x128xf32, #tpu.memory_space<vmem_shared>> -> memref<80x128xf32, #tpu.memory_space<vmem_shared>>
      %dma_wait3A_272 = arith.constant 0 : i32
      %dma_wait3A_273 = tpu.memref_slice %arg12[%add3A_31, %dma_wait3A_272] : memref<10240x128xf32, #tpu.memory_space<vmem_shared>> -> memref<80x128xf32, #tpu.memory_space<vmem_shared>>
      %dma_wait3A_274 = arith.constant 0 : i32
      %dma_wait3A_275 = arith.constant 0 : i32
      %dma_wait3A_276 = tpu.memref_slice %arg8[%run_scoped3A_32, %dma_wait3A_274, %dma_wait3A_275] : memref<4x80x128xf32, #tpu.memory_space<vmem>> -> memref<1x80x128xf32, #tpu.memory_space<vmem>>
      %dma_wait3A_277 = tpu.memref_squeeze %dma_wait3A_276 : memref<1x80x128xf32, #tpu.memory_space<vmem>> -> memref<80x128xf32, #tpu.memory_space<vmem>>
      tpu.wait_dma2 semaphore(%run_scoped3A_253 : memref<!tpu.dma_semaphore, #tpu.memory_space<semaphore_mem>>) src(%dma_wait3A_277 : memref<80x128xf32, #tpu.memory_space<vmem>>) dst(%dma_wait3A_273 : memref<80x128xf32, #tpu.memory_space<vmem_shared>>)
      tpu.yield
    }) : () -> ()
    %mul3A_33 = arith.constant 640 : i32
    %mul3A_34 = arith.muli %arg1, %mul3A_33 : i32
    %add3A_35 = arith.constant 400 : i32
    %add3A_36 = arith.addi %mul3A_34, %add3A_35 : i32
    %run_scoped3A_37 = arith.constant 0 : i32
    "tpu.region"() ({
      %run_scoped3A_253 = tpu.sem_alloc : memref<!tpu.dma_semaphore, #tpu.memory_space<semaphore_mem>>
      %dma_start3A_254 = arith.constant 0 : i32
      %dma_start3A_255 = arith.constant 0 : i32
      %dma_start3A_256 = tpu.memref_slice %arg8[%run_scoped3A_37, %dma_start3A_254, %dma_start3A_255] : memref<4x80x128xf32, #tpu.memory_space<vmem>> -> memref<1x80x128xf32, #tpu.memory_space<vmem>>
      %dma_start3A_257 = tpu.memref_squeeze %dma_start3A_256 : memref<1x80x128xf32, #tpu.memory_space<vmem>> -> memref<80x128xf32, #tpu.memory_space<vmem>>
      %dma_start3A_258 = arith.constant 0 : i32
      %dma_start3A_259 = tpu.memref_slice %arg12[%add3A_36, %dma_start3A_258] : memref<10240x128xf32, #tpu.memory_space<vmem_shared>> -> memref<80x128xf32, #tpu.memory_space<vmem_shared>>
      %dma_start3A_260 = arith.constant 0 : i32
      %dma_start3A_261 = tpu.memref_slice %arg12[%add3A_36, %dma_start3A_260] : memref<10240x128xf32, #tpu.memory_space<vmem_shared>> -> memref<80x128xf32, #tpu.memory_space<vmem_shared>>
      %dma_start3A_262 = arith.constant 0 : i32
      %dma_start3A_263 = arith.constant 0 : i32
      %dma_start3A_264 = tpu.memref_slice %arg8[%run_scoped3A_37, %dma_start3A_262, %dma_start3A_263] : memref<4x80x128xf32, #tpu.memory_space<vmem>> -> memref<1x80x128xf32, #tpu.memory_space<vmem>>
      %dma_start3A_265 = tpu.memref_squeeze %dma_start3A_264 : memref<1x80x128xf32, #tpu.memory_space<vmem>> -> memref<80x128xf32, #tpu.memory_space<vmem>>
      tpu.enqueue_dma source(%dma_start3A_265 : memref<80x128xf32, #tpu.memory_space<vmem>>) target(%dma_start3A_261 : memref<80x128xf32, #tpu.memory_space<vmem_shared>>) target_semaphore(%run_scoped3A_253 : memref<!tpu.dma_semaphore, #tpu.memory_space<semaphore_mem>>)
      %dma_wait3A_266 = arith.constant 0 : i32
      %dma_wait3A_267 = arith.constant 0 : i32
      %dma_wait3A_268 = tpu.memref_slice %arg8[%run_scoped3A_37, %dma_wait3A_266, %dma_wait3A_267] : memref<4x80x128xf32, #tpu.memory_space<vmem>> -> memref<1x80x128xf32, #tpu.memory_space<vmem>>
      %dma_wait3A_269 = tpu.memref_squeeze %dma_wait3A_268 : memref<1x80x128xf32, #tpu.memory_space<vmem>> -> memref<80x128xf32, #tpu.memory_space<vmem>>
      %dma_wait3A_270 = arith.constant 0 : i32
      %dma_wait3A_271 = tpu.memref_slice %arg12[%add3A_36, %dma_wait3A_270] : memref<10240x128xf32, #tpu.memory_space<vmem_shared>> -> memref<80x128xf32, #tpu.memory_space<vmem_shared>>
      %dma_wait3A_272 = arith.constant 0 : i32
      %dma_wait3A_273 = tpu.memref_slice %arg12[%add3A_36, %dma_wait3A_272] : memref<10240x128xf32, #tpu.memory_space<vmem_shared>> -> memref<80x128xf32, #tpu.memory_space<vmem_shared>>
      %dma_wait3A_274 = arith.constant 0 : i32
      %dma_wait3A_275 = arith.constant 0 : i32
      %dma_wait3A_276 = tpu.memref_slice %arg8[%run_scoped3A_37, %dma_wait3A_274, %dma_wait3A_275] : memref<4x80x128xf32, #tpu.memory_space<vmem>> -> memref<1x80x128xf32, #tpu.memory_space<vmem>>
      %dma_wait3A_277 = tpu.memref_squeeze %dma_wait3A_276 : memref<1x80x128xf32, #tpu.memory_space<vmem>> -> memref<80x128xf32, #tpu.memory_space<vmem>>
      tpu.wait_dma2 semaphore(%run_scoped3A_253 : memref<!tpu.dma_semaphore, #tpu.memory_space<semaphore_mem>>) src(%dma_wait3A_277 : memref<80x128xf32, #tpu.memory_space<vmem>>) dst(%dma_wait3A_273 : memref<80x128xf32, #tpu.memory_space<vmem_shared>>)
      tpu.yield
    }) : () -> ()
    %mul3A_38 = arith.constant 640 : i32
    %mul3A_39 = arith.muli %arg1, %mul3A_38 : i32
    %add3A_40 = arith.constant 480 : i32
    %add3A_41 = arith.addi %mul3A_39, %add3A_40 : i32
    %run_scoped3A_42 = arith.constant 0 : i32
    "tpu.region"() ({
      %run_scoped3A_253 = tpu.sem_alloc : memref<!tpu.dma_semaphore, #tpu.memory_space<semaphore_mem>>
      %dma_start3A_254 = arith.constant 0 : i32
      %dma_start3A_255 = arith.constant 0 : i32
      %dma_start3A_256 = tpu.memref_slice %arg8[%run_scoped3A_42, %dma_start3A_254, %dma_start3A_255] : memref<4x80x128xf32, #tpu.memory_space<vmem>> -> memref<1x80x128xf32, #tpu.memory_space<vmem>>
      %dma_start3A_257 = tpu.memref_squeeze %dma_start3A_256 : memref<1x80x128xf32, #tpu.memory_space<vmem>> -> memref<80x128xf32, #tpu.memory_space<vmem>>
      %dma_start3A_258 = arith.constant 0 : i32
      %dma_start3A_259 = tpu.memref_slice %arg12[%add3A_41, %dma_start3A_258] : memref<10240x128xf32, #tpu.memory_space<vmem_shared>> -> memref<80x128xf32, #tpu.memory_space<vmem_shared>>
      %dma_start3A_260 = arith.constant 0 : i32
      %dma_start3A_261 = tpu.memref_slice %arg12[%add3A_41, %dma_start3A_260] : memref<10240x128xf32, #tpu.memory_space<vmem_shared>> -> memref<80x128xf32, #tpu.memory_space<vmem_shared>>
      %dma_start3A_262 = arith.constant 0 : i32
      %dma_start3A_263 = arith.constant 0 : i32
      %dma_start3A_264 = tpu.memref_slice %arg8[%run_scoped3A_42, %dma_start3A_262, %dma_start3A_263] : memref<4x80x128xf32, #tpu.memory_space<vmem>> -> memref<1x80x128xf32, #tpu.memory_space<vmem>>
      %dma_start3A_265 = tpu.memref_squeeze %dma_start3A_264 : memref<1x80x128xf32, #tpu.memory_space<vmem>> -> memref<80x128xf32, #tpu.memory_space<vmem>>
      tpu.enqueue_dma source(%dma_start3A_265 : memref<80x128xf32, #tpu.memory_space<vmem>>) target(%dma_start3A_261 : memref<80x128xf32, #tpu.memory_space<vmem_shared>>) target_semaphore(%run_scoped3A_253 : memref<!tpu.dma_semaphore, #tpu.memory_space<semaphore_mem>>)
      %dma_wait3A_266 = arith.constant 0 : i32
      %dma_wait3A_267 = arith.constant 0 : i32
      %dma_wait3A_268 = tpu.memref_slice %arg8[%run_scoped3A_42, %dma_wait3A_266, %dma_wait3A_267] : memref<4x80x128xf32, #tpu.memory_space<vmem>> -> memref<1x80x128xf32, #tpu.memory_space<vmem>>
      %dma_wait3A_269 = tpu.memref_squeeze %dma_wait3A_268 : memref<1x80x128xf32, #tpu.memory_space<vmem>> -> memref<80x128xf32, #tpu.memory_space<vmem>>
      %dma_wait3A_270 = arith.constant 0 : i32
      %dma_wait3A_271 = tpu.memref_slice %arg12[%add3A_41, %dma_wait3A_270] : memref<10240x128xf32, #tpu.memory_space<vmem_shared>> -> memref<80x128xf32, #tpu.memory_space<vmem_shared>>
      %dma_wait3A_272 = arith.constant 0 : i32
      %dma_wait3A_273 = tpu.memref_slice %arg12[%add3A_41, %dma_wait3A_272] : memref<10240x128xf32, #tpu.memory_space<vmem_shared>> -> memref<80x128xf32, #tpu.memory_space<vmem_shared>>
      %dma_wait3A_274 = arith.constant 0 : i32
      %dma_wait3A_275 = arith.constant 0 : i32
      %dma_wait3A_276 = tpu.memref_slice %arg8[%run_scoped3A_42, %dma_wait3A_274, %dma_wait3A_275] : memref<4x80x128xf32, #tpu.memory_space<vmem>> -> memref<1x80x128xf32, #tpu.memory_space<vmem>>
      %dma_wait3A_277 = tpu.memref_squeeze %dma_wait3A_276 : memref<1x80x128xf32, #tpu.memory_space<vmem>> -> memref<80x128xf32, #tpu.memory_space<vmem>>
      tpu.wait_dma2 semaphore(%run_scoped3A_253 : memref<!tpu.dma_semaphore, #tpu.memory_space<semaphore_mem>>) src(%dma_wait3A_277 : memref<80x128xf32, #tpu.memory_space<vmem>>) dst(%dma_wait3A_273 : memref<80x128xf32, #tpu.memory_space<vmem_shared>>)
      tpu.yield
    }) : () -> ()
    %mul3A_43 = arith.constant 640 : i32
    %mul3A_44 = arith.muli %arg1, %mul3A_43 : i32
    %add3A_45 = arith.constant 560 : i32
    %add3A_46 = arith.addi %mul3A_44, %add3A_45 : i32
    %run_scoped3A_47 = arith.constant 0 : i32
    "tpu.region"() ({
      %run_scoped3A_253 = tpu.sem_alloc : memref<!tpu.dma_semaphore, #tpu.memory_space<semaphore_mem>>
      %dma_start3A_254 = arith.constant 0 : i32
      %dma_start3A_255 = arith.constant 0 : i32
      %dma_start3A_256 = tpu.memref_slice %arg8[%run_scoped3A_47, %dma_start3A_254, %dma_start3A_255] : memref<4x80x128xf32, #tpu.memory_space<vmem>> -> memref<1x80x128xf32, #tpu.memory_space<vmem>>
      %dma_start3A_257 = tpu.memref_squeeze %dma_start3A_256 : memref<1x80x128xf32, #tpu.memory_space<vmem>> -> memref<80x128xf32, #tpu.memory_space<vmem>>
      %dma_start3A_258 = arith.constant 0 : i32
      %dma_start3A_259 = tpu.memref_slice %arg12[%add3A_46, %dma_start3A_258] : memref<10240x128xf32, #tpu.memory_space<vmem_shared>> -> memref<80x128xf32, #tpu.memory_space<vmem_shared>>
      %dma_start3A_260 = arith.constant 0 : i32
      %dma_start3A_261 = tpu.memref_slice %arg12[%add3A_46, %dma_start3A_260] : memref<10240x128xf32, #tpu.memory_space<vmem_shared>> -> memref<80x128xf32, #tpu.memory_space<vmem_shared>>
      %dma_start3A_262 = arith.constant 0 : i32
      %dma_start3A_263 = arith.constant 0 : i32
      %dma_start3A_264 = tpu.memref_slice %arg8[%run_scoped3A_47, %dma_start3A_262, %dma_start3A_263] : memref<4x80x128xf32, #tpu.memory_space<vmem>> -> memref<1x80x128xf32, #tpu.memory_space<vmem>>
      %dma_start3A_265 = tpu.memref_squeeze %dma_start3A_264 : memref<1x80x128xf32, #tpu.memory_space<vmem>> -> memref<80x128xf32, #tpu.memory_space<vmem>>
      tpu.enqueue_dma source(%dma_start3A_265 : memref<80x128xf32, #tpu.memory_space<vmem>>) target(%dma_start3A_261 : memref<80x128xf32, #tpu.memory_space<vmem_shared>>) target_semaphore(%run_scoped3A_253 : memref<!tpu.dma_semaphore, #tpu.memory_space<semaphore_mem>>)
      %dma_wait3A_266 = arith.constant 0 : i32
      %dma_wait3A_267 = arith.constant 0 : i32
      %dma_wait3A_268 = tpu.memref_slice %arg8[%run_scoped3A_47, %dma_wait3A_266, %dma_wait3A_267] : memref<4x80x128xf32, #tpu.memory_space<vmem>> -> memref<1x80x128xf32, #tpu.memory_space<vmem>>
      %dma_wait3A_269 = tpu.memref_squeeze %dma_wait3A_268 : memref<1x80x128xf32, #tpu.memory_space<vmem>> -> memref<80x128xf32, #tpu.memory_space<vmem>>
      %dma_wait3A_270 = arith.constant 0 : i32
      %dma_wait3A_271 = tpu.memref_slice %arg12[%add3A_46, %dma_wait3A_270] : memref<10240x128xf32, #tpu.memory_space<vmem_shared>> -> memref<80x128xf32, #tpu.memory_space<vmem_shared>>
      %dma_wait3A_272 = arith.constant 0 : i32
      %dma_wait3A_273 = tpu.memref_slice %arg12[%add3A_46, %dma_wait3A_272] : memref<10240x128xf32, #tpu.memory_space<vmem_shared>> -> memref<80x128xf32, #tpu.memory_space<vmem_shared>>
      %dma_wait3A_274 = arith.constant 0 : i32
      %dma_wait3A_275 = arith.constant 0 : i32
      %dma_wait3A_276 = tpu.memref_slice %arg8[%run_scoped3A_47, %dma_wait3A_274, %dma_wait3A_275] : memref<4x80x128xf32, #tpu.memory_space<vmem>> -> memref<1x80x128xf32, #tpu.memory_space<vmem>>
      %dma_wait3A_277 = tpu.memref_squeeze %dma_wait3A_276 : memref<1x80x128xf32, #tpu.memory_space<vmem>> -> memref<80x128xf32, #tpu.memory_space<vmem>>
      tpu.wait_dma2 semaphore(%run_scoped3A_253 : memref<!tpu.dma_semaphore, #tpu.memory_space<semaphore_mem>>) src(%dma_wait3A_277 : memref<80x128xf32, #tpu.memory_space<vmem>>) dst(%dma_wait3A_273 : memref<80x128xf32, #tpu.memory_space<vmem_shared>>)
      tpu.yield
    }) : () -> ()
    %barrier3A = arith.constant 0 : index
    tpu.barrier barrier_id(%barrier3A)
    %dma_start3A = arith.constant 0 : i32
    %dma_start3A_48 = arith.constant 0 : i32
    %dma_start3A_49 = arith.constant 0 : i32
    %dma_start3A_50 = tpu.memref_slice %arg6[%dma_start3A_48, %dma_start3A_49] : memref<6x80xi32, #tpu.memory_space<vmem>> -> memref<1x80xi32, #tpu.memory_space<vmem>>
    %dma_start3A_51 = tpu.memref_squeeze %dma_start3A_50 : memref<1x80xi32, #tpu.memory_space<vmem>> -> memref<80xi32, #tpu.memory_space<vmem>>
    %dma_start3A_52 = arith.constant 0 : i32
    %dma_start3A_53 = tpu.memref_slice %arg3[%add3A, %dma_start3A, %dma_start3A_52] : memref<32x125x80xi32, #tpu.memory_space<hbm>> -> memref<1x1x80xi32, #tpu.memory_space<hbm>>
    %dma_start3A_54 = tpu.memref_squeeze %dma_start3A_53 : memref<1x1x80xi32, #tpu.memory_space<hbm>> -> memref<80xi32, #tpu.memory_space<hbm>>
    %dma_start3A_55 = arith.constant 0 : i32
    %dma_start3A_56 = tpu.memref_slice %arg6[%dma_start3A_48, %dma_start3A_55] : memref<6x80xi32, #tpu.memory_space<vmem>> -> memref<1x80xi32, #tpu.memory_space<vmem>>
    %dma_start3A_57 = tpu.memref_squeeze %dma_start3A_56 : memref<1x80xi32, #tpu.memory_space<vmem>> -> memref<80xi32, #tpu.memory_space<vmem>>
    %dma_start3A_58 = arith.constant 0 : i32
    %dma_start3A_59 = tpu.memref_slice %arg3[%add3A, %dma_start3A, %dma_start3A_58] : memref<32x125x80xi32, #tpu.memory_space<hbm>> -> memref<1x1x80xi32, #tpu.memory_space<hbm>>
    %dma_start3A_60 = tpu.memref_squeeze %dma_start3A_59 : memref<1x1x80xi32, #tpu.memory_space<hbm>> -> memref<80xi32, #tpu.memory_space<hbm>>
    tpu.enqueue_dma source(%dma_start3A_60 : memref<80xi32, #tpu.memory_space<hbm>>) target(%dma_start3A_57 : memref<80xi32, #tpu.memory_space<vmem>>) target_semaphore(%arg10 : memref<!tpu.dma_semaphore, #tpu.memory_space<semaphore_mem>>)
    %dma_start3A_61 = arith.constant 0 : i32
    %dma_start3A_62 = arith.constant 0 : i32
    %dma_start3A_63 = arith.constant 0 : i32
    %dma_start3A_64 = tpu.memref_slice %arg7[%dma_start3A_62, %dma_start3A_63] : memref<6x80xi32, #tpu.memory_space<vmem>> -> memref<1x80xi32, #tpu.memory_space<vmem>>
    %dma_start3A_65 = tpu.memref_squeeze %dma_start3A_64 : memref<1x80xi32, #tpu.memory_space<vmem>> -> memref<80xi32, #tpu.memory_space<vmem>>
    %dma_start3A_66 = arith.constant 0 : i32
    %dma_start3A_67 = tpu.memref_slice %arg4[%add3A, %dma_start3A_61, %dma_start3A_66] : memref<32x125x80xi32, #tpu.memory_space<hbm>> -> memref<1x1x80xi32, #tpu.memory_space<hbm>>
    %dma_start3A_68 = tpu.memref_squeeze %dma_start3A_67 : memref<1x1x80xi32, #tpu.memory_space<hbm>> -> memref<80xi32, #tpu.memory_space<hbm>>
    %dma_start3A_69 = arith.constant 0 : i32
    %dma_start3A_70 = tpu.memref_slice %arg7[%dma_start3A_62, %dma_start3A_69] : memref<6x80xi32, #tpu.memory_space<vmem>> -> memref<1x80xi32, #tpu.memory_space<vmem>>
    %dma_start3A_71 = tpu.memref_squeeze %dma_start3A_70 : memref<1x80xi32, #tpu.memory_space<vmem>> -> memref<80xi32, #tpu.memory_space<vmem>>
    %dma_start3A_72 = arith.constant 0 : i32
    %dma_start3A_73 = tpu.memref_slice %arg4[%add3A, %dma_start3A_61, %dma_start3A_72] : memref<32x125x80xi32, #tpu.memory_space<hbm>> -> memref<1x1x80xi32, #tpu.memory_space<hbm>>
    %dma_start3A_74 = tpu.memref_squeeze %dma_start3A_73 : memref<1x1x80xi32, #tpu.memory_space<hbm>> -> memref<80xi32, #tpu.memory_space<hbm>>
    tpu.enqueue_dma source(%dma_start3A_74 : memref<80xi32, #tpu.memory_space<hbm>>) target(%dma_start3A_71 : memref<80xi32, #tpu.memory_space<vmem>>) target_semaphore(%arg10 : memref<!tpu.dma_semaphore, #tpu.memory_space<semaphore_mem>>)
    %dma_start3A_75 = arith.constant 1 : i32
    %dma_start3A_76 = arith.constant 1 : i32
    %dma_start3A_77 = arith.constant 0 : i32
    %dma_start3A_78 = tpu.memref_slice %arg6[%dma_start3A_76, %dma_start3A_77] : memref<6x80xi32, #tpu.memory_space<vmem>> -> memref<1x80xi32, #tpu.memory_space<vmem>>
    %dma_start3A_79 = tpu.memref_squeeze %dma_start3A_78 : memref<1x80xi32, #tpu.memory_space<vmem>> -> memref<80xi32, #tpu.memory_space<vmem>>
    %dma_start3A_80 = arith.constant 0 : i32
    %dma_start3A_81 = tpu.memref_slice %arg3[%add3A, %dma_start3A_75, %dma_start3A_80] : memref<32x125x80xi32, #tpu.memory_space<hbm>> -> memref<1x1x80xi32, #tpu.memory_space<hbm>>
    %dma_start3A_82 = tpu.memref_squeeze %dma_start3A_81 : memref<1x1x80xi32, #tpu.memory_space<hbm>> -> memref<80xi32, #tpu.memory_space<hbm>>
    %dma_start3A_83 = arith.constant 0 : i32
    %dma_start3A_84 = tpu.memref_slice %arg6[%dma_start3A_76, %dma_start3A_83] : memref<6x80xi32, #tpu.memory_space<vmem>> -> memref<1x80xi32, #tpu.memory_space<vmem>>
    %dma_start3A_85 = tpu.memref_squeeze %dma_start3A_84 : memref<1x80xi32, #tpu.memory_space<vmem>> -> memref<80xi32, #tpu.memory_space<vmem>>
    %dma_start3A_86 = arith.constant 0 : i32
    %dma_start3A_87 = tpu.memref_slice %arg3[%add3A, %dma_start3A_75, %dma_start3A_86] : memref<32x125x80xi32, #tpu.memory_space<hbm>> -> memref<1x1x80xi32, #tpu.memory_space<hbm>>
    %dma_start3A_88 = tpu.memref_squeeze %dma_start3A_87 : memref<1x1x80xi32, #tpu.memory_space<hbm>> -> memref<80xi32, #tpu.memory_space<hbm>>
    tpu.enqueue_dma source(%dma_start3A_88 : memref<80xi32, #tpu.memory_space<hbm>>) target(%dma_start3A_85 : memref<80xi32, #tpu.memory_space<vmem>>) target_semaphore(%arg10 : memref<!tpu.dma_semaphore, #tpu.memory_space<semaphore_mem>>)
    %dma_start3A_89 = arith.constant 1 : i32
    %dma_start3A_90 = arith.constant 1 : i32
    %dma_start3A_91 = arith.constant 0 : i32
    %dma_start3A_92 = tpu.memref_slice %arg7[%dma_start3A_90, %dma_start3A_91] : memref<6x80xi32, #tpu.memory_space<vmem>> -> memref<1x80xi32, #tpu.memory_space<vmem>>
    %dma_start3A_93 = tpu.memref_squeeze %dma_start3A_92 : memref<1x80xi32, #tpu.memory_space<vmem>> -> memref<80xi32, #tpu.memory_space<vmem>>
    %dma_start3A_94 = arith.constant 0 : i32
    %dma_start3A_95 = tpu.memref_slice %arg4[%add3A, %dma_start3A_89, %dma_start3A_94] : memref<32x125x80xi32, #tpu.memory_space<hbm>> -> memref<1x1x80xi32, #tpu.memory_space<hbm>>
    %dma_start3A_96 = tpu.memref_squeeze %dma_start3A_95 : memref<1x1x80xi32, #tpu.memory_space<hbm>> -> memref<80xi32, #tpu.memory_space<hbm>>
    %dma_start3A_97 = arith.constant 0 : i32
    %dma_start3A_98 = tpu.memref_slice %arg7[%dma_start3A_90, %dma_start3A_97] : memref<6x80xi32, #tpu.memory_space<vmem>> -> memref<1x80xi32, #tpu.memory_space<vmem>>
    %dma_start3A_99 = tpu.memref_squeeze %dma_start3A_98 : memref<1x80xi32, #tpu.memory_space<vmem>> -> memref<80xi32, #tpu.memory_space<vmem>>
    %dma_start3A_100 = arith.constant 0 : i32
    %dma_start3A_101 = tpu.memref_slice %arg4[%add3A, %dma_start3A_89, %dma_start3A_100] : memref<32x125x80xi32, #tpu.memory_space<hbm>> -> memref<1x1x80xi32, #tpu.memory_space<hbm>>
    %dma_start3A_102 = tpu.memref_squeeze %dma_start3A_101 : memref<1x1x80xi32, #tpu.memory_space<hbm>> -> memref<80xi32, #tpu.memory_space<hbm>>
    tpu.enqueue_dma source(%dma_start3A_102 : memref<80xi32, #tpu.memory_space<hbm>>) target(%dma_start3A_99 : memref<80xi32, #tpu.memory_space<vmem>>) target_semaphore(%arg10 : memref<!tpu.dma_semaphore, #tpu.memory_space<semaphore_mem>>)
    %dma_start3A_103 = arith.constant 2 : i32
    %dma_start3A_104 = arith.constant 2 : i32
    %dma_start3A_105 = arith.constant 0 : i32
    %dma_start3A_106 = tpu.memref_slice %arg6[%dma_start3A_104, %dma_start3A_105] : memref<6x80xi32, #tpu.memory_space<vmem>> -> memref<1x80xi32, #tpu.memory_space<vmem>>
    %dma_start3A_107 = tpu.memref_squeeze %dma_start3A_106 : memref<1x80xi32, #tpu.memory_space<vmem>> -> memref<80xi32, #tpu.memory_space<vmem>>
    %dma_start3A_108 = arith.constant 0 : i32
    %dma_start3A_109 = tpu.memref_slice %arg3[%add3A, %dma_start3A_103, %dma_start3A_108] : memref<32x125x80xi32, #tpu.memory_space<hbm>> -> memref<1x1x80xi32, #tpu.memory_space<hbm>>
    %dma_start3A_110 = tpu.memref_squeeze %dma_start3A_109 : memref<1x1x80xi32, #tpu.memory_space<hbm>> -> memref<80xi32, #tpu.memory_space<hbm>>
    %dma_start3A_111 = arith.constant 0 : i32
    %dma_start3A_112 = tpu.memref_slice %arg6[%dma_start3A_104, %dma_start3A_111] : memref<6x80xi32, #tpu.memory_space<vmem>> -> memref<1x80xi32, #tpu.memory_space<vmem>>
    %dma_start3A_113 = tpu.memref_squeeze %dma_start3A_112 : memref<1x80xi32, #tpu.memory_space<vmem>> -> memref<80xi32, #tpu.memory_space<vmem>>
    %dma_start3A_114 = arith.constant 0 : i32
    %dma_start3A_115 = tpu.memref_slice %arg3[%add3A, %dma_start3A_103, %dma_start3A_114] : memref<32x125x80xi32, #tpu.memory_space<hbm>> -> memref<1x1x80xi32, #tpu.memory_space<hbm>>
    %dma_start3A_116 = tpu.memref_squeeze %dma_start3A_115 : memref<1x1x80xi32, #tpu.memory_space<hbm>> -> memref<80xi32, #tpu.memory_space<hbm>>
    tpu.enqueue_dma source(%dma_start3A_116 : memref<80xi32, #tpu.memory_space<hbm>>) target(%dma_start3A_113 : memref<80xi32, #tpu.memory_space<vmem>>) target_semaphore(%arg10 : memref<!tpu.dma_semaphore, #tpu.memory_space<semaphore_mem>>)
    %dma_start3A_117 = arith.constant 2 : i32
    %dma_start3A_118 = arith.constant 2 : i32
    %dma_start3A_119 = arith.constant 0 : i32
    %dma_start3A_120 = tpu.memref_slice %arg7[%dma_start3A_118, %dma_start3A_119] : memref<6x80xi32, #tpu.memory_space<vmem>> -> memref<1x80xi32, #tpu.memory_space<vmem>>
    %dma_start3A_121 = tpu.memref_squeeze %dma_start3A_120 : memref<1x80xi32, #tpu.memory_space<vmem>> -> memref<80xi32, #tpu.memory_space<vmem>>
    %dma_start3A_122 = arith.constant 0 : i32
    %dma_start3A_123 = tpu.memref_slice %arg4[%add3A, %dma_start3A_117, %dma_start3A_122] : memref<32x125x80xi32, #tpu.memory_space<hbm>> -> memref<1x1x80xi32, #tpu.memory_space<hbm>>
    %dma_start3A_124 = tpu.memref_squeeze %dma_start3A_123 : memref<1x1x80xi32, #tpu.memory_space<hbm>> -> memref<80xi32, #tpu.memory_space<hbm>>
    %dma_start3A_125 = arith.constant 0 : i32
    %dma_start3A_126 = tpu.memref_slice %arg7[%dma_start3A_118, %dma_start3A_125] : memref<6x80xi32, #tpu.memory_space<vmem>> -> memref<1x80xi32, #tpu.memory_space<vmem>>
    %dma_start3A_127 = tpu.memref_squeeze %dma_start3A_126 : memref<1x80xi32, #tpu.memory_space<vmem>> -> memref<80xi32, #tpu.memory_space<vmem>>
    %dma_start3A_128 = arith.constant 0 : i32
    %dma_start3A_129 = tpu.memref_slice %arg4[%add3A, %dma_start3A_117, %dma_start3A_128] : memref<32x125x80xi32, #tpu.memory_space<hbm>> -> memref<1x1x80xi32, #tpu.memory_space<hbm>>
    %dma_start3A_130 = tpu.memref_squeeze %dma_start3A_129 : memref<1x1x80xi32, #tpu.memory_space<hbm>> -> memref<80xi32, #tpu.memory_space<hbm>>
    tpu.enqueue_dma source(%dma_start3A_130 : memref<80xi32, #tpu.memory_space<hbm>>) target(%dma_start3A_127 : memref<80xi32, #tpu.memory_space<vmem>>) target_semaphore(%arg10 : memref<!tpu.dma_semaphore, #tpu.memory_space<semaphore_mem>>)
    %dma_wait3A = arith.constant 0 : i32
    %dma_wait3A_131 = arith.constant 0 : i32
    %dma_wait3A_132 = arith.constant 0 : i32
    %dma_wait3A_133 = tpu.memref_slice %arg6[%dma_wait3A_131, %dma_wait3A_132] : memref<6x80xi32, #tpu.memory_space<vmem>> -> memref<1x80xi32, #tpu.memory_space<vmem>>
    %dma_wait3A_134 = tpu.memref_squeeze %dma_wait3A_133 : memref<1x80xi32, #tpu.memory_space<vmem>> -> memref<80xi32, #tpu.memory_space<vmem>>
    %dma_wait3A_135 = arith.constant 0 : i32
    %dma_wait3A_136 = tpu.memref_slice %arg3[%add3A, %dma_wait3A, %dma_wait3A_135] : memref<32x125x80xi32, #tpu.memory_space<hbm>> -> memref<1x1x80xi32, #tpu.memory_space<hbm>>
    %dma_wait3A_137 = tpu.memref_squeeze %dma_wait3A_136 : memref<1x1x80xi32, #tpu.memory_space<hbm>> -> memref<80xi32, #tpu.memory_space<hbm>>
    %dma_wait3A_138 = arith.constant 0 : i32
    %dma_wait3A_139 = tpu.memref_slice %arg6[%dma_wait3A_131, %dma_wait3A_138] : memref<6x80xi32, #tpu.memory_space<vmem>> -> memref<1x80xi32, #tpu.memory_space<vmem>>
    %dma_wait3A_140 = tpu.memref_squeeze %dma_wait3A_139 : memref<1x80xi32, #tpu.memory_space<vmem>> -> memref<80xi32, #tpu.memory_space<vmem>>
    %dma_wait3A_141 = arith.constant 0 : i32
    %dma_wait3A_142 = tpu.memref_slice %arg3[%add3A, %dma_wait3A, %dma_wait3A_141] : memref<32x125x80xi32, #tpu.memory_space<hbm>> -> memref<1x1x80xi32, #tpu.memory_space<hbm>>
    %dma_wait3A_143 = tpu.memref_squeeze %dma_wait3A_142 : memref<1x1x80xi32, #tpu.memory_space<hbm>> -> memref<80xi32, #tpu.memory_space<hbm>>
    tpu.wait_dma2 semaphore(%arg10 : memref<!tpu.dma_semaphore, #tpu.memory_space<semaphore_mem>>) src(%dma_wait3A_143 : memref<80xi32, #tpu.memory_space<hbm>>) dst(%dma_wait3A_140 : memref<80xi32, #tpu.memory_space<vmem>>)
    %dma_wait3A_144 = arith.constant 0 : i32
    %dma_wait3A_145 = arith.constant 0 : i32
    %dma_wait3A_146 = arith.constant 0 : i32
    %dma_wait3A_147 = tpu.memref_slice %arg7[%dma_wait3A_145, %dma_wait3A_146] : memref<6x80xi32, #tpu.memory_space<vmem>> -> memref<1x80xi32, #tpu.memory_space<vmem>>
    %dma_wait3A_148 = tpu.memref_squeeze %dma_wait3A_147 : memref<1x80xi32, #tpu.memory_space<vmem>> -> memref<80xi32, #tpu.memory_space<vmem>>
    %dma_wait3A_149 = arith.constant 0 : i32
    %dma_wait3A_150 = tpu.memref_slice %arg4[%add3A, %dma_wait3A_144, %dma_wait3A_149] : memref<32x125x80xi32, #tpu.memory_space<hbm>> -> memref<1x1x80xi32, #tpu.memory_space<hbm>>
    %dma_wait3A_151 = tpu.memref_squeeze %dma_wait3A_150 : memref<1x1x80xi32, #tpu.memory_space<hbm>> -> memref<80xi32, #tpu.memory_space<hbm>>
    %dma_wait3A_152 = arith.constant 0 : i32
    %dma_wait3A_153 = tpu.memref_slice %arg7[%dma_wait3A_145, %dma_wait3A_152] : memref<6x80xi32, #tpu.memory_space<vmem>> -> memref<1x80xi32, #tpu.memory_space<vmem>>
    %dma_wait3A_154 = tpu.memref_squeeze %dma_wait3A_153 : memref<1x80xi32, #tpu.memory_space<vmem>> -> memref<80xi32, #tpu.memory_space<vmem>>
    %dma_wait3A_155 = arith.constant 0 : i32
    %dma_wait3A_156 = tpu.memref_slice %arg4[%add3A, %dma_wait3A_144, %dma_wait3A_155] : memref<32x125x80xi32, #tpu.memory_space<hbm>> -> memref<1x1x80xi32, #tpu.memory_space<hbm>>
    %dma_wait3A_157 = tpu.memref_squeeze %dma_wait3A_156 : memref<1x1x80xi32, #tpu.memory_space<hbm>> -> memref<80xi32, #tpu.memory_space<hbm>>
    tpu.wait_dma2 semaphore(%arg10 : memref<!tpu.dma_semaphore, #tpu.memory_space<semaphore_mem>>) src(%dma_wait3A_157 : memref<80xi32, #tpu.memory_space<hbm>>) dst(%dma_wait3A_154 : memref<80xi32, #tpu.memory_space<vmem>>)
    %dma_start3A_158 = arith.constant 0 : i32
    %dma_start3A_159 = arith.constant 0 : i32
    %dma_start3A_160 = arith.constant 0 : i32
    %dma_start3A_161 = arith.constant 0 : i32
    %dma_start3A_162 = tpu.memref_slice %arg8[%dma_start3A_159, %dma_start3A_160, %dma_start3A_161] : memref<4x80x128xf32, #tpu.memory_space<vmem>> -> memref<1x80x128xf32, #tpu.memory_space<vmem>>
    %dma_start3A_163 = tpu.memref_squeeze %dma_start3A_162 : memref<1x80x128xf32, #tpu.memory_space<vmem>> -> memref<80x128xf32, #tpu.memory_space<vmem>>
    %dma_start3A_164 = arith.constant 0 : i32
    %dma_start3A_165 = tpu.memref_slice %arg6[%dma_start3A_158, %dma_start3A_164] : memref<6x80xi32, #tpu.memory_space<vmem>> -> memref<1x80xi32, #tpu.memory_space<vmem>>
    %dma_start3A_166 = tpu.memref_squeeze %dma_start3A_165 : memref<1x80xi32, #tpu.memory_space<vmem>> -> memref<80xi32, #tpu.memory_space<vmem>>
    %dma_start3A_167 = arith.constant 0 : i32
    %dma_start3A_168 = arith.constant 0 : i32
    %dma_start3A_169 = tpu.memref_slice %arg2[%dma_start3A_167, %dma_start3A_168] : memref<10000x128xf32, #tpu.memory_space<hbm>> -> memref<10000x128xf32, #tpu.memory_space<hbm>>
    tpu.enqueue_indirect_dma source(%dma_start3A_169 : memref<10000x128xf32, #tpu.memory_space<hbm>>) target(%dma_start3A_163 : memref<80x128xf32, #tpu.memory_space<vmem>>) offsets(%dma_start3A_166 : memref<80xi32, #tpu.memory_space<vmem>>) semaphore(%arg9 : memref<!tpu.dma_semaphore, #tpu.memory_space<semaphore_mem>>)
    %dma_wait3A_170 = arith.constant 0 : i32
    %dma_wait3A_171 = arith.constant 1 : i32
    %dma_wait3A_172 = arith.constant 0 : i32
    %dma_wait3A_173 = tpu.memref_slice %arg6[%dma_wait3A_171, %dma_wait3A_172] : memref<6x80xi32, #tpu.memory_space<vmem>> -> memref<1x80xi32, #tpu.memory_space<vmem>>
    %dma_wait3A_174 = tpu.memref_squeeze %dma_wait3A_173 : memref<1x80xi32, #tpu.memory_space<vmem>> -> memref<80xi32, #tpu.memory_space<vmem>>
    %dma_wait3A_175 = arith.constant 0 : i32
    %dma_wait3A_176 = tpu.memref_slice %arg3[%add3A, %dma_wait3A_170, %dma_wait3A_175] : memref<32x125x80xi32, #tpu.memory_space<hbm>> -> memref<1x1x80xi32, #tpu.memory_space<hbm>>
    %dma_wait3A_177 = tpu.memref_squeeze %dma_wait3A_176 : memref<1x1x80xi32, #tpu.memory_space<hbm>> -> memref<80xi32, #tpu.memory_space<hbm>>
    %dma_wait3A_178 = arith.constant 0 : i32
    %dma_wait3A_179 = tpu.memref_slice %arg6[%dma_wait3A_171, %dma_wait3A_178] : memref<6x80xi32, #tpu.memory_space<vmem>> -> memref<1x80xi32, #tpu.memory_space<vmem>>
    %dma_wait3A_180 = tpu.memref_squeeze %dma_wait3A_179 : memref<1x80xi32, #tpu.memory_space<vmem>> -> memref<80xi32, #tpu.memory_space<vmem>>
    %dma_wait3A_181 = arith.constant 0 : i32
    %dma_wait3A_182 = tpu.memref_slice %arg3[%add3A, %dma_wait3A_170, %dma_wait3A_181] : memref<32x125x80xi32, #tpu.memory_space<hbm>> -> memref<1x1x80xi32, #tpu.memory_space<hbm>>
    %dma_wait3A_183 = tpu.memref_squeeze %dma_wait3A_182 : memref<1x1x80xi32, #tpu.memory_space<hbm>> -> memref<80xi32, #tpu.memory_space<hbm>>
    tpu.wait_dma2 semaphore(%arg10 : memref<!tpu.dma_semaphore, #tpu.memory_space<semaphore_mem>>) src(%dma_wait3A_183 : memref<80xi32, #tpu.memory_space<hbm>>) dst(%dma_wait3A_180 : memref<80xi32, #tpu.memory_space<vmem>>)
    %dma_wait3A_184 = arith.constant 0 : i32
    %dma_wait3A_185 = arith.constant 1 : i32
    %dma_wait3A_186 = arith.constant 0 : i32
    %dma_wait3A_187 = tpu.memref_slice %arg7[%dma_wait3A_185, %dma_wait3A_186] : memref<6x80xi32, #tpu.memory_space<vmem>> -> memref<1x80xi32, #tpu.memory_space<vmem>>
    %dma_wait3A_188 = tpu.memref_squeeze %dma_wait3A_187 : memref<1x80xi32, #tpu.memory_space<vmem>> -> memref<80xi32, #tpu.memory_space<vmem>>
    %dma_wait3A_189 = arith.constant 0 : i32
    %dma_wait3A_190 = tpu.memref_slice %arg4[%add3A, %dma_wait3A_184, %dma_wait3A_189] : memref<32x125x80xi32, #tpu.memory_space<hbm>> -> memref<1x1x80xi32, #tpu.memory_space<hbm>>
    %dma_wait3A_191 = tpu.memref_squeeze %dma_wait3A_190 : memref<1x1x80xi32, #tpu.memory_space<hbm>> -> memref<80xi32, #tpu.memory_space<hbm>>
    %dma_wait3A_192 = arith.constant 0 : i32
    %dma_wait3A_193 = tpu.memref_slice %arg7[%dma_wait3A_185, %dma_wait3A_192] : memref<6x80xi32, #tpu.memory_space<vmem>> -> memref<1x80xi32, #tpu.memory_space<vmem>>
    %dma_wait3A_194 = tpu.memref_squeeze %dma_wait3A_193 : memref<1x80xi32, #tpu.memory_space<vmem>> -> memref<80xi32, #tpu.memory_space<vmem>>
    %dma_wait3A_195 = arith.constant 0 : i32
    %dma_wait3A_196 = tpu.memref_slice %arg4[%add3A, %dma_wait3A_184, %dma_wait3A_195] : memref<32x125x80xi32, #tpu.memory_space<hbm>> -> memref<1x1x80xi32, #tpu.memory_space<hbm>>
    %dma_wait3A_197 = tpu.memref_squeeze %dma_wait3A_196 : memref<1x1x80xi32, #tpu.memory_space<hbm>> -> memref<80xi32, #tpu.memory_space<hbm>>
    tpu.wait_dma2 semaphore(%arg10 : memref<!tpu.dma_semaphore, #tpu.memory_space<semaphore_mem>>) src(%dma_wait3A_197 : memref<80xi32, #tpu.memory_space<hbm>>) dst(%dma_wait3A_194 : memref<80xi32, #tpu.memory_space<vmem>>)
    %dma_start3A_198 = arith.constant 1 : i32
    %dma_start3A_199 = arith.constant 1 : i32
    %dma_start3A_200 = arith.constant 0 : i32
    %dma_start3A_201 = arith.constant 0 : i32
    %dma_start3A_202 = tpu.memref_slice %arg8[%dma_start3A_199, %dma_start3A_200, %dma_start3A_201] : memref<4x80x128xf32, #tpu.memory_space<vmem>> -> memref<1x80x128xf32, #tpu.memory_space<vmem>>
    %dma_start3A_203 = tpu.memref_squeeze %dma_start3A_202 : memref<1x80x128xf32, #tpu.memory_space<vmem>> -> memref<80x128xf32, #tpu.memory_space<vmem>>
    %dma_start3A_204 = arith.constant 0 : i32
    %dma_start3A_205 = tpu.memref_slice %arg6[%dma_start3A_198, %dma_start3A_204] : memref<6x80xi32, #tpu.memory_space<vmem>> -> memref<1x80xi32, #tpu.memory_space<vmem>>
    %dma_start3A_206 = tpu.memref_squeeze %dma_start3A_205 : memref<1x80xi32, #tpu.memory_space<vmem>> -> memref<80xi32, #tpu.memory_space<vmem>>
    %dma_start3A_207 = arith.constant 0 : i32
    %dma_start3A_208 = arith.constant 0 : i32
    %dma_start3A_209 = tpu.memref_slice %arg2[%dma_start3A_207, %dma_start3A_208] : memref<10000x128xf32, #tpu.memory_space<hbm>> -> memref<10000x128xf32, #tpu.memory_space<hbm>>
    tpu.enqueue_indirect_dma source(%dma_start3A_209 : memref<10000x128xf32, #tpu.memory_space<hbm>>) target(%dma_start3A_203 : memref<80x128xf32, #tpu.memory_space<vmem>>) offsets(%dma_start3A_206 : memref<80xi32, #tpu.memory_space<vmem>>) semaphore(%arg9 : memref<!tpu.dma_semaphore, #tpu.memory_space<semaphore_mem>>)
    %scan3A_210 = arith.constant 0 : i32
    %scan3A_211 = arith.constant 0 : i32
    %scan3A_212 = arith.constant 125 : i32
    %scan3A_213 = arith.addi %scan3A_211, %scan3A_212 : i32
    %scan3A_214 = arith.constant 1 : i32
    scf.for %scan3A_253 = %scan3A_211 to %scan3A_213 step %scan3A_214  : i32 {
      %rem3A_254 = arith.constant 4 : i32
      %rem3A_255 = arith.remsi %scan3A_253, %rem3A_254 : i32
      %rem3A_256 = arith.constant 6 : i32
      %rem3A_257 = arith.remsi %scan3A_253, %rem3A_256 : i32
      %dma_wait3A_258 = arith.constant 0 : i32
      %dma_wait3A_259 = arith.constant 0 : i32
      %dma_wait3A_260 = tpu.memref_slice %arg8[%rem3A_255, %dma_wait3A_258, %dma_wait3A_259] : memref<4x80x128xf32, #tpu.memory_space<vmem>> -> memref<1x80x128xf32, #tpu.memory_space<vmem>>
      %dma_wait3A_261 = tpu.memref_squeeze %dma_wait3A_260 : memref<1x80x128xf32, #tpu.memory_space<vmem>> -> memref<80x128xf32, #tpu.memory_space<vmem>>
      %dma_wait3A_262 = arith.constant 0 : i32
      %dma_wait3A_263 = tpu.memref_slice %arg6[%rem3A_257, %dma_wait3A_262] : memref<6x80xi32, #tpu.memory_space<vmem>> -> memref<1x80xi32, #tpu.memory_space<vmem>>
      %dma_wait3A_264 = tpu.memref_squeeze %dma_wait3A_263 : memref<1x80xi32, #tpu.memory_space<vmem>> -> memref<80xi32, #tpu.memory_space<vmem>>
      %dma_wait3A_265 = arith.constant 0 : i32
      %dma_wait3A_266 = arith.constant 0 : i32
      %dma_wait3A_267 = tpu.memref_slice %arg2[%dma_wait3A_265, %dma_wait3A_266] : memref<10000x128xf32, #tpu.memory_space<hbm>> -> memref<10000x128xf32, #tpu.memory_space<hbm>>
      tpu.wait_indirect_dma semaphore(%arg9 : memref<!tpu.dma_semaphore, #tpu.memory_space<semaphore_mem>>) src(%dma_wait3A_267 : memref<10000x128xf32, #tpu.memory_space<hbm>>) dst(%dma_wait3A_261 : memref<80x128xf32, #tpu.memory_space<vmem>>)
      %dma_start3A_268 = arith.constant 0 : i32
      %dma_start3A_269 = arith.constant 0 : i32
      %dma_start3A_270 = tpu.memref_slice %arg8[%rem3A_255, %dma_start3A_268, %dma_start3A_269] : memref<4x80x128xf32, #tpu.memory_space<vmem>> -> memref<1x80x128xf32, #tpu.memory_space<vmem>>
      %dma_start3A_271 = tpu.memref_squeeze %dma_start3A_270 : memref<1x80x128xf32, #tpu.memory_space<vmem>> -> memref<80x128xf32, #tpu.memory_space<vmem>>
      %dma_start3A_272 = arith.constant 0 : i32
      %dma_start3A_273 = tpu.memref_slice %arg7[%rem3A_257, %dma_start3A_272] : memref<6x80xi32, #tpu.memory_space<vmem>> -> memref<1x80xi32, #tpu.memory_space<vmem>>
      %dma_start3A_274 = tpu.memref_squeeze %dma_start3A_273 : memref<1x80xi32, #tpu.memory_space<vmem>> -> memref<80xi32, #tpu.memory_space<vmem>>
      %dma_start3A_275 = arith.constant 0 : i32
      %dma_start3A_276 = arith.constant 0 : i32
      %dma_start3A_277 = tpu.memref_slice %arg12[%dma_start3A_275, %dma_start3A_276] : memref<10240x128xf32, #tpu.memory_space<vmem_shared>> -> memref<10240x128xf32, #tpu.memory_space<vmem_shared>>
      tpu.enqueue_indirect_dma source(%dma_start3A_271 : memref<80x128xf32, #tpu.memory_space<vmem>>) target(%dma_start3A_277 : memref<10240x128xf32, #tpu.memory_space<vmem_shared>>) offsets(%dma_start3A_274 : memref<80xi32, #tpu.memory_space<vmem>>) semaphore(%arg11 : memref<!tpu.dma_semaphore, #tpu.memory_space<semaphore_mem>>) {add = true}
      %sub3A = arith.constant 2 : i32
      %sub3A_278 = arith.subi %scan3A_253, %sub3A : i32
      %ge3A = arith.constant 0 : i32
      %ge3A_279 = arith.cmpi sge, %sub3A_278, %ge3A : i32
      %convert_element_type3A = arith.extui %ge3A_279 : i1 to i32
      %cond3A = arith.constant 0 : i32
      %cond3A_280 = arith.cmpi ne, %convert_element_type3A, %cond3A : i32
      scf.if %cond3A_280 {
        %sub3A_294 = arith.constant 2 : i32
        %sub3A_295 = arith.subi %scan3A_253, %sub3A_294 : i32
        %rem3A_296 = arith.constant 6 : i32
        %rem3A_297 = arith.remsi %sub3A_295, %rem3A_296 : i32
        %sub3A_298 = arith.constant 2 : i32
        %sub3A_299 = arith.subi %scan3A_253, %sub3A_298 : i32
        %rem3A_300 = arith.constant 4 : i32
        %rem3A_301 = arith.remsi %sub3A_299, %rem3A_300 : i32
        %dma_wait3A_302 = arith.constant 0 : i32
        %dma_wait3A_303 = arith.constant 0 : i32
        %dma_wait3A_304 = tpu.memref_slice %arg8[%rem3A_301, %dma_wait3A_302, %dma_wait3A_303] : memref<4x80x128xf32, #tpu.memory_space<vmem>> -> memref<1x80x128xf32, #tpu.memory_space<vmem>>
        %dma_wait3A_305 = tpu.memref_squeeze %dma_wait3A_304 : memref<1x80x128xf32, #tpu.memory_space<vmem>> -> memref<80x128xf32, #tpu.memory_space<vmem>>
        %dma_wait3A_306 = arith.constant 0 : i32
        %dma_wait3A_307 = tpu.memref_slice %arg7[%rem3A_297, %dma_wait3A_306] : memref<6x80xi32, #tpu.memory_space<vmem>> -> memref<1x80xi32, #tpu.memory_space<vmem>>
        %dma_wait3A_308 = tpu.memref_squeeze %dma_wait3A_307 : memref<1x80xi32, #tpu.memory_space<vmem>> -> memref<80xi32, #tpu.memory_space<vmem>>
        %dma_wait3A_309 = arith.constant 0 : i32
        %dma_wait3A_310 = arith.constant 0 : i32
        %dma_wait3A_311 = tpu.memref_slice %arg12[%dma_wait3A_309, %dma_wait3A_310] : memref<10240x128xf32, #tpu.memory_space<vmem_shared>> -> memref<10240x128xf32, #tpu.memory_space<vmem_shared>>
        tpu.wait_indirect_dma semaphore(%arg11 : memref<!tpu.dma_semaphore, #tpu.memory_space<semaphore_mem>>) src(%dma_wait3A_305 : memref<80x128xf32, #tpu.memory_space<vmem>>) dst(%dma_wait3A_311 : memref<10240x128xf32, #tpu.memory_space<vmem_shared>>)
      } else {
      }
      %add3A_281 = arith.constant 2 : i32
      %add3A_282 = arith.addi %scan3A_253, %add3A_281 : i32
      %lt3A = arith.constant 125 : i32
      %lt3A_283 = arith.cmpi slt, %add3A_282, %lt3A : i32
      %convert_element_type3A_284 = arith.extui %lt3A_283 : i1 to i32
      %cond3A_285 = arith.constant 0 : i32
      %cond3A_286 = arith.cmpi ne, %convert_element_type3A_284, %cond3A_285 : i32
      scf.if %cond3A_286 {
        %add3A_294 = arith.constant 2 : i32
        %add3A_295 = arith.addi %scan3A_253, %add3A_294 : i32
        %rem3A_296 = arith.constant 6 : i32
        %rem3A_297 = arith.remsi %add3A_295, %rem3A_296 : i32
        %dma_wait3A_298 = arith.constant 0 : i32
        %dma_wait3A_299 = arith.constant 0 : i32
        %dma_wait3A_300 = tpu.memref_slice %arg6[%rem3A_297, %dma_wait3A_299] : memref<6x80xi32, #tpu.memory_space<vmem>> -> memref<1x80xi32, #tpu.memory_space<vmem>>
        %dma_wait3A_301 = tpu.memref_squeeze %dma_wait3A_300 : memref<1x80xi32, #tpu.memory_space<vmem>> -> memref<80xi32, #tpu.memory_space<vmem>>
        %dma_wait3A_302 = arith.constant 0 : i32
        %dma_wait3A_303 = tpu.memref_slice %arg3[%add3A, %dma_wait3A_298, %dma_wait3A_302] : memref<32x125x80xi32, #tpu.memory_space<hbm>> -> memref<1x1x80xi32, #tpu.memory_space<hbm>>
        %dma_wait3A_304 = tpu.memref_squeeze %dma_wait3A_303 : memref<1x1x80xi32, #tpu.memory_space<hbm>> -> memref<80xi32, #tpu.memory_space<hbm>>
        %dma_wait3A_305 = arith.constant 0 : i32
        %dma_wait3A_306 = tpu.memref_slice %arg6[%rem3A_297, %dma_wait3A_305] : memref<6x80xi32, #tpu.memory_space<vmem>> -> memref<1x80xi32, #tpu.memory_space<vmem>>
        %dma_wait3A_307 = tpu.memref_squeeze %dma_wait3A_306 : memref<1x80xi32, #tpu.memory_space<vmem>> -> memref<80xi32, #tpu.memory_space<vmem>>
        %dma_wait3A_308 = arith.constant 0 : i32
        %dma_wait3A_309 = tpu.memref_slice %arg3[%add3A, %dma_wait3A_298, %dma_wait3A_308] : memref<32x125x80xi32, #tpu.memory_space<hbm>> -> memref<1x1x80xi32, #tpu.memory_space<hbm>>
        %dma_wait3A_310 = tpu.memref_squeeze %dma_wait3A_309 : memref<1x1x80xi32, #tpu.memory_space<hbm>> -> memref<80xi32, #tpu.memory_space<hbm>>
        tpu.wait_dma2 semaphore(%arg10 : memref<!tpu.dma_semaphore, #tpu.memory_space<semaphore_mem>>) src(%dma_wait3A_310 : memref<80xi32, #tpu.memory_space<hbm>>) dst(%dma_wait3A_307 : memref<80xi32, #tpu.memory_space<vmem>>)
        %dma_wait3A_311 = arith.constant 0 : i32
        %dma_wait3A_312 = arith.constant 0 : i32
        %dma_wait3A_313 = tpu.memref_slice %arg7[%rem3A_297, %dma_wait3A_312] : memref<6x80xi32, #tpu.memory_space<vmem>> -> memref<1x80xi32, #tpu.memory_space<vmem>>
        %dma_wait3A_314 = tpu.memref_squeeze %dma_wait3A_313 : memref<1x80xi32, #tpu.memory_space<vmem>> -> memref<80xi32, #tpu.memory_space<vmem>>
        %dma_wait3A_315 = arith.constant 0 : i32
        %dma_wait3A_316 = tpu.memref_slice %arg4[%add3A, %dma_wait3A_311, %dma_wait3A_315] : memref<32x125x80xi32, #tpu.memory_space<hbm>> -> memref<1x1x80xi32, #tpu.memory_space<hbm>>
        %dma_wait3A_317 = tpu.memref_squeeze %dma_wait3A_316 : memref<1x1x80xi32, #tpu.memory_space<hbm>> -> memref<80xi32, #tpu.memory_space<hbm>>
        %dma_wait3A_318 = arith.constant 0 : i32
        %dma_wait3A_319 = tpu.memref_slice %arg7[%rem3A_297, %dma_wait3A_318] : memref<6x80xi32, #tpu.memory_space<vmem>> -> memref<1x80xi32, #tpu.memory_space<vmem>>
        %dma_wait3A_320 = tpu.memref_squeeze %dma_wait3A_319 : memref<1x80xi32, #tpu.memory_space<vmem>> -> memref<80xi32, #tpu.memory_space<vmem>>
        %dma_wait3A_321 = arith.constant 0 : i32
        %dma_wait3A_322 = tpu.memref_slice %arg4[%add3A, %dma_wait3A_311, %dma_wait3A_321] : memref<32x125x80xi32, #tpu.memory_space<hbm>> -> memref<1x1x80xi32, #tpu.memory_space<hbm>>
        %dma_wait3A_323 = tpu.memref_squeeze %dma_wait3A_322 : memref<1x1x80xi32, #tpu.memory_space<hbm>> -> memref<80xi32, #tpu.memory_space<hbm>>
        tpu.wait_dma2 semaphore(%arg10 : memref<!tpu.dma_semaphore, #tpu.memory_space<semaphore_mem>>) src(%dma_wait3A_323 : memref<80xi32, #tpu.memory_space<hbm>>) dst(%dma_wait3A_320 : memref<80xi32, #tpu.memory_space<vmem>>)
        %add3A_324 = arith.constant 2 : i32
        %add3A_325 = arith.addi %scan3A_253, %add3A_324 : i32
        %rem3A_326 = arith.constant 6 : i32
        %rem3A_327 = arith.remsi %add3A_325, %rem3A_326 : i32
        %add3A_328 = arith.constant 2 : i32
        %add3A_329 = arith.addi %scan3A_253, %add3A_328 : i32
        %rem3A_330 = arith.constant 4 : i32
        %rem3A_331 = arith.remsi %add3A_329, %rem3A_330 : i32
        %dma_start3A_332 = arith.constant 0 : i32
        %dma_start3A_333 = arith.constant 0 : i32
        %dma_start3A_334 = tpu.memref_slice %arg8[%rem3A_331, %dma_start3A_332, %dma_start3A_333] : memref<4x80x128xf32, #tpu.memory_space<vmem>> -> memref<1x80x128xf32, #tpu.memory_space<vmem>>
        %dma_start3A_335 = tpu.memref_squeeze %dma_start3A_334 : memref<1x80x128xf32, #tpu.memory_space<vmem>> -> memref<80x128xf32, #tpu.memory_space<vmem>>
        %dma_start3A_336 = arith.constant 0 : i32
        %dma_start3A_337 = tpu.memref_slice %arg6[%rem3A_327, %dma_start3A_336] : memref<6x80xi32, #tpu.memory_space<vmem>> -> memref<1x80xi32, #tpu.memory_space<vmem>>
        %dma_start3A_338 = tpu.memref_squeeze %dma_start3A_337 : memref<1x80xi32, #tpu.memory_space<vmem>> -> memref<80xi32, #tpu.memory_space<vmem>>
        %dma_start3A_339 = arith.constant 0 : i32
        %dma_start3A_340 = arith.constant 0 : i32
        %dma_start3A_341 = tpu.memref_slice %arg2[%dma_start3A_339, %dma_start3A_340] : memref<10000x128xf32, #tpu.memory_space<hbm>> -> memref<10000x128xf32, #tpu.memory_space<hbm>>
        tpu.enqueue_indirect_dma source(%dma_start3A_341 : memref<10000x128xf32, #tpu.memory_space<hbm>>) target(%dma_start3A_335 : memref<80x128xf32, #tpu.memory_space<vmem>>) offsets(%dma_start3A_338 : memref<80xi32, #tpu.memory_space<vmem>>) semaphore(%arg9 : memref<!tpu.dma_semaphore, #tpu.memory_space<semaphore_mem>>)
      } else {
      }
      %add3A_287 = arith.constant 3 : i32
      %add3A_288 = arith.addi %scan3A_253, %add3A_287 : i32
      %lt3A_289 = arith.constant 125 : i32
      %lt3A_290 = arith.cmpi slt, %add3A_288, %lt3A_289 : i32
      %convert_element_type3A_291 = arith.extui %lt3A_290 : i1 to i32
      %cond3A_292 = arith.constant 0 : i32
      %cond3A_293 = arith.cmpi ne, %convert_element_type3A_291, %cond3A_292 : i32
      scf.if %cond3A_293 {
        %add3A_294 = arith.constant 3 : i32
        %add3A_295 = arith.addi %scan3A_253, %add3A_294 : i32
        %add3A_296 = arith.constant 3 : i32
        %add3A_297 = arith.addi %scan3A_253, %add3A_296 : i32
        %rem3A_298 = arith.constant 6 : i32
        %rem3A_299 = arith.remsi %add3A_297, %rem3A_298 : i32
        %dma_start3A_300 = arith.constant 0 : i32
        %dma_start3A_301 = tpu.memref_slice %arg6[%rem3A_299, %dma_start3A_300] : memref<6x80xi32, #tpu.memory_space<vmem>> -> memref<1x80xi32, #tpu.memory_space<vmem>>
        %dma_start3A_302 = tpu.memref_squeeze %dma_start3A_301 : memref<1x80xi32, #tpu.memory_space<vmem>> -> memref<80xi32, #tpu.memory_space<vmem>>
        %dma_start3A_303 = arith.constant 0 : i32
        %dma_start3A_304 = tpu.memref_slice %arg3[%add3A, %add3A_295, %dma_start3A_303] : memref<32x125x80xi32, #tpu.memory_space<hbm>> -> memref<1x1x80xi32, #tpu.memory_space<hbm>>
        %dma_start3A_305 = tpu.memref_squeeze %dma_start3A_304 : memref<1x1x80xi32, #tpu.memory_space<hbm>> -> memref<80xi32, #tpu.memory_space<hbm>>
        %dma_start3A_306 = arith.constant 0 : i32
        %dma_start3A_307 = tpu.memref_slice %arg6[%rem3A_299, %dma_start3A_306] : memref<6x80xi32, #tpu.memory_space<vmem>> -> memref<1x80xi32, #tpu.memory_space<vmem>>
        %dma_start3A_308 = tpu.memref_squeeze %dma_start3A_307 : memref<1x80xi32, #tpu.memory_space<vmem>> -> memref<80xi32, #tpu.memory_space<vmem>>
        %dma_start3A_309 = arith.constant 0 : i32
        %dma_start3A_310 = tpu.memref_slice %arg3[%add3A, %add3A_295, %dma_start3A_309] : memref<32x125x80xi32, #tpu.memory_space<hbm>> -> memref<1x1x80xi32, #tpu.memory_space<hbm>>
        %dma_start3A_311 = tpu.memref_squeeze %dma_start3A_310 : memref<1x1x80xi32, #tpu.memory_space<hbm>> -> memref<80xi32, #tpu.memory_space<hbm>>
        tpu.enqueue_dma source(%dma_start3A_311 : memref<80xi32, #tpu.memory_space<hbm>>) target(%dma_start3A_308 : memref<80xi32, #tpu.memory_space<vmem>>) target_semaphore(%arg10 : memref<!tpu.dma_semaphore, #tpu.memory_space<semaphore_mem>>)
        %dma_start3A_312 = arith.constant 0 : i32
        %dma_start3A_313 = tpu.memref_slice %arg7[%rem3A_299, %dma_start3A_312] : memref<6x80xi32, #tpu.memory_space<vmem>> -> memref<1x80xi32, #tpu.memory_space<vmem>>
        %dma_start3A_314 = tpu.memref_squeeze %dma_start3A_313 : memref<1x80xi32, #tpu.memory_space<vmem>> -> memref<80xi32, #tpu.memory_space<vmem>>
        %dma_start3A_315 = arith.constant 0 : i32
        %dma_start3A_316 = tpu.memref_slice %arg4[%add3A, %add3A_295, %dma_start3A_315] : memref<32x125x80xi32, #tpu.memory_space<hbm>> -> memref<1x1x80xi32, #tpu.memory_space<hbm>>
        %dma_start3A_317 = tpu.memref_squeeze %dma_start3A_316 : memref<1x1x80xi32, #tpu.memory_space<hbm>> -> memref<80xi32, #tpu.memory_space<hbm>>
        %dma_start3A_318 = arith.constant 0 : i32
        %dma_start3A_319 = tpu.memref_slice %arg7[%rem3A_299, %dma_start3A_318] : memref<6x80xi32, #tpu.memory_space<vmem>> -> memref<1x80xi32, #tpu.memory_space<vmem>>
        %dma_start3A_320 = tpu.memref_squeeze %dma_start3A_319 : memref<1x80xi32, #tpu.memory_space<vmem>> -> memref<80xi32, #tpu.memory_space<vmem>>
        %dma_start3A_321 = arith.constant 0 : i32
        %dma_start3A_322 = tpu.memref_slice %arg4[%add3A, %add3A_295, %dma_start3A_321] : memref<32x125x80xi32, #tpu.memory_space<hbm>> -> memref<1x1x80xi32, #tpu.memory_space<hbm>>
        %dma_start3A_323 = tpu.memref_squeeze %dma_start3A_322 : memref<1x1x80xi32, #tpu.memory_space<hbm>> -> memref<80xi32, #tpu.memory_space<hbm>>
        tpu.enqueue_dma source(%dma_start3A_323 : memref<80xi32, #tpu.memory_space<hbm>>) target(%dma_start3A_320 : memref<80xi32, #tpu.memory_space<vmem>>) target_semaphore(%arg10 : memref<!tpu.dma_semaphore, #tpu.memory_space<semaphore_mem>>)
      } else {
      }
    }
    %scan3A_215 = arith.constant 125 : i32
    %rem3A = arith.constant 123 : i32
    %rem3A_216 = arith.constant 6 : i32
    %rem3A_217 = arith.remsi %rem3A, %rem3A_216 : i32
    %rem3A_218 = arith.constant 123 : i32
    %rem3A_219 = arith.constant 4 : i32
    %rem3A_220 = arith.remsi %rem3A_218, %rem3A_219 : i32
    %dma_wait3A_221 = arith.constant 0 : i32
    %dma_wait3A_222 = arith.constant 0 : i32
    %dma_wait3A_223 = tpu.memref_slice %arg8[%rem3A_220, %dma_wait3A_221, %dma_wait3A_222] : memref<4x80x128xf32, #tpu.memory_space<vmem>> -> memref<1x80x128xf32, #tpu.memory_space<vmem>>
    %dma_wait3A_224 = tpu.memref_squeeze %dma_wait3A_223 : memref<1x80x128xf32, #tpu.memory_space<vmem>> -> memref<80x128xf32, #tpu.memory_space<vmem>>
    %dma_wait3A_225 = arith.constant 0 : i32
    %dma_wait3A_226 = tpu.memref_slice %arg7[%rem3A_217, %dma_wait3A_225] : memref<6x80xi32, #tpu.memory_space<vmem>> -> memref<1x80xi32, #tpu.memory_space<vmem>>
    %dma_wait3A_227 = tpu.memref_squeeze %dma_wait3A_226 : memref<1x80xi32, #tpu.memory_space<vmem>> -> memref<80xi32, #tpu.memory_space<vmem>>
    %dma_wait3A_228 = arith.constant 0 : i32
    %dma_wait3A_229 = arith.constant 0 : i32
    %dma_wait3A_230 = tpu.memref_slice %arg12[%dma_wait3A_228, %dma_wait3A_229] : memref<10240x128xf32, #tpu.memory_space<vmem_shared>> -> memref<10240x128xf32, #tpu.memory_space<vmem_shared>>
    tpu.wait_indirect_dma semaphore(%arg11 : memref<!tpu.dma_semaphore, #tpu.memory_space<semaphore_mem>>) src(%dma_wait3A_224 : memref<80x128xf32, #tpu.memory_space<vmem>>) dst(%dma_wait3A_230 : memref<10240x128xf32, #tpu.memory_space<vmem_shared>>)
    %rem3A_231 = arith.constant 124 : i32
    %rem3A_232 = arith.constant 6 : i32
    %rem3A_233 = arith.remsi %rem3A_231, %rem3A_232 : i32
    %rem3A_234 = arith.constant 124 : i32
    %rem3A_235 = arith.constant 4 : i32
    %rem3A_236 = arith.remsi %rem3A_234, %rem3A_235 : i32
    %dma_wait3A_237 = arith.constant 0 : i32
    %dma_wait3A_238 = arith.constant 0 : i32
    %dma_wait3A_239 = tpu.memref_slice %arg8[%rem3A_236, %dma_wait3A_237, %dma_wait3A_238] : memref<4x80x128xf32, #tpu.memory_space<vmem>> -> memref<1x80x128xf32, #tpu.memory_space<vmem>>
    %dma_wait3A_240 = tpu.memref_squeeze %dma_wait3A_239 : memref<1x80x128xf32, #tpu.memory_space<vmem>> -> memref<80x128xf32, #tpu.memory_space<vmem>>
    %dma_wait3A_241 = arith.constant 0 : i32
    %dma_wait3A_242 = tpu.memref_slice %arg7[%rem3A_233, %dma_wait3A_241] : memref<6x80xi32, #tpu.memory_space<vmem>> -> memref<1x80xi32, #tpu.memory_space<vmem>>
    %dma_wait3A_243 = tpu.memref_squeeze %dma_wait3A_242 : memref<1x80xi32, #tpu.memory_space<vmem>> -> memref<80xi32, #tpu.memory_space<vmem>>
    %dma_wait3A_244 = arith.constant 0 : i32
    %dma_wait3A_245 = arith.constant 0 : i32
    %dma_wait3A_246 = tpu.memref_slice %arg12[%dma_wait3A_244, %dma_wait3A_245] : memref<10240x128xf32, #tpu.memory_space<vmem_shared>> -> memref<10240x128xf32, #tpu.memory_space<vmem_shared>>
    tpu.wait_indirect_dma semaphore(%arg11 : memref<!tpu.dma_semaphore, #tpu.memory_space<semaphore_mem>>) src(%dma_wait3A_240 : memref<80x128xf32, #tpu.memory_space<vmem>>) dst(%dma_wait3A_246 : memref<10240x128xf32, #tpu.memory_space<vmem_shared>>)
    %barrier3A_247 = arith.constant 0 : index
    tpu.barrier barrier_id(%barrier3A_247)
    %mul3A_248 = arith.constant 10240 : i32
    %mul3A_249 = arith.muli %arg0, %mul3A_248 : i32
    %mul3A_250 = arith.constant 640 : i32
    %mul3A_251 = arith.muli %arg1, %mul3A_250 : i32
    %add3A_252 = arith.addi %mul3A_249, %mul3A_251 : i32
    "tpu.region"() ({
      %run_scoped3A_253 = tpu.sem_alloc : memref<!tpu.dma_semaphore, #tpu.memory_space<semaphore_mem>>
      %dma_start3A_254 = arith.constant 0 : i32
      %dma_start3A_255 = tpu.memref_slice %arg5[%add3A_252, %dma_start3A_254] : memref<20480x128xf32, #tpu.memory_space<hbm>> -> memref<640x128xf32, #tpu.memory_space<hbm>>
      %dma_start3A_256 = arith.constant 0 : i32
      %dma_start3A_257 = tpu.memref_slice %arg12[%mul3A_2, %dma_start3A_256] : memref<10240x128xf32, #tpu.memory_space<vmem_shared>> -> memref<640x128xf32, #tpu.memory_space<vmem_shared>>
      tpu.enqueue_dma source(%dma_start3A_257 : memref<640x128xf32, #tpu.memory_space<vmem_shared>>) target(%dma_start3A_255 : memref<640x128xf32, #tpu.memory_space<hbm>>) target_semaphore(%run_scoped3A_253 : memref<!tpu.dma_semaphore, #tpu.memory_space<semaphore_mem>>)
      %dma_wait3A_258 = arith.constant 0 : i32
      %dma_wait3A_259 = tpu.memref_slice %arg5[%add3A_252, %dma_wait3A_258] : memref<20480x128xf32, #tpu.memory_space<hbm>> -> memref<640x128xf32, #tpu.memory_space<hbm>>
      %dma_wait3A_260 = arith.constant 0 : i32
      %dma_wait3A_261 = tpu.memref_slice %arg12[%mul3A_2, %dma_wait3A_260] : memref<10240x128xf32, #tpu.memory_space<vmem_shared>> -> memref<640x128xf32, #tpu.memory_space<vmem_shared>>
      tpu.wait_dma2 semaphore(%run_scoped3A_253 : memref<!tpu.dma_semaphore, #tpu.memory_space<semaphore_mem>>) src(%dma_wait3A_261 : memref<640x128xf32, #tpu.memory_space<vmem_shared>>) dst(%dma_wait3A_259 : memref<640x128xf32, #tpu.memory_space<hbm>>)
      tpu.yield
    }) : () -> ()
    return
  }
}

#map = affine_map<(d0, d1) -> (0, 0)>
#map1 = affine_map<(d0, d1) -> (0, 0, 0)>
module attributes {stable_mosaic.version = 14 : i64} {
  func.func @_scatter(%arg0: i32, %arg1: i32, %arg2: memref<10000x64xf32, #tpu.memory_space<hbm>>, %arg3: memref<32x125x80xi32, #tpu.memory_space<hbm>>, %arg4: memref<32x125x80xi32, #tpu.memory_space<hbm>>, %arg5: memref<20480x64xf32, #tpu.memory_space<hbm>>, %arg6: memref<10x80xi32, #tpu.memory_space<vmem>>, %arg7: memref<10x80xi32, #tpu.memory_space<vmem>>, %arg8: memref<6x80x64xf32, #tpu.memory_space<vmem>>, %arg9: memref<!tpu.dma_semaphore, #tpu.memory_space<semaphore_mem>>, %arg10: memref<!tpu.dma_semaphore, #tpu.memory_space<semaphore_mem>>, %arg11: memref<!tpu.dma_semaphore, #tpu.memory_space<semaphore_mem>>, %arg12: memref<10240x64xf32, #tpu.memory_space<vmem_shared>>) attributes {dimension_semantics = [#tpu.dimension_semantics<core_parallel>, #tpu.dimension_semantics<subcore_parallel>], iteration_bounds = array<i64: 2, 16>, scalar_prefetch = 0 : i64, scratch_operands = 7 : i64, tpu.core_type = #tpu.core_type<sc_vector_subcore>, window_params = [{transform_indices = #map}, {transform_indices = #map1}, {transform_indices = #map1}, {transform_indices = #map}]} {
    %mul3A = arith.constant 16 : i32
    %mul3A_0 = arith.muli %arg0, %mul3A : i32
    %add3A = arith.addi %mul3A_0, %arg1 : i32
    %mul3A_1 = arith.constant 640 : i32
    %mul3A_2 = arith.muli %arg1, %mul3A_1 : i32
    %broadcast_in_dim3A = arith.constant 0.000000e+00 : f32
    %broadcast_in_dim3A_3 = vector.broadcast %broadcast_in_dim3A : f32 to vector<16xf32>
    %scan3A = arith.constant 0 : i32
    %scan3A_4 = arith.constant 0 : i32
    %scan3A_5 = arith.constant 80 : i32
    %scan3A_6 = arith.addi %scan3A_4, %scan3A_5 : i32
    %scan3A_7 = arith.constant 1 : i32
    scf.for %scan3A_393 = %scan3A_4 to %scan3A_6 step %scan3A_7  : i32 {
      %swap3A = arith.constant 0 : i32
      %swap3A_394 = arith.index_cast %swap3A : i32 to index
      %swap3A_395 = arith.index_cast %scan3A_393 : i32 to index
      %swap3A_396 = arith.constant 0 : index
      %swap3A_397 = tpu.vector_load %arg8[%swap3A_394, %swap3A_395, %swap3A_396] {strides = array<i32>} : memref<6x80x64xf32, #tpu.memory_space<vmem>>, vector<1x1x16xf32>,
      %swap3A_398 = vector.shape_cast %swap3A_397 : vector<1x1x16xf32> to vector<16xf32>
      %swap3A_399 = vector.shape_cast %broadcast_in_dim3A_3 : vector<16xf32> to vector<1x1x16xf32>
      tpu.vector_store %arg8[%swap3A_394, %swap3A_395, %swap3A_396], %swap3A_399 {strides = array<i32>} : memref<6x80x64xf32, #tpu.memory_space<vmem>>, vector<1x1x16xf32>,
      %swap3A_400 = arith.constant 0 : i32
      %swap3A_401 = arith.index_cast %swap3A_400 : i32 to index
      %swap3A_402 = arith.index_cast %scan3A_393 : i32 to index
      %swap3A_403 = arith.constant 16 : index
      %swap3A_404 = tpu.vector_load %arg8[%swap3A_401, %swap3A_402, %swap3A_403] {strides = array<i32>} : memref<6x80x64xf32, #tpu.memory_space<vmem>>, vector<1x1x16xf32>,
      %swap3A_405 = vector.shape_cast %swap3A_404 : vector<1x1x16xf32> to vector<16xf32>
      %swap3A_406 = vector.shape_cast %broadcast_in_dim3A_3 : vector<16xf32> to vector<1x1x16xf32>
      tpu.vector_store %arg8[%swap3A_401, %swap3A_402, %swap3A_403], %swap3A_406 {strides = array<i32>} : memref<6x80x64xf32, #tpu.memory_space<vmem>>, vector<1x1x16xf32>,
      %swap3A_407 = arith.constant 0 : i32
      %swap3A_408 = arith.index_cast %swap3A_407 : i32 to index
      %swap3A_409 = arith.index_cast %scan3A_393 : i32 to index
      %swap3A_410 = arith.constant 32 : index
      %swap3A_411 = tpu.vector_load %arg8[%swap3A_408, %swap3A_409, %swap3A_410] {strides = array<i32>} : memref<6x80x64xf32, #tpu.memory_space<vmem>>, vector<1x1x16xf32>,
      %swap3A_412 = vector.shape_cast %swap3A_411 : vector<1x1x16xf32> to vector<16xf32>
      %swap3A_413 = vector.shape_cast %broadcast_in_dim3A_3 : vector<16xf32> to vector<1x1x16xf32>
      tpu.vector_store %arg8[%swap3A_408, %swap3A_409, %swap3A_410], %swap3A_413 {strides = array<i32>} : memref<6x80x64xf32, #tpu.memory_space<vmem>>, vector<1x1x16xf32>,
      %swap3A_414 = arith.constant 0 : i32
      %swap3A_415 = arith.index_cast %swap3A_414 : i32 to index
      %swap3A_416 = arith.index_cast %scan3A_393 : i32 to index
      %swap3A_417 = arith.constant 48 : index
      %swap3A_418 = tpu.vector_load %arg8[%swap3A_415, %swap3A_416, %swap3A_417] {strides = array<i32>} : memref<6x80x64xf32, #tpu.memory_space<vmem>>, vector<1x1x16xf32>,
      %swap3A_419 = vector.shape_cast %swap3A_418 : vector<1x1x16xf32> to vector<16xf32>
      %swap3A_420 = vector.shape_cast %broadcast_in_dim3A_3 : vector<16xf32> to vector<1x1x16xf32>
      tpu.vector_store %arg8[%swap3A_415, %swap3A_416, %swap3A_417], %swap3A_420 {strides = array<i32>} : memref<6x80x64xf32, #tpu.memory_space<vmem>>, vector<1x1x16xf32>,
    }
    %scan3A_8 = arith.constant 80 : i32
    %mul3A_9 = arith.constant 640 : i32
    %mul3A_10 = arith.muli %arg1, %mul3A_9 : i32
    %add3A_11 = arith.constant 0 : i32
    %add3A_12 = arith.addi %mul3A_10, %add3A_11 : i32
    %run_scoped3A = arith.constant 0 : i32
    "tpu.region"() ({
      %run_scoped3A_393 = tpu.sem_alloc : memref<!tpu.dma_semaphore, #tpu.memory_space<semaphore_mem>>
      %dma_start3A_394 = arith.constant 0 : i32
      %dma_start3A_395 = arith.constant 0 : i32
      %dma_start3A_396 = tpu.memref_slice %arg8[%run_scoped3A, %dma_start3A_394, %dma_start3A_395] : memref<6x80x64xf32, #tpu.memory_space<vmem>> -> memref<1x80x64xf32, #tpu.memory_space<vmem>>
      %dma_start3A_397 = tpu.memref_squeeze %dma_start3A_396 : memref<1x80x64xf32, #tpu.memory_space<vmem>> -> memref<80x64xf32, #tpu.memory_space<vmem>>
      %dma_start3A_398 = arith.constant 0 : i32
      %dma_start3A_399 = tpu.memref_slice %arg12[%add3A_12, %dma_start3A_398] : memref<10240x64xf32, #tpu.memory_space<vmem_shared>> -> memref<80x64xf32, #tpu.memory_space<vmem_shared>>
      %dma_start3A_400 = arith.constant 0 : i32
      %dma_start3A_401 = tpu.memref_slice %arg12[%add3A_12, %dma_start3A_400] : memref<10240x64xf32, #tpu.memory_space<vmem_shared>> -> memref<80x64xf32, #tpu.memory_space<vmem_shared>>
      %dma_start3A_402 = arith.constant 0 : i32
      %dma_start3A_403 = arith.constant 0 : i32
      %dma_start3A_404 = tpu.memref_slice %arg8[%run_scoped3A, %dma_start3A_402, %dma_start3A_403] : memref<6x80x64xf32, #tpu.memory_space<vmem>> -> memref<1x80x64xf32, #tpu.memory_space<vmem>>
      %dma_start3A_405 = tpu.memref_squeeze %dma_start3A_404 : memref<1x80x64xf32, #tpu.memory_space<vmem>> -> memref<80x64xf32, #tpu.memory_space<vmem>>
      tpu.enqueue_dma source(%dma_start3A_405 : memref<80x64xf32, #tpu.memory_space<vmem>>) target(%dma_start3A_401 : memref<80x64xf32, #tpu.memory_space<vmem_shared>>) target_semaphore(%run_scoped3A_393 : memref<!tpu.dma_semaphore, #tpu.memory_space<semaphore_mem>>)
      %dma_wait3A_406 = arith.constant 0 : i32
      %dma_wait3A_407 = arith.constant 0 : i32
      %dma_wait3A_408 = tpu.memref_slice %arg8[%run_scoped3A, %dma_wait3A_406, %dma_wait3A_407] : memref<6x80x64xf32, #tpu.memory_space<vmem>> -> memref<1x80x64xf32, #tpu.memory_space<vmem>>
      %dma_wait3A_409 = tpu.memref_squeeze %dma_wait3A_408 : memref<1x80x64xf32, #tpu.memory_space<vmem>> -> memref<80x64xf32, #tpu.memory_space<vmem>>
      %dma_wait3A_410 = arith.constant 0 : i32
      %dma_wait3A_411 = tpu.memref_slice %arg12[%add3A_12, %dma_wait3A_410] : memref<10240x64xf32, #tpu.memory_space<vmem_shared>> -> memref<80x64xf32, #tpu.memory_space<vmem_shared>>
      %dma_wait3A_412 = arith.constant 0 : i32
      %dma_wait3A_413 = tpu.memref_slice %arg12[%add3A_12, %dma_wait3A_412] : memref<10240x64xf32, #tpu.memory_space<vmem_shared>> -> memref<80x64xf32, #tpu.memory_space<vmem_shared>>
      %dma_wait3A_414 = arith.constant 0 : i32
      %dma_wait3A_415 = arith.constant 0 : i32
      %dma_wait3A_416 = tpu.memref_slice %arg8[%run_scoped3A, %dma_wait3A_414, %dma_wait3A_415] : memref<6x80x64xf32, #tpu.memory_space<vmem>> -> memref<1x80x64xf32, #tpu.memory_space<vmem>>
      %dma_wait3A_417 = tpu.memref_squeeze %dma_wait3A_416 : memref<1x80x64xf32, #tpu.memory_space<vmem>> -> memref<80x64xf32, #tpu.memory_space<vmem>>
      tpu.wait_dma2 semaphore(%run_scoped3A_393 : memref<!tpu.dma_semaphore, #tpu.memory_space<semaphore_mem>>) src(%dma_wait3A_417 : memref<80x64xf32, #tpu.memory_space<vmem>>) dst(%dma_wait3A_413 : memref<80x64xf32, #tpu.memory_space<vmem_shared>>)
      tpu.yield
    }) : () -> ()
    %mul3A_13 = arith.constant 640 : i32
    %mul3A_14 = arith.muli %arg1, %mul3A_13 : i32
    %add3A_15 = arith.constant 80 : i32
    %add3A_16 = arith.addi %mul3A_14, %add3A_15 : i32
    %run_scoped3A_17 = arith.constant 0 : i32
    "tpu.region"() ({
      %run_scoped3A_393 = tpu.sem_alloc : memref<!tpu.dma_semaphore, #tpu.memory_space<semaphore_mem>>
      %dma_start3A_394 = arith.constant 0 : i32
      %dma_start3A_395 = arith.constant 0 : i32
      %dma_start3A_396 = tpu.memref_slice %arg8[%run_scoped3A_17, %dma_start3A_394, %dma_start3A_395] : memref<6x80x64xf32, #tpu.memory_space<vmem>> -> memref<1x80x64xf32, #tpu.memory_space<vmem>>
      %dma_start3A_397 = tpu.memref_squeeze %dma_start3A_396 : memref<1x80x64xf32, #tpu.memory_space<vmem>> -> memref<80x64xf32, #tpu.memory_space<vmem>>
      %dma_start3A_398 = arith.constant 0 : i32
      %dma_start3A_399 = tpu.memref_slice %arg12[%add3A_16, %dma_start3A_398] : memref<10240x64xf32, #tpu.memory_space<vmem_shared>> -> memref<80x64xf32, #tpu.memory_space<vmem_shared>>
      %dma_start3A_400 = arith.constant 0 : i32
      %dma_start3A_401 = tpu.memref_slice %arg12[%add3A_16, %dma_start3A_400] : memref<10240x64xf32, #tpu.memory_space<vmem_shared>> -> memref<80x64xf32, #tpu.memory_space<vmem_shared>>
      %dma_start3A_402 = arith.constant 0 : i32
      %dma_start3A_403 = arith.constant 0 : i32
      %dma_start3A_404 = tpu.memref_slice %arg8[%run_scoped3A_17, %dma_start3A_402, %dma_start3A_403] : memref<6x80x64xf32, #tpu.memory_space<vmem>> -> memref<1x80x64xf32, #tpu.memory_space<vmem>>
      %dma_start3A_405 = tpu.memref_squeeze %dma_start3A_404 : memref<1x80x64xf32, #tpu.memory_space<vmem>> -> memref<80x64xf32, #tpu.memory_space<vmem>>
      tpu.enqueue_dma source(%dma_start3A_405 : memref<80x64xf32, #tpu.memory_space<vmem>>) target(%dma_start3A_401 : memref<80x64xf32, #tpu.memory_space<vmem_shared>>) target_semaphore(%run_scoped3A_393 : memref<!tpu.dma_semaphore, #tpu.memory_space<semaphore_mem>>)
      %dma_wait3A_406 = arith.constant 0 : i32
      %dma_wait3A_407 = arith.constant 0 : i32
      %dma_wait3A_408 = tpu.memref_slice %arg8[%run_scoped3A_17, %dma_wait3A_406, %dma_wait3A_407] : memref<6x80x64xf32, #tpu.memory_space<vmem>> -> memref<1x80x64xf32, #tpu.memory_space<vmem>>
      %dma_wait3A_409 = tpu.memref_squeeze %dma_wait3A_408 : memref<1x80x64xf32, #tpu.memory_space<vmem>> -> memref<80x64xf32, #tpu.memory_space<vmem>>
      %dma_wait3A_410 = arith.constant 0 : i32
      %dma_wait3A_411 = tpu.memref_slice %arg12[%add3A_16, %dma_wait3A_410] : memref<10240x64xf32, #tpu.memory_space<vmem_shared>> -> memref<80x64xf32, #tpu.memory_space<vmem_shared>>
      %dma_wait3A_412 = arith.constant 0 : i32
      %dma_wait3A_413 = tpu.memref_slice %arg12[%add3A_16, %dma_wait3A_412] : memref<10240x64xf32, #tpu.memory_space<vmem_shared>> -> memref<80x64xf32, #tpu.memory_space<vmem_shared>>
      %dma_wait3A_414 = arith.constant 0 : i32
      %dma_wait3A_415 = arith.constant 0 : i32
      %dma_wait3A_416 = tpu.memref_slice %arg8[%run_scoped3A_17, %dma_wait3A_414, %dma_wait3A_415] : memref<6x80x64xf32, #tpu.memory_space<vmem>> -> memref<1x80x64xf32, #tpu.memory_space<vmem>>
      %dma_wait3A_417 = tpu.memref_squeeze %dma_wait3A_416 : memref<1x80x64xf32, #tpu.memory_space<vmem>> -> memref<80x64xf32, #tpu.memory_space<vmem>>
      tpu.wait_dma2 semaphore(%run_scoped3A_393 : memref<!tpu.dma_semaphore, #tpu.memory_space<semaphore_mem>>) src(%dma_wait3A_417 : memref<80x64xf32, #tpu.memory_space<vmem>>) dst(%dma_wait3A_413 : memref<80x64xf32, #tpu.memory_space<vmem_shared>>)
      tpu.yield
    }) : () -> ()
    %mul3A_18 = arith.constant 640 : i32
    %mul3A_19 = arith.muli %arg1, %mul3A_18 : i32
    %add3A_20 = arith.constant 160 : i32
    %add3A_21 = arith.addi %mul3A_19, %add3A_20 : i32
    %run_scoped3A_22 = arith.constant 0 : i32
    "tpu.region"() ({
      %run_scoped3A_393 = tpu.sem_alloc : memref<!tpu.dma_semaphore, #tpu.memory_space<semaphore_mem>>
      %dma_start3A_394 = arith.constant 0 : i32
      %dma_start3A_395 = arith.constant 0 : i32
      %dma_start3A_396 = tpu.memref_slice %arg8[%run_scoped3A_22, %dma_start3A_394, %dma_start3A_395] : memref<6x80x64xf32, #tpu.memory_space<vmem>> -> memref<1x80x64xf32, #tpu.memory_space<vmem>>
      %dma_start3A_397 = tpu.memref_squeeze %dma_start3A_396 : memref<1x80x64xf32, #tpu.memory_space<vmem>> -> memref<80x64xf32, #tpu.memory_space<vmem>>
      %dma_start3A_398 = arith.constant 0 : i32
      %dma_start3A_399 = tpu.memref_slice %arg12[%add3A_21, %dma_start3A_398] : memref<10240x64xf32, #tpu.memory_space<vmem_shared>> -> memref<80x64xf32, #tpu.memory_space<vmem_shared>>
      %dma_start3A_400 = arith.constant 0 : i32
      %dma_start3A_401 = tpu.memref_slice %arg12[%add3A_21, %dma_start3A_400] : memref<10240x64xf32, #tpu.memory_space<vmem_shared>> -> memref<80x64xf32, #tpu.memory_space<vmem_shared>>
      %dma_start3A_402 = arith.constant 0 : i32
      %dma_start3A_403 = arith.constant 0 : i32
      %dma_start3A_404 = tpu.memref_slice %arg8[%run_scoped3A_22, %dma_start3A_402, %dma_start3A_403] : memref<6x80x64xf32, #tpu.memory_space<vmem>> -> memref<1x80x64xf32, #tpu.memory_space<vmem>>
      %dma_start3A_405 = tpu.memref_squeeze %dma_start3A_404 : memref<1x80x64xf32, #tpu.memory_space<vmem>> -> memref<80x64xf32, #tpu.memory_space<vmem>>
      tpu.enqueue_dma source(%dma_start3A_405 : memref<80x64xf32, #tpu.memory_space<vmem>>) target(%dma_start3A_401 : memref<80x64xf32, #tpu.memory_space<vmem_shared>>) target_semaphore(%run_scoped3A_393 : memref<!tpu.dma_semaphore, #tpu.memory_space<semaphore_mem>>)
      %dma_wait3A_406 = arith.constant 0 : i32
      %dma_wait3A_407 = arith.constant 0 : i32
      %dma_wait3A_408 = tpu.memref_slice %arg8[%run_scoped3A_22, %dma_wait3A_406, %dma_wait3A_407] : memref<6x80x64xf32, #tpu.memory_space<vmem>> -> memref<1x80x64xf32, #tpu.memory_space<vmem>>
      %dma_wait3A_409 = tpu.memref_squeeze %dma_wait3A_408 : memref<1x80x64xf32, #tpu.memory_space<vmem>> -> memref<80x64xf32, #tpu.memory_space<vmem>>
      %dma_wait3A_410 = arith.constant 0 : i32
      %dma_wait3A_411 = tpu.memref_slice %arg12[%add3A_21, %dma_wait3A_410] : memref<10240x64xf32, #tpu.memory_space<vmem_shared>> -> memref<80x64xf32, #tpu.memory_space<vmem_shared>>
      %dma_wait3A_412 = arith.constant 0 : i32
      %dma_wait3A_413 = tpu.memref_slice %arg12[%add3A_21, %dma_wait3A_412] : memref<10240x64xf32, #tpu.memory_space<vmem_shared>> -> memref<80x64xf32, #tpu.memory_space<vmem_shared>>
      %dma_wait3A_414 = arith.constant 0 : i32
      %dma_wait3A_415 = arith.constant 0 : i32
      %dma_wait3A_416 = tpu.memref_slice %arg8[%run_scoped3A_22, %dma_wait3A_414, %dma_wait3A_415] : memref<6x80x64xf32, #tpu.memory_space<vmem>> -> memref<1x80x64xf32, #tpu.memory_space<vmem>>
      %dma_wait3A_417 = tpu.memref_squeeze %dma_wait3A_416 : memref<1x80x64xf32, #tpu.memory_space<vmem>> -> memref<80x64xf32, #tpu.memory_space<vmem>>
      tpu.wait_dma2 semaphore(%run_scoped3A_393 : memref<!tpu.dma_semaphore, #tpu.memory_space<semaphore_mem>>) src(%dma_wait3A_417 : memref<80x64xf32, #tpu.memory_space<vmem>>) dst(%dma_wait3A_413 : memref<80x64xf32, #tpu.memory_space<vmem_shared>>)
      tpu.yield
    }) : () -> ()
    %mul3A_23 = arith.constant 640 : i32
    %mul3A_24 = arith.muli %arg1, %mul3A_23 : i32
    %add3A_25 = arith.constant 240 : i32
    %add3A_26 = arith.addi %mul3A_24, %add3A_25 : i32
    %run_scoped3A_27 = arith.constant 0 : i32
    "tpu.region"() ({
      %run_scoped3A_393 = tpu.sem_alloc : memref<!tpu.dma_semaphore, #tpu.memory_space<semaphore_mem>>
      %dma_start3A_394 = arith.constant 0 : i32
      %dma_start3A_395 = arith.constant 0 : i32
      %dma_start3A_396 = tpu.memref_slice %arg8[%run_scoped3A_27, %dma_start3A_394, %dma_start3A_395] : memref<6x80x64xf32, #tpu.memory_space<vmem>> -> memref<1x80x64xf32, #tpu.memory_space<vmem>>
      %dma_start3A_397 = tpu.memref_squeeze %dma_start3A_396 : memref<1x80x64xf32, #tpu.memory_space<vmem>> -> memref<80x64xf32, #tpu.memory_space<vmem>>
      %dma_start3A_398 = arith.constant 0 : i32
      %dma_start3A_399 = tpu.memref_slice %arg12[%add3A_26, %dma_start3A_398] : memref<10240x64xf32, #tpu.memory_space<vmem_shared>> -> memref<80x64xf32, #tpu.memory_space<vmem_shared>>
      %dma_start3A_400 = arith.constant 0 : i32
      %dma_start3A_401 = tpu.memref_slice %arg12[%add3A_26, %dma_start3A_400] : memref<10240x64xf32, #tpu.memory_space<vmem_shared>> -> memref<80x64xf32, #tpu.memory_space<vmem_shared>>
      %dma_start3A_402 = arith.constant 0 : i32
      %dma_start3A_403 = arith.constant 0 : i32
      %dma_start3A_404 = tpu.memref_slice %arg8[%run_scoped3A_27, %dma_start3A_402, %dma_start3A_403] : memref<6x80x64xf32, #tpu.memory_space<vmem>> -> memref<1x80x64xf32, #tpu.memory_space<vmem>>
      %dma_start3A_405 = tpu.memref_squeeze %dma_start3A_404 : memref<1x80x64xf32, #tpu.memory_space<vmem>> -> memref<80x64xf32, #tpu.memory_space<vmem>>
      tpu.enqueue_dma source(%dma_start3A_405 : memref<80x64xf32, #tpu.memory_space<vmem>>) target(%dma_start3A_401 : memref<80x64xf32, #tpu.memory_space<vmem_shared>>) target_semaphore(%run_scoped3A_393 : memref<!tpu.dma_semaphore, #tpu.memory_space<semaphore_mem>>)
      %dma_wait3A_406 = arith.constant 0 : i32
      %dma_wait3A_407 = arith.constant 0 : i32
      %dma_wait3A_408 = tpu.memref_slice %arg8[%run_scoped3A_27, %dma_wait3A_406, %dma_wait3A_407] : memref<6x80x64xf32, #tpu.memory_space<vmem>> -> memref<1x80x64xf32, #tpu.memory_space<vmem>>
      %dma_wait3A_409 = tpu.memref_squeeze %dma_wait3A_408 : memref<1x80x64xf32, #tpu.memory_space<vmem>> -> memref<80x64xf32, #tpu.memory_space<vmem>>
      %dma_wait3A_410 = arith.constant 0 : i32
      %dma_wait3A_411 = tpu.memref_slice %arg12[%add3A_26, %dma_wait3A_410] : memref<10240x64xf32, #tpu.memory_space<vmem_shared>> -> memref<80x64xf32, #tpu.memory_space<vmem_shared>>
      %dma_wait3A_412 = arith.constant 0 : i32
      %dma_wait3A_413 = tpu.memref_slice %arg12[%add3A_26, %dma_wait3A_412] : memref<10240x64xf32, #tpu.memory_space<vmem_shared>> -> memref<80x64xf32, #tpu.memory_space<vmem_shared>>
      %dma_wait3A_414 = arith.constant 0 : i32
      %dma_wait3A_415 = arith.constant 0 : i32
      %dma_wait3A_416 = tpu.memref_slice %arg8[%run_scoped3A_27, %dma_wait3A_414, %dma_wait3A_415] : memref<6x80x64xf32, #tpu.memory_space<vmem>> -> memref<1x80x64xf32, #tpu.memory_space<vmem>>
      %dma_wait3A_417 = tpu.memref_squeeze %dma_wait3A_416 : memref<1x80x64xf32, #tpu.memory_space<vmem>> -> memref<80x64xf32, #tpu.memory_space<vmem>>
      tpu.wait_dma2 semaphore(%run_scoped3A_393 : memref<!tpu.dma_semaphore, #tpu.memory_space<semaphore_mem>>) src(%dma_wait3A_417 : memref<80x64xf32, #tpu.memory_space<vmem>>) dst(%dma_wait3A_413 : memref<80x64xf32, #tpu.memory_space<vmem_shared>>)
      tpu.yield
    }) : () -> ()
    %mul3A_28 = arith.constant 640 : i32
    %mul3A_29 = arith.muli %arg1, %mul3A_28 : i32
    %add3A_30 = arith.constant 320 : i32
    %add3A_31 = arith.addi %mul3A_29, %add3A_30 : i32
    %run_scoped3A_32 = arith.constant 0 : i32
    "tpu.region"() ({
      %run_scoped3A_393 = tpu.sem_alloc : memref<!tpu.dma_semaphore, #tpu.memory_space<semaphore_mem>>
      %dma_start3A_394 = arith.constant 0 : i32
      %dma_start3A_395 = arith.constant 0 : i32
      %dma_start3A_396 = tpu.memref_slice %arg8[%run_scoped3A_32, %dma_start3A_394, %dma_start3A_395] : memref<6x80x64xf32, #tpu.memory_space<vmem>> -> memref<1x80x64xf32, #tpu.memory_space<vmem>>
      %dma_start3A_397 = tpu.memref_squeeze %dma_start3A_396 : memref<1x80x64xf32, #tpu.memory_space<vmem>> -> memref<80x64xf32, #tpu.memory_space<vmem>>
      %dma_start3A_398 = arith.constant 0 : i32
      %dma_start3A_399 = tpu.memref_slice %arg12[%add3A_31, %dma_start3A_398] : memref<10240x64xf32, #tpu.memory_space<vmem_shared>> -> memref<80x64xf32, #tpu.memory_space<vmem_shared>>
      %dma_start3A_400 = arith.constant 0 : i32
      %dma_start3A_401 = tpu.memref_slice %arg12[%add3A_31, %dma_start3A_400] : memref<10240x64xf32, #tpu.memory_space<vmem_shared>> -> memref<80x64xf32, #tpu.memory_space<vmem_shared>>
      %dma_start3A_402 = arith.constant 0 : i32
      %dma_start3A_403 = arith.constant 0 : i32
      %dma_start3A_404 = tpu.memref_slice %arg8[%run_scoped3A_32, %dma_start3A_402, %dma_start3A_403] : memref<6x80x64xf32, #tpu.memory_space<vmem>> -> memref<1x80x64xf32, #tpu.memory_space<vmem>>
      %dma_start3A_405 = tpu.memref_squeeze %dma_start3A_404 : memref<1x80x64xf32, #tpu.memory_space<vmem>> -> memref<80x64xf32, #tpu.memory_space<vmem>>
      tpu.enqueue_dma source(%dma_start3A_405 : memref<80x64xf32, #tpu.memory_space<vmem>>) target(%dma_start3A_401 : memref<80x64xf32, #tpu.memory_space<vmem_shared>>) target_semaphore(%run_scoped3A_393 : memref<!tpu.dma_semaphore, #tpu.memory_space<semaphore_mem>>)
      %dma_wait3A_406 = arith.constant 0 : i32
      %dma_wait3A_407 = arith.constant 0 : i32
      %dma_wait3A_408 = tpu.memref_slice %arg8[%run_scoped3A_32, %dma_wait3A_406, %dma_wait3A_407] : memref<6x80x64xf32, #tpu.memory_space<vmem>> -> memref<1x80x64xf32, #tpu.memory_space<vmem>>
      %dma_wait3A_409 = tpu.memref_squeeze %dma_wait3A_408 : memref<1x80x64xf32, #tpu.memory_space<vmem>> -> memref<80x64xf32, #tpu.memory_space<vmem>>
      %dma_wait3A_410 = arith.constant 0 : i32
      %dma_wait3A_411 = tpu.memref_slice %arg12[%add3A_31, %dma_wait3A_410] : memref<10240x64xf32, #tpu.memory_space<vmem_shared>> -> memref<80x64xf32, #tpu.memory_space<vmem_shared>>
      %dma_wait3A_412 = arith.constant 0 : i32
      %dma_wait3A_413 = tpu.memref_slice %arg12[%add3A_31, %dma_wait3A_412] : memref<10240x64xf32, #tpu.memory_space<vmem_shared>> -> memref<80x64xf32, #tpu.memory_space<vmem_shared>>
      %dma_wait3A_414 = arith.constant 0 : i32
      %dma_wait3A_415 = arith.constant 0 : i32
      %dma_wait3A_416 = tpu.memref_slice %arg8[%run_scoped3A_32, %dma_wait3A_414, %dma_wait3A_415] : memref<6x80x64xf32, #tpu.memory_space<vmem>> -> memref<1x80x64xf32, #tpu.memory_space<vmem>>
      %dma_wait3A_417 = tpu.memref_squeeze %dma_wait3A_416 : memref<1x80x64xf32, #tpu.memory_space<vmem>> -> memref<80x64xf32, #tpu.memory_space<vmem>>
      tpu.wait_dma2 semaphore(%run_scoped3A_393 : memref<!tpu.dma_semaphore, #tpu.memory_space<semaphore_mem>>) src(%dma_wait3A_417 : memref<80x64xf32, #tpu.memory_space<vmem>>) dst(%dma_wait3A_413 : memref<80x64xf32, #tpu.memory_space<vmem_shared>>)
      tpu.yield
    }) : () -> ()
    %mul3A_33 = arith.constant 640 : i32
    %mul3A_34 = arith.muli %arg1, %mul3A_33 : i32
    %add3A_35 = arith.constant 400 : i32
    %add3A_36 = arith.addi %mul3A_34, %add3A_35 : i32
    %run_scoped3A_37 = arith.constant 0 : i32
    "tpu.region"() ({
      %run_scoped3A_393 = tpu.sem_alloc : memref<!tpu.dma_semaphore, #tpu.memory_space<semaphore_mem>>
      %dma_start3A_394 = arith.constant 0 : i32
      %dma_start3A_395 = arith.constant 0 : i32
      %dma_start3A_396 = tpu.memref_slice %arg8[%run_scoped3A_37, %dma_start3A_394, %dma_start3A_395] : memref<6x80x64xf32, #tpu.memory_space<vmem>> -> memref<1x80x64xf32, #tpu.memory_space<vmem>>
      %dma_start3A_397 = tpu.memref_squeeze %dma_start3A_396 : memref<1x80x64xf32, #tpu.memory_space<vmem>> -> memref<80x64xf32, #tpu.memory_space<vmem>>
      %dma_start3A_398 = arith.constant 0 : i32
      %dma_start3A_399 = tpu.memref_slice %arg12[%add3A_36, %dma_start3A_398] : memref<10240x64xf32, #tpu.memory_space<vmem_shared>> -> memref<80x64xf32, #tpu.memory_space<vmem_shared>>
      %dma_start3A_400 = arith.constant 0 : i32
      %dma_start3A_401 = tpu.memref_slice %arg12[%add3A_36, %dma_start3A_400] : memref<10240x64xf32, #tpu.memory_space<vmem_shared>> -> memref<80x64xf32, #tpu.memory_space<vmem_shared>>
      %dma_start3A_402 = arith.constant 0 : i32
      %dma_start3A_403 = arith.constant 0 : i32
      %dma_start3A_404 = tpu.memref_slice %arg8[%run_scoped3A_37, %dma_start3A_402, %dma_start3A_403] : memref<6x80x64xf32, #tpu.memory_space<vmem>> -> memref<1x80x64xf32, #tpu.memory_space<vmem>>
      %dma_start3A_405 = tpu.memref_squeeze %dma_start3A_404 : memref<1x80x64xf32, #tpu.memory_space<vmem>> -> memref<80x64xf32, #tpu.memory_space<vmem>>
      tpu.enqueue_dma source(%dma_start3A_405 : memref<80x64xf32, #tpu.memory_space<vmem>>) target(%dma_start3A_401 : memref<80x64xf32, #tpu.memory_space<vmem_shared>>) target_semaphore(%run_scoped3A_393 : memref<!tpu.dma_semaphore, #tpu.memory_space<semaphore_mem>>)
      %dma_wait3A_406 = arith.constant 0 : i32
      %dma_wait3A_407 = arith.constant 0 : i32
      %dma_wait3A_408 = tpu.memref_slice %arg8[%run_scoped3A_37, %dma_wait3A_406, %dma_wait3A_407] : memref<6x80x64xf32, #tpu.memory_space<vmem>> -> memref<1x80x64xf32, #tpu.memory_space<vmem>>
      %dma_wait3A_409 = tpu.memref_squeeze %dma_wait3A_408 : memref<1x80x64xf32, #tpu.memory_space<vmem>> -> memref<80x64xf32, #tpu.memory_space<vmem>>
      %dma_wait3A_410 = arith.constant 0 : i32
      %dma_wait3A_411 = tpu.memref_slice %arg12[%add3A_36, %dma_wait3A_410] : memref<10240x64xf32, #tpu.memory_space<vmem_shared>> -> memref<80x64xf32, #tpu.memory_space<vmem_shared>>
      %dma_wait3A_412 = arith.constant 0 : i32
      %dma_wait3A_413 = tpu.memref_slice %arg12[%add3A_36, %dma_wait3A_412] : memref<10240x64xf32, #tpu.memory_space<vmem_shared>> -> memref<80x64xf32, #tpu.memory_space<vmem_shared>>
      %dma_wait3A_414 = arith.constant 0 : i32
      %dma_wait3A_415 = arith.constant 0 : i32
      %dma_wait3A_416 = tpu.memref_slice %arg8[%run_scoped3A_37, %dma_wait3A_414, %dma_wait3A_415] : memref<6x80x64xf32, #tpu.memory_space<vmem>> -> memref<1x80x64xf32, #tpu.memory_space<vmem>>
      %dma_wait3A_417 = tpu.memref_squeeze %dma_wait3A_416 : memref<1x80x64xf32, #tpu.memory_space<vmem>> -> memref<80x64xf32, #tpu.memory_space<vmem>>
      tpu.wait_dma2 semaphore(%run_scoped3A_393 : memref<!tpu.dma_semaphore, #tpu.memory_space<semaphore_mem>>) src(%dma_wait3A_417 : memref<80x64xf32, #tpu.memory_space<vmem>>) dst(%dma_wait3A_413 : memref<80x64xf32, #tpu.memory_space<vmem_shared>>)
      tpu.yield
    }) : () -> ()
    %mul3A_38 = arith.constant 640 : i32
    %mul3A_39 = arith.muli %arg1, %mul3A_38 : i32
    %add3A_40 = arith.constant 480 : i32
    %add3A_41 = arith.addi %mul3A_39, %add3A_40 : i32
    %run_scoped3A_42 = arith.constant 0 : i32
    "tpu.region"() ({
      %run_scoped3A_393 = tpu.sem_alloc : memref<!tpu.dma_semaphore, #tpu.memory_space<semaphore_mem>>
      %dma_start3A_394 = arith.constant 0 : i32
      %dma_start3A_395 = arith.constant 0 : i32
      %dma_start3A_396 = tpu.memref_slice %arg8[%run_scoped3A_42, %dma_start3A_394, %dma_start3A_395] : memref<6x80x64xf32, #tpu.memory_space<vmem>> -> memref<1x80x64xf32, #tpu.memory_space<vmem>>
      %dma_start3A_397 = tpu.memref_squeeze %dma_start3A_396 : memref<1x80x64xf32, #tpu.memory_space<vmem>> -> memref<80x64xf32, #tpu.memory_space<vmem>>
      %dma_start3A_398 = arith.constant 0 : i32
      %dma_start3A_399 = tpu.memref_slice %arg12[%add3A_41, %dma_start3A_398] : memref<10240x64xf32, #tpu.memory_space<vmem_shared>> -> memref<80x64xf32, #tpu.memory_space<vmem_shared>>
      %dma_start3A_400 = arith.constant 0 : i32
      %dma_start3A_401 = tpu.memref_slice %arg12[%add3A_41, %dma_start3A_400] : memref<10240x64xf32, #tpu.memory_space<vmem_shared>> -> memref<80x64xf32, #tpu.memory_space<vmem_shared>>
      %dma_start3A_402 = arith.constant 0 : i32
      %dma_start3A_403 = arith.constant 0 : i32
      %dma_start3A_404 = tpu.memref_slice %arg8[%run_scoped3A_42, %dma_start3A_402, %dma_start3A_403] : memref<6x80x64xf32, #tpu.memory_space<vmem>> -> memref<1x80x64xf32, #tpu.memory_space<vmem>>
      %dma_start3A_405 = tpu.memref_squeeze %dma_start3A_404 : memref<1x80x64xf32, #tpu.memory_space<vmem>> -> memref<80x64xf32, #tpu.memory_space<vmem>>
      tpu.enqueue_dma source(%dma_start3A_405 : memref<80x64xf32, #tpu.memory_space<vmem>>) target(%dma_start3A_401 : memref<80x64xf32, #tpu.memory_space<vmem_shared>>) target_semaphore(%run_scoped3A_393 : memref<!tpu.dma_semaphore, #tpu.memory_space<semaphore_mem>>)
      %dma_wait3A_406 = arith.constant 0 : i32
      %dma_wait3A_407 = arith.constant 0 : i32
      %dma_wait3A_408 = tpu.memref_slice %arg8[%run_scoped3A_42, %dma_wait3A_406, %dma_wait3A_407] : memref<6x80x64xf32, #tpu.memory_space<vmem>> -> memref<1x80x64xf32, #tpu.memory_space<vmem>>
      %dma_wait3A_409 = tpu.memref_squeeze %dma_wait3A_408 : memref<1x80x64xf32, #tpu.memory_space<vmem>> -> memref<80x64xf32, #tpu.memory_space<vmem>>
      %dma_wait3A_410 = arith.constant 0 : i32
      %dma_wait3A_411 = tpu.memref_slice %arg12[%add3A_41, %dma_wait3A_410] : memref<10240x64xf32, #tpu.memory_space<vmem_shared>> -> memref<80x64xf32, #tpu.memory_space<vmem_shared>>
      %dma_wait3A_412 = arith.constant 0 : i32
      %dma_wait3A_413 = tpu.memref_slice %arg12[%add3A_41, %dma_wait3A_412] : memref<10240x64xf32, #tpu.memory_space<vmem_shared>> -> memref<80x64xf32, #tpu.memory_space<vmem_shared>>
      %dma_wait3A_414 = arith.constant 0 : i32
      %dma_wait3A_415 = arith.constant 0 : i32
      %dma_wait3A_416 = tpu.memref_slice %arg8[%run_scoped3A_42, %dma_wait3A_414, %dma_wait3A_415] : memref<6x80x64xf32, #tpu.memory_space<vmem>> -> memref<1x80x64xf32, #tpu.memory_space<vmem>>
      %dma_wait3A_417 = tpu.memref_squeeze %dma_wait3A_416 : memref<1x80x64xf32, #tpu.memory_space<vmem>> -> memref<80x64xf32, #tpu.memory_space<vmem>>
      tpu.wait_dma2 semaphore(%run_scoped3A_393 : memref<!tpu.dma_semaphore, #tpu.memory_space<semaphore_mem>>) src(%dma_wait3A_417 : memref<80x64xf32, #tpu.memory_space<vmem>>) dst(%dma_wait3A_413 : memref<80x64xf32, #tpu.memory_space<vmem_shared>>)
      tpu.yield
    }) : () -> ()
    %mul3A_43 = arith.constant 640 : i32
    %mul3A_44 = arith.muli %arg1, %mul3A_43 : i32
    %add3A_45 = arith.constant 560 : i32
    %add3A_46 = arith.addi %mul3A_44, %add3A_45 : i32
    %run_scoped3A_47 = arith.constant 0 : i32
    "tpu.region"() ({
      %run_scoped3A_393 = tpu.sem_alloc : memref<!tpu.dma_semaphore, #tpu.memory_space<semaphore_mem>>
      %dma_start3A_394 = arith.constant 0 : i32
      %dma_start3A_395 = arith.constant 0 : i32
      %dma_start3A_396 = tpu.memref_slice %arg8[%run_scoped3A_47, %dma_start3A_394, %dma_start3A_395] : memref<6x80x64xf32, #tpu.memory_space<vmem>> -> memref<1x80x64xf32, #tpu.memory_space<vmem>>
      %dma_start3A_397 = tpu.memref_squeeze %dma_start3A_396 : memref<1x80x64xf32, #tpu.memory_space<vmem>> -> memref<80x64xf32, #tpu.memory_space<vmem>>
      %dma_start3A_398 = arith.constant 0 : i32
      %dma_start3A_399 = tpu.memref_slice %arg12[%add3A_46, %dma_start3A_398] : memref<10240x64xf32, #tpu.memory_space<vmem_shared>> -> memref<80x64xf32, #tpu.memory_space<vmem_shared>>
      %dma_start3A_400 = arith.constant 0 : i32
      %dma_start3A_401 = tpu.memref_slice %arg12[%add3A_46, %dma_start3A_400] : memref<10240x64xf32, #tpu.memory_space<vmem_shared>> -> memref<80x64xf32, #tpu.memory_space<vmem_shared>>
      %dma_start3A_402 = arith.constant 0 : i32
      %dma_start3A_403 = arith.constant 0 : i32
      %dma_start3A_404 = tpu.memref_slice %arg8[%run_scoped3A_47, %dma_start3A_402, %dma_start3A_403] : memref<6x80x64xf32, #tpu.memory_space<vmem>> -> memref<1x80x64xf32, #tpu.memory_space<vmem>>
      %dma_start3A_405 = tpu.memref_squeeze %dma_start3A_404 : memref<1x80x64xf32, #tpu.memory_space<vmem>> -> memref<80x64xf32, #tpu.memory_space<vmem>>
      tpu.enqueue_dma source(%dma_start3A_405 : memref<80x64xf32, #tpu.memory_space<vmem>>) target(%dma_start3A_401 : memref<80x64xf32, #tpu.memory_space<vmem_shared>>) target_semaphore(%run_scoped3A_393 : memref<!tpu.dma_semaphore, #tpu.memory_space<semaphore_mem>>)
      %dma_wait3A_406 = arith.constant 0 : i32
      %dma_wait3A_407 = arith.constant 0 : i32
      %dma_wait3A_408 = tpu.memref_slice %arg8[%run_scoped3A_47, %dma_wait3A_406, %dma_wait3A_407] : memref<6x80x64xf32, #tpu.memory_space<vmem>> -> memref<1x80x64xf32, #tpu.memory_space<vmem>>
      %dma_wait3A_409 = tpu.memref_squeeze %dma_wait3A_408 : memref<1x80x64xf32, #tpu.memory_space<vmem>> -> memref<80x64xf32, #tpu.memory_space<vmem>>
      %dma_wait3A_410 = arith.constant 0 : i32
      %dma_wait3A_411 = tpu.memref_slice %arg12[%add3A_46, %dma_wait3A_410] : memref<10240x64xf32, #tpu.memory_space<vmem_shared>> -> memref<80x64xf32, #tpu.memory_space<vmem_shared>>
      %dma_wait3A_412 = arith.constant 0 : i32
      %dma_wait3A_413 = tpu.memref_slice %arg12[%add3A_46, %dma_wait3A_412] : memref<10240x64xf32, #tpu.memory_space<vmem_shared>> -> memref<80x64xf32, #tpu.memory_space<vmem_shared>>
      %dma_wait3A_414 = arith.constant 0 : i32
      %dma_wait3A_415 = arith.constant 0 : i32
      %dma_wait3A_416 = tpu.memref_slice %arg8[%run_scoped3A_47, %dma_wait3A_414, %dma_wait3A_415] : memref<6x80x64xf32, #tpu.memory_space<vmem>> -> memref<1x80x64xf32, #tpu.memory_space<vmem>>
      %dma_wait3A_417 = tpu.memref_squeeze %dma_wait3A_416 : memref<1x80x64xf32, #tpu.memory_space<vmem>> -> memref<80x64xf32, #tpu.memory_space<vmem>>
      tpu.wait_dma2 semaphore(%run_scoped3A_393 : memref<!tpu.dma_semaphore, #tpu.memory_space<semaphore_mem>>) src(%dma_wait3A_417 : memref<80x64xf32, #tpu.memory_space<vmem>>) dst(%dma_wait3A_413 : memref<80x64xf32, #tpu.memory_space<vmem_shared>>)
      tpu.yield
    }) : () -> ()
    %barrier3A = arith.constant 0 : index
    tpu.barrier barrier_id(%barrier3A)
    %dma_start3A = arith.constant 0 : i32
    %dma_start3A_48 = arith.constant 0 : i32
    %dma_start3A_49 = arith.constant 0 : i32
    %dma_start3A_50 = tpu.memref_slice %arg6[%dma_start3A_48, %dma_start3A_49] : memref<10x80xi32, #tpu.memory_space<vmem>> -> memref<1x80xi32, #tpu.memory_space<vmem>>
    %dma_start3A_51 = tpu.memref_squeeze %dma_start3A_50 : memref<1x80xi32, #tpu.memory_space<vmem>> -> memref<80xi32, #tpu.memory_space<vmem>>
    %dma_start3A_52 = arith.constant 0 : i32
    %dma_start3A_53 = tpu.memref_slice %arg3[%add3A, %dma_start3A, %dma_start3A_52] : memref<32x125x80xi32, #tpu.memory_space<hbm>> -> memref<1x1x80xi32, #tpu.memory_space<hbm>>
    %dma_start3A_54 = tpu.memref_squeeze %dma_start3A_53 : memref<1x1x80xi32, #tpu.memory_space<hbm>> -> memref<80xi32, #tpu.memory_space<hbm>>
    %dma_start3A_55 = arith.constant 0 : i32
    %dma_start3A_56 = tpu.memref_slice %arg6[%dma_start3A_48, %dma_start3A_55] : memref<10x80xi32, #tpu.memory_space<vmem>> -> memref<1x80xi32, #tpu.memory_space<vmem>>
    %dma_start3A_57 = tpu.memref_squeeze %dma_start3A_56 : memref<1x80xi32, #tpu.memory_space<vmem>> -> memref<80xi32, #tpu.memory_space<vmem>>
    %dma_start3A_58 = arith.constant 0 : i32
    %dma_start3A_59 = tpu.memref_slice %arg3[%add3A, %dma_start3A, %dma_start3A_58] : memref<32x125x80xi32, #tpu.memory_space<hbm>> -> memref<1x1x80xi32, #tpu.memory_space<hbm>>
    %dma_start3A_60 = tpu.memref_squeeze %dma_start3A_59 : memref<1x1x80xi32, #tpu.memory_space<hbm>> -> memref<80xi32, #tpu.memory_space<hbm>>
    tpu.enqueue_dma source(%dma_start3A_60 : memref<80xi32, #tpu.memory_space<hbm>>) target(%dma_start3A_57 : memref<80xi32, #tpu.memory_space<vmem>>) target_semaphore(%arg10 : memref<!tpu.dma_semaphore, #tpu.memory_space<semaphore_mem>>)
    %dma_start3A_61 = arith.constant 0 : i32
    %dma_start3A_62 = arith.constant 0 : i32
    %dma_start3A_63 = arith.constant 0 : i32
    %dma_start3A_64 = tpu.memref_slice %arg7[%dma_start3A_62, %dma_start3A_63] : memref<10x80xi32, #tpu.memory_space<vmem>> -> memref<1x80xi32, #tpu.memory_space<vmem>>
    %dma_start3A_65 = tpu.memref_squeeze %dma_start3A_64 : memref<1x80xi32, #tpu.memory_space<vmem>> -> memref<80xi32, #tpu.memory_space<vmem>>
    %dma_start3A_66 = arith.constant 0 : i32
    %dma_start3A_67 = tpu.memref_slice %arg4[%add3A, %dma_start3A_61, %dma_start3A_66] : memref<32x125x80xi32, #tpu.memory_space<hbm>> -> memref<1x1x80xi32, #tpu.memory_space<hbm>>
    %dma_start3A_68 = tpu.memref_squeeze %dma_start3A_67 : memref<1x1x80xi32, #tpu.memory_space<hbm>> -> memref<80xi32, #tpu.memory_space<hbm>>
    %dma_start3A_69 = arith.constant 0 : i32
    %dma_start3A_70 = tpu.memref_slice %arg7[%dma_start3A_62, %dma_start3A_69] : memref<10x80xi32, #tpu.memory_space<vmem>> -> memref<1x80xi32, #tpu.memory_space<vmem>>
    %dma_start3A_71 = tpu.memref_squeeze %dma_start3A_70 : memref<1x80xi32, #tpu.memory_space<vmem>> -> memref<80xi32, #tpu.memory_space<vmem>>
    %dma_start3A_72 = arith.constant 0 : i32
    %dma_start3A_73 = tpu.memref_slice %arg4[%add3A, %dma_start3A_61, %dma_start3A_72] : memref<32x125x80xi32, #tpu.memory_space<hbm>> -> memref<1x1x80xi32, #tpu.memory_space<hbm>>
    %dma_start3A_74 = tpu.memref_squeeze %dma_start3A_73 : memref<1x1x80xi32, #tpu.memory_space<hbm>> -> memref<80xi32, #tpu.memory_space<hbm>>
    tpu.enqueue_dma source(%dma_start3A_74 : memref<80xi32, #tpu.memory_space<hbm>>) target(%dma_start3A_71 : memref<80xi32, #tpu.memory_space<vmem>>) target_semaphore(%arg10 : memref<!tpu.dma_semaphore, #tpu.memory_space<semaphore_mem>>)
    %dma_start3A_75 = arith.constant 1 : i32
    %dma_start3A_76 = arith.constant 1 : i32
    %dma_start3A_77 = arith.constant 0 : i32
    %dma_start3A_78 = tpu.memref_slice %arg6[%dma_start3A_76, %dma_start3A_77] : memref<10x80xi32, #tpu.memory_space<vmem>> -> memref<1x80xi32, #tpu.memory_space<vmem>>
    %dma_start3A_79 = tpu.memref_squeeze %dma_start3A_78 : memref<1x80xi32, #tpu.memory_space<vmem>> -> memref<80xi32, #tpu.memory_space<vmem>>
    %dma_start3A_80 = arith.constant 0 : i32
    %dma_start3A_81 = tpu.memref_slice %arg3[%add3A, %dma_start3A_75, %dma_start3A_80] : memref<32x125x80xi32, #tpu.memory_space<hbm>> -> memref<1x1x80xi32, #tpu.memory_space<hbm>>
    %dma_start3A_82 = tpu.memref_squeeze %dma_start3A_81 : memref<1x1x80xi32, #tpu.memory_space<hbm>> -> memref<80xi32, #tpu.memory_space<hbm>>
    %dma_start3A_83 = arith.constant 0 : i32
    %dma_start3A_84 = tpu.memref_slice %arg6[%dma_start3A_76, %dma_start3A_83] : memref<10x80xi32, #tpu.memory_space<vmem>> -> memref<1x80xi32, #tpu.memory_space<vmem>>
    %dma_start3A_85 = tpu.memref_squeeze %dma_start3A_84 : memref<1x80xi32, #tpu.memory_space<vmem>> -> memref<80xi32, #tpu.memory_space<vmem>>
    %dma_start3A_86 = arith.constant 0 : i32
    %dma_start3A_87 = tpu.memref_slice %arg3[%add3A, %dma_start3A_75, %dma_start3A_86] : memref<32x125x80xi32, #tpu.memory_space<hbm>> -> memref<1x1x80xi32, #tpu.memory_space<hbm>>
    %dma_start3A_88 = tpu.memref_squeeze %dma_start3A_87 : memref<1x1x80xi32, #tpu.memory_space<hbm>> -> memref<80xi32, #tpu.memory_space<hbm>>
    tpu.enqueue_dma source(%dma_start3A_88 : memref<80xi32, #tpu.memory_space<hbm>>) target(%dma_start3A_85 : memref<80xi32, #tpu.memory_space<vmem>>) target_semaphore(%arg10 : memref<!tpu.dma_semaphore, #tpu.memory_space<semaphore_mem>>)
    %dma_start3A_89 = arith.constant 1 : i32
    %dma_start3A_90 = arith.constant 1 : i32
    %dma_start3A_91 = arith.constant 0 : i32
    %dma_start3A_92 = tpu.memref_slice %arg7[%dma_start3A_90, %dma_start3A_91] : memref<10x80xi32, #tpu.memory_space<vmem>> -> memref<1x80xi32, #tpu.memory_space<vmem>>
    %dma_start3A_93 = tpu.memref_squeeze %dma_start3A_92 : memref<1x80xi32, #tpu.memory_space<vmem>> -> memref<80xi32, #tpu.memory_space<vmem>>
    %dma_start3A_94 = arith.constant 0 : i32
    %dma_start3A_95 = tpu.memref_slice %arg4[%add3A, %dma_start3A_89, %dma_start3A_94] : memref<32x125x80xi32, #tpu.memory_space<hbm>> -> memref<1x1x80xi32, #tpu.memory_space<hbm>>
    %dma_start3A_96 = tpu.memref_squeeze %dma_start3A_95 : memref<1x1x80xi32, #tpu.memory_space<hbm>> -> memref<80xi32, #tpu.memory_space<hbm>>
    %dma_start3A_97 = arith.constant 0 : i32
    %dma_start3A_98 = tpu.memref_slice %arg7[%dma_start3A_90, %dma_start3A_97] : memref<10x80xi32, #tpu.memory_space<vmem>> -> memref<1x80xi32, #tpu.memory_space<vmem>>
    %dma_start3A_99 = tpu.memref_squeeze %dma_start3A_98 : memref<1x80xi32, #tpu.memory_space<vmem>> -> memref<80xi32, #tpu.memory_space<vmem>>
    %dma_start3A_100 = arith.constant 0 : i32
    %dma_start3A_101 = tpu.memref_slice %arg4[%add3A, %dma_start3A_89, %dma_start3A_100] : memref<32x125x80xi32, #tpu.memory_space<hbm>> -> memref<1x1x80xi32, #tpu.memory_space<hbm>>
    %dma_start3A_102 = tpu.memref_squeeze %dma_start3A_101 : memref<1x1x80xi32, #tpu.memory_space<hbm>> -> memref<80xi32, #tpu.memory_space<hbm>>
    tpu.enqueue_dma source(%dma_start3A_102 : memref<80xi32, #tpu.memory_space<hbm>>) target(%dma_start3A_99 : memref<80xi32, #tpu.memory_space<vmem>>) target_semaphore(%arg10 : memref<!tpu.dma_semaphore, #tpu.memory_space<semaphore_mem>>)
    %dma_start3A_103 = arith.constant 2 : i32
    %dma_start3A_104 = arith.constant 2 : i32
    %dma_start3A_105 = arith.constant 0 : i32
    %dma_start3A_106 = tpu.memref_slice %arg6[%dma_start3A_104, %dma_start3A_105] : memref<10x80xi32, #tpu.memory_space<vmem>> -> memref<1x80xi32, #tpu.memory_space<vmem>>
    %dma_start3A_107 = tpu.memref_squeeze %dma_start3A_106 : memref<1x80xi32, #tpu.memory_space<vmem>> -> memref<80xi32, #tpu.memory_space<vmem>>
    %dma_start3A_108 = arith.constant 0 : i32
    %dma_start3A_109 = tpu.memref_slice %arg3[%add3A, %dma_start3A_103, %dma_start3A_108] : memref<32x125x80xi32, #tpu.memory_space<hbm>> -> memref<1x1x80xi32, #tpu.memory_space<hbm>>
    %dma_start3A_110 = tpu.memref_squeeze %dma_start3A_109 : memref<1x1x80xi32, #tpu.memory_space<hbm>> -> memref<80xi32, #tpu.memory_space<hbm>>
    %dma_start3A_111 = arith.constant 0 : i32
    %dma_start3A_112 = tpu.memref_slice %arg6[%dma_start3A_104, %dma_start3A_111] : memref<10x80xi32, #tpu.memory_space<vmem>> -> memref<1x80xi32, #tpu.memory_space<vmem>>
    %dma_start3A_113 = tpu.memref_squeeze %dma_start3A_112 : memref<1x80xi32, #tpu.memory_space<vmem>> -> memref<80xi32, #tpu.memory_space<vmem>>
    %dma_start3A_114 = arith.constant 0 : i32
    %dma_start3A_115 = tpu.memref_slice %arg3[%add3A, %dma_start3A_103, %dma_start3A_114] : memref<32x125x80xi32, #tpu.memory_space<hbm>> -> memref<1x1x80xi32, #tpu.memory_space<hbm>>
    %dma_start3A_116 = tpu.memref_squeeze %dma_start3A_115 : memref<1x1x80xi32, #tpu.memory_space<hbm>> -> memref<80xi32, #tpu.memory_space<hbm>>
    tpu.enqueue_dma source(%dma_start3A_116 : memref<80xi32, #tpu.memory_space<hbm>>) target(%dma_start3A_113 : memref<80xi32, #tpu.memory_space<vmem>>) target_semaphore(%arg10 : memref<!tpu.dma_semaphore, #tpu.memory_space<semaphore_mem>>)
    %dma_start3A_117 = arith.constant 2 : i32
    %dma_start3A_118 = arith.constant 2 : i32
    %dma_start3A_119 = arith.constant 0 : i32
    %dma_start3A_120 = tpu.memref_slice %arg7[%dma_start3A_118, %dma_start3A_119] : memref<10x80xi32, #tpu.memory_space<vmem>> -> memref<1x80xi32, #tpu.memory_space<vmem>>
    %dma_start3A_121 = tpu.memref_squeeze %dma_start3A_120 : memref<1x80xi32, #tpu.memory_space<vmem>> -> memref<80xi32, #tpu.memory_space<vmem>>
    %dma_start3A_122 = arith.constant 0 : i32
    %dma_start3A_123 = tpu.memref_slice %arg4[%add3A, %dma_start3A_117, %dma_start3A_122] : memref<32x125x80xi32, #tpu.memory_space<hbm>> -> memref<1x1x80xi32, #tpu.memory_space<hbm>>
    %dma_start3A_124 = tpu.memref_squeeze %dma_start3A_123 : memref<1x1x80xi32, #tpu.memory_space<hbm>> -> memref<80xi32, #tpu.memory_space<hbm>>
    %dma_start3A_125 = arith.constant 0 : i32
    %dma_start3A_126 = tpu.memref_slice %arg7[%dma_start3A_118, %dma_start3A_125] : memref<10x80xi32, #tpu.memory_space<vmem>> -> memref<1x80xi32, #tpu.memory_space<vmem>>
    %dma_start3A_127 = tpu.memref_squeeze %dma_start3A_126 : memref<1x80xi32, #tpu.memory_space<vmem>> -> memref<80xi32, #tpu.memory_space<vmem>>
    %dma_start3A_128 = arith.constant 0 : i32
    %dma_start3A_129 = tpu.memref_slice %arg4[%add3A, %dma_start3A_117, %dma_start3A_128] : memref<32x125x80xi32, #tpu.memory_space<hbm>> -> memref<1x1x80xi32, #tpu.memory_space<hbm>>
    %dma_start3A_130 = tpu.memref_squeeze %dma_start3A_129 : memref<1x1x80xi32, #tpu.memory_space<hbm>> -> memref<80xi32, #tpu.memory_space<hbm>>
    tpu.enqueue_dma source(%dma_start3A_130 : memref<80xi32, #tpu.memory_space<hbm>>) target(%dma_start3A_127 : memref<80xi32, #tpu.memory_space<vmem>>) target_semaphore(%arg10 : memref<!tpu.dma_semaphore, #tpu.memory_space<semaphore_mem>>)
    %dma_start3A_131 = arith.constant 3 : i32
    %dma_start3A_132 = arith.constant 3 : i32
    %dma_start3A_133 = arith.constant 0 : i32
    %dma_start3A_134 = tpu.memref_slice %arg6[%dma_start3A_132, %dma_start3A_133] : memref<10x80xi32, #tpu.memory_space<vmem>> -> memref<1x80xi32, #tpu.memory_space<vmem>>
    %dma_start3A_135 = tpu.memref_squeeze %dma_start3A_134 : memref<1x80xi32, #tpu.memory_space<vmem>> -> memref<80xi32, #tpu.memory_space<vmem>>
    %dma_start3A_136 = arith.constant 0 : i32
    %dma_start3A_137 = tpu.memref_slice %arg3[%add3A, %dma_start3A_131, %dma_start3A_136] : memref<32x125x80xi32, #tpu.memory_space<hbm>> -> memref<1x1x80xi32, #tpu.memory_space<hbm>>
    %dma_start3A_138 = tpu.memref_squeeze %dma_start3A_137 : memref<1x1x80xi32, #tpu.memory_space<hbm>> -> memref<80xi32, #tpu.memory_space<hbm>>
    %dma_start3A_139 = arith.constant 0 : i32
    %dma_start3A_140 = tpu.memref_slice %arg6[%dma_start3A_132, %dma_start3A_139] : memref<10x80xi32, #tpu.memory_space<vmem>> -> memref<1x80xi32, #tpu.memory_space<vmem>>
    %dma_start3A_141 = tpu.memref_squeeze %dma_start3A_140 : memref<1x80xi32, #tpu.memory_space<vmem>> -> memref<80xi32, #tpu.memory_space<vmem>>
    %dma_start3A_142 = arith.constant 0 : i32
    %dma_start3A_143 = tpu.memref_slice %arg3[%add3A, %dma_start3A_131, %dma_start3A_142] : memref<32x125x80xi32, #tpu.memory_space<hbm>> -> memref<1x1x80xi32, #tpu.memory_space<hbm>>
    %dma_start3A_144 = tpu.memref_squeeze %dma_start3A_143 : memref<1x1x80xi32, #tpu.memory_space<hbm>> -> memref<80xi32, #tpu.memory_space<hbm>>
    tpu.enqueue_dma source(%dma_start3A_144 : memref<80xi32, #tpu.memory_space<hbm>>) target(%dma_start3A_141 : memref<80xi32, #tpu.memory_space<vmem>>) target_semaphore(%arg10 : memref<!tpu.dma_semaphore, #tpu.memory_space<semaphore_mem>>)
    %dma_start3A_145 = arith.constant 3 : i32
    %dma_start3A_146 = arith.constant 3 : i32
    %dma_start3A_147 = arith.constant 0 : i32
    %dma_start3A_148 = tpu.memref_slice %arg7[%dma_start3A_146, %dma_start3A_147] : memref<10x80xi32, #tpu.memory_space<vmem>> -> memref<1x80xi32, #tpu.memory_space<vmem>>
    %dma_start3A_149 = tpu.memref_squeeze %dma_start3A_148 : memref<1x80xi32, #tpu.memory_space<vmem>> -> memref<80xi32, #tpu.memory_space<vmem>>
    %dma_start3A_150 = arith.constant 0 : i32
    %dma_start3A_151 = tpu.memref_slice %arg4[%add3A, %dma_start3A_145, %dma_start3A_150] : memref<32x125x80xi32, #tpu.memory_space<hbm>> -> memref<1x1x80xi32, #tpu.memory_space<hbm>>
    %dma_start3A_152 = tpu.memref_squeeze %dma_start3A_151 : memref<1x1x80xi32, #tpu.memory_space<hbm>> -> memref<80xi32, #tpu.memory_space<hbm>>
    %dma_start3A_153 = arith.constant 0 : i32
    %dma_start3A_154 = tpu.memref_slice %arg7[%dma_start3A_146, %dma_start3A_153] : memref<10x80xi32, #tpu.memory_space<vmem>> -> memref<1x80xi32, #tpu.memory_space<vmem>>
    %dma_start3A_155 = tpu.memref_squeeze %dma_start3A_154 : memref<1x80xi32, #tpu.memory_space<vmem>> -> memref<80xi32, #tpu.memory_space<vmem>>
    %dma_start3A_156 = arith.constant 0 : i32
    %dma_start3A_157 = tpu.memref_slice %arg4[%add3A, %dma_start3A_145, %dma_start3A_156] : memref<32x125x80xi32, #tpu.memory_space<hbm>> -> memref<1x1x80xi32, #tpu.memory_space<hbm>>
    %dma_start3A_158 = tpu.memref_squeeze %dma_start3A_157 : memref<1x1x80xi32, #tpu.memory_space<hbm>> -> memref<80xi32, #tpu.memory_space<hbm>>
    tpu.enqueue_dma source(%dma_start3A_158 : memref<80xi32, #tpu.memory_space<hbm>>) target(%dma_start3A_155 : memref<80xi32, #tpu.memory_space<vmem>>) target_semaphore(%arg10 : memref<!tpu.dma_semaphore, #tpu.memory_space<semaphore_mem>>)
    %dma_start3A_159 = arith.constant 4 : i32
    %dma_start3A_160 = arith.constant 4 : i32
    %dma_start3A_161 = arith.constant 0 : i32
    %dma_start3A_162 = tpu.memref_slice %arg6[%dma_start3A_160, %dma_start3A_161] : memref<10x80xi32, #tpu.memory_space<vmem>> -> memref<1x80xi32, #tpu.memory_space<vmem>>
    %dma_start3A_163 = tpu.memref_squeeze %dma_start3A_162 : memref<1x80xi32, #tpu.memory_space<vmem>> -> memref<80xi32, #tpu.memory_space<vmem>>
    %dma_start3A_164 = arith.constant 0 : i32
    %dma_start3A_165 = tpu.memref_slice %arg3[%add3A, %dma_start3A_159, %dma_start3A_164] : memref<32x125x80xi32, #tpu.memory_space<hbm>> -> memref<1x1x80xi32, #tpu.memory_space<hbm>>
    %dma_start3A_166 = tpu.memref_squeeze %dma_start3A_165 : memref<1x1x80xi32, #tpu.memory_space<hbm>> -> memref<80xi32, #tpu.memory_space<hbm>>
    %dma_start3A_167 = arith.constant 0 : i32
    %dma_start3A_168 = tpu.memref_slice %arg6[%dma_start3A_160, %dma_start3A_167] : memref<10x80xi32, #tpu.memory_space<vmem>> -> memref<1x80xi32, #tpu.memory_space<vmem>>
    %dma_start3A_169 = tpu.memref_squeeze %dma_start3A_168 : memref<1x80xi32, #tpu.memory_space<vmem>> -> memref<80xi32, #tpu.memory_space<vmem>>
    %dma_start3A_170 = arith.constant 0 : i32
    %dma_start3A_171 = tpu.memref_slice %arg3[%add3A, %dma_start3A_159, %dma_start3A_170] : memref<32x125x80xi32, #tpu.memory_space<hbm>> -> memref<1x1x80xi32, #tpu.memory_space<hbm>>
    %dma_start3A_172 = tpu.memref_squeeze %dma_start3A_171 : memref<1x1x80xi32, #tpu.memory_space<hbm>> -> memref<80xi32, #tpu.memory_space<hbm>>
    tpu.enqueue_dma source(%dma_start3A_172 : memref<80xi32, #tpu.memory_space<hbm>>) target(%dma_start3A_169 : memref<80xi32, #tpu.memory_space<vmem>>) target_semaphore(%arg10 : memref<!tpu.dma_semaphore, #tpu.memory_space<semaphore_mem>>)
    %dma_start3A_173 = arith.constant 4 : i32
    %dma_start3A_174 = arith.constant 4 : i32
    %dma_start3A_175 = arith.constant 0 : i32
    %dma_start3A_176 = tpu.memref_slice %arg7[%dma_start3A_174, %dma_start3A_175] : memref<10x80xi32, #tpu.memory_space<vmem>> -> memref<1x80xi32, #tpu.memory_space<vmem>>
    %dma_start3A_177 = tpu.memref_squeeze %dma_start3A_176 : memref<1x80xi32, #tpu.memory_space<vmem>> -> memref<80xi32, #tpu.memory_space<vmem>>
    %dma_start3A_178 = arith.constant 0 : i32
    %dma_start3A_179 = tpu.memref_slice %arg4[%add3A, %dma_start3A_173, %dma_start3A_178] : memref<32x125x80xi32, #tpu.memory_space<hbm>> -> memref<1x1x80xi32, #tpu.memory_space<hbm>>
    %dma_start3A_180 = tpu.memref_squeeze %dma_start3A_179 : memref<1x1x80xi32, #tpu.memory_space<hbm>> -> memref<80xi32, #tpu.memory_space<hbm>>
    %dma_start3A_181 = arith.constant 0 : i32
    %dma_start3A_182 = tpu.memref_slice %arg7[%dma_start3A_174, %dma_start3A_181] : memref<10x80xi32, #tpu.memory_space<vmem>> -> memref<1x80xi32, #tpu.memory_space<vmem>>
    %dma_start3A_183 = tpu.memref_squeeze %dma_start3A_182 : memref<1x80xi32, #tpu.memory_space<vmem>> -> memref<80xi32, #tpu.memory_space<vmem>>
    %dma_start3A_184 = arith.constant 0 : i32
    %dma_start3A_185 = tpu.memref_slice %arg4[%add3A, %dma_start3A_173, %dma_start3A_184] : memref<32x125x80xi32, #tpu.memory_space<hbm>> -> memref<1x1x80xi32, #tpu.memory_space<hbm>>
    %dma_start3A_186 = tpu.memref_squeeze %dma_start3A_185 : memref<1x1x80xi32, #tpu.memory_space<hbm>> -> memref<80xi32, #tpu.memory_space<hbm>>
    tpu.enqueue_dma source(%dma_start3A_186 : memref<80xi32, #tpu.memory_space<hbm>>) target(%dma_start3A_183 : memref<80xi32, #tpu.memory_space<vmem>>) target_semaphore(%arg10 : memref<!tpu.dma_semaphore, #tpu.memory_space<semaphore_mem>>)
    %dma_start3A_187 = arith.constant 5 : i32
    %dma_start3A_188 = arith.constant 5 : i32
    %dma_start3A_189 = arith.constant 0 : i32
    %dma_start3A_190 = tpu.memref_slice %arg6[%dma_start3A_188, %dma_start3A_189] : memref<10x80xi32, #tpu.memory_space<vmem>> -> memref<1x80xi32, #tpu.memory_space<vmem>>
    %dma_start3A_191 = tpu.memref_squeeze %dma_start3A_190 : memref<1x80xi32, #tpu.memory_space<vmem>> -> memref<80xi32, #tpu.memory_space<vmem>>
    %dma_start3A_192 = arith.constant 0 : i32
    %dma_start3A_193 = tpu.memref_slice %arg3[%add3A, %dma_start3A_187, %dma_start3A_192] : memref<32x125x80xi32, #tpu.memory_space<hbm>> -> memref<1x1x80xi32, #tpu.memory_space<hbm>>
    %dma_start3A_194 = tpu.memref_squeeze %dma_start3A_193 : memref<1x1x80xi32, #tpu.memory_space<hbm>> -> memref<80xi32, #tpu.memory_space<hbm>>
    %dma_start3A_195 = arith.constant 0 : i32
    %dma_start3A_196 = tpu.memref_slice %arg6[%dma_start3A_188, %dma_start3A_195] : memref<10x80xi32, #tpu.memory_space<vmem>> -> memref<1x80xi32, #tpu.memory_space<vmem>>
    %dma_start3A_197 = tpu.memref_squeeze %dma_start3A_196 : memref<1x80xi32, #tpu.memory_space<vmem>> -> memref<80xi32, #tpu.memory_space<vmem>>
    %dma_start3A_198 = arith.constant 0 : i32
    %dma_start3A_199 = tpu.memref_slice %arg3[%add3A, %dma_start3A_187, %dma_start3A_198] : memref<32x125x80xi32, #tpu.memory_space<hbm>> -> memref<1x1x80xi32, #tpu.memory_space<hbm>>
    %dma_start3A_200 = tpu.memref_squeeze %dma_start3A_199 : memref<1x1x80xi32, #tpu.memory_space<hbm>> -> memref<80xi32, #tpu.memory_space<hbm>>
    tpu.enqueue_dma source(%dma_start3A_200 : memref<80xi32, #tpu.memory_space<hbm>>) target(%dma_start3A_197 : memref<80xi32, #tpu.memory_space<vmem>>) target_semaphore(%arg10 : memref<!tpu.dma_semaphore, #tpu.memory_space<semaphore_mem>>)
    %dma_start3A_201 = arith.constant 5 : i32
    %dma_start3A_202 = arith.constant 5 : i32
    %dma_start3A_203 = arith.constant 0 : i32
    %dma_start3A_204 = tpu.memref_slice %arg7[%dma_start3A_202, %dma_start3A_203] : memref<10x80xi32, #tpu.memory_space<vmem>> -> memref<1x80xi32, #tpu.memory_space<vmem>>
    %dma_start3A_205 = tpu.memref_squeeze %dma_start3A_204 : memref<1x80xi32, #tpu.memory_space<vmem>> -> memref<80xi32, #tpu.memory_space<vmem>>
    %dma_start3A_206 = arith.constant 0 : i32
    %dma_start3A_207 = tpu.memref_slice %arg4[%add3A, %dma_start3A_201, %dma_start3A_206] : memref<32x125x80xi32, #tpu.memory_space<hbm>> -> memref<1x1x80xi32, #tpu.memory_space<hbm>>
    %dma_start3A_208 = tpu.memref_squeeze %dma_start3A_207 : memref<1x1x80xi32, #tpu.memory_space<hbm>> -> memref<80xi32, #tpu.memory_space<hbm>>
    %dma_start3A_209 = arith.constant 0 : i32
    %dma_start3A_210 = tpu.memref_slice %arg7[%dma_start3A_202, %dma_start3A_209] : memref<10x80xi32, #tpu.memory_space<vmem>> -> memref<1x80xi32, #tpu.memory_space<vmem>>
    %dma_start3A_211 = tpu.memref_squeeze %dma_start3A_210 : memref<1x80xi32, #tpu.memory_space<vmem>> -> memref<80xi32, #tpu.memory_space<vmem>>
    %dma_start3A_212 = arith.constant 0 : i32
    %dma_start3A_213 = tpu.memref_slice %arg4[%add3A, %dma_start3A_201, %dma_start3A_212] : memref<32x125x80xi32, #tpu.memory_space<hbm>> -> memref<1x1x80xi32, #tpu.memory_space<hbm>>
    %dma_start3A_214 = tpu.memref_squeeze %dma_start3A_213 : memref<1x1x80xi32, #tpu.memory_space<hbm>> -> memref<80xi32, #tpu.memory_space<hbm>>
    tpu.enqueue_dma source(%dma_start3A_214 : memref<80xi32, #tpu.memory_space<hbm>>) target(%dma_start3A_211 : memref<80xi32, #tpu.memory_space<vmem>>) target_semaphore(%arg10 : memref<!tpu.dma_semaphore, #tpu.memory_space<semaphore_mem>>)
    %dma_wait3A = arith.constant 0 : i32
    %dma_wait3A_215 = arith.constant 0 : i32
    %dma_wait3A_216 = arith.constant 0 : i32
    %dma_wait3A_217 = tpu.memref_slice %arg6[%dma_wait3A_215, %dma_wait3A_216] : memref<10x80xi32, #tpu.memory_space<vmem>> -> memref<1x80xi32, #tpu.memory_space<vmem>>
    %dma_wait3A_218 = tpu.memref_squeeze %dma_wait3A_217 : memref<1x80xi32, #tpu.memory_space<vmem>> -> memref<80xi32, #tpu.memory_space<vmem>>
    %dma_wait3A_219 = arith.constant 0 : i32
    %dma_wait3A_220 = tpu.memref_slice %arg3[%add3A, %dma_wait3A, %dma_wait3A_219] : memref<32x125x80xi32, #tpu.memory_space<hbm>> -> memref<1x1x80xi32, #tpu.memory_space<hbm>>
    %dma_wait3A_221 = tpu.memref_squeeze %dma_wait3A_220 : memref<1x1x80xi32, #tpu.memory_space<hbm>> -> memref<80xi32, #tpu.memory_space<hbm>>
    %dma_wait3A_222 = arith.constant 0 : i32
    %dma_wait3A_223 = tpu.memref_slice %arg6[%dma_wait3A_215, %dma_wait3A_222] : memref<10x80xi32, #tpu.memory_space<vmem>> -> memref<1x80xi32, #tpu.memory_space<vmem>>
    %dma_wait3A_224 = tpu.memref_squeeze %dma_wait3A_223 : memref<1x80xi32, #tpu.memory_space<vmem>> -> memref<80xi32, #tpu.memory_space<vmem>>
    %dma_wait3A_225 = arith.constant 0 : i32
    %dma_wait3A_226 = tpu.memref_slice %arg3[%add3A, %dma_wait3A, %dma_wait3A_225] : memref<32x125x80xi32, #tpu.memory_space<hbm>> -> memref<1x1x80xi32, #tpu.memory_space<hbm>>
    %dma_wait3A_227 = tpu.memref_squeeze %dma_wait3A_226 : memref<1x1x80xi32, #tpu.memory_space<hbm>> -> memref<80xi32, #tpu.memory_space<hbm>>
    tpu.wait_dma2 semaphore(%arg10 : memref<!tpu.dma_semaphore, #tpu.memory_space<semaphore_mem>>) src(%dma_wait3A_227 : memref<80xi32, #tpu.memory_space<hbm>>) dst(%dma_wait3A_224 : memref<80xi32, #tpu.memory_space<vmem>>)
    %dma_wait3A_228 = arith.constant 0 : i32
    %dma_wait3A_229 = arith.constant 0 : i32
    %dma_wait3A_230 = arith.constant 0 : i32
    %dma_wait3A_231 = tpu.memref_slice %arg7[%dma_wait3A_229, %dma_wait3A_230] : memref<10x80xi32, #tpu.memory_space<vmem>> -> memref<1x80xi32, #tpu.memory_space<vmem>>
    %dma_wait3A_232 = tpu.memref_squeeze %dma_wait3A_231 : memref<1x80xi32, #tpu.memory_space<vmem>> -> memref<80xi32, #tpu.memory_space<vmem>>
    %dma_wait3A_233 = arith.constant 0 : i32
    %dma_wait3A_234 = tpu.memref_slice %arg4[%add3A, %dma_wait3A_228, %dma_wait3A_233] : memref<32x125x80xi32, #tpu.memory_space<hbm>> -> memref<1x1x80xi32, #tpu.memory_space<hbm>>
    %dma_wait3A_235 = tpu.memref_squeeze %dma_wait3A_234 : memref<1x1x80xi32, #tpu.memory_space<hbm>> -> memref<80xi32, #tpu.memory_space<hbm>>
    %dma_wait3A_236 = arith.constant 0 : i32
    %dma_wait3A_237 = tpu.memref_slice %arg7[%dma_wait3A_229, %dma_wait3A_236] : memref<10x80xi32, #tpu.memory_space<vmem>> -> memref<1x80xi32, #tpu.memory_space<vmem>>
    %dma_wait3A_238 = tpu.memref_squeeze %dma_wait3A_237 : memref<1x80xi32, #tpu.memory_space<vmem>> -> memref<80xi32, #tpu.memory_space<vmem>>
    %dma_wait3A_239 = arith.constant 0 : i32
    %dma_wait3A_240 = tpu.memref_slice %arg4[%add3A, %dma_wait3A_228, %dma_wait3A_239] : memref<32x125x80xi32, #tpu.memory_space<hbm>> -> memref<1x1x80xi32, #tpu.memory_space<hbm>>
    %dma_wait3A_241 = tpu.memref_squeeze %dma_wait3A_240 : memref<1x1x80xi32, #tpu.memory_space<hbm>> -> memref<80xi32, #tpu.memory_space<hbm>>
    tpu.wait_dma2 semaphore(%arg10 : memref<!tpu.dma_semaphore, #tpu.memory_space<semaphore_mem>>) src(%dma_wait3A_241 : memref<80xi32, #tpu.memory_space<hbm>>) dst(%dma_wait3A_238 : memref<80xi32, #tpu.memory_space<vmem>>)
    %dma_start3A_242 = arith.constant 0 : i32
    %dma_start3A_243 = arith.constant 0 : i32
    %dma_start3A_244 = arith.constant 0 : i32
    %dma_start3A_245 = arith.constant 0 : i32
    %dma_start3A_246 = tpu.memref_slice %arg8[%dma_start3A_243, %dma_start3A_244, %dma_start3A_245] : memref<6x80x64xf32, #tpu.memory_space<vmem>> -> memref<1x80x64xf32, #tpu.memory_space<vmem>>
    %dma_start3A_247 = tpu.memref_squeeze %dma_start3A_246 : memref<1x80x64xf32, #tpu.memory_space<vmem>> -> memref<80x64xf32, #tpu.memory_space<vmem>>
    %dma_start3A_248 = arith.constant 0 : i32
    %dma_start3A_249 = tpu.memref_slice %arg6[%dma_start3A_242, %dma_start3A_248] : memref<10x80xi32, #tpu.memory_space<vmem>> -> memref<1x80xi32, #tpu.memory_space<vmem>>
    %dma_start3A_250 = tpu.memref_squeeze %dma_start3A_249 : memref<1x80xi32, #tpu.memory_space<vmem>> -> memref<80xi32, #tpu.memory_space<vmem>>
    %dma_start3A_251 = arith.constant 0 : i32
    %dma_start3A_252 = arith.constant 0 : i32
    %dma_start3A_253 = tpu.memref_slice %arg2[%dma_start3A_251, %dma_start3A_252] : memref<10000x64xf32, #tpu.memory_space<hbm>> -> memref<10000x64xf32, #tpu.memory_space<hbm>>
    tpu.enqueue_indirect_dma source(%dma_start3A_253 : memref<10000x64xf32, #tpu.memory_space<hbm>>) target(%dma_start3A_247 : memref<80x64xf32, #tpu.memory_space<vmem>>) offsets(%dma_start3A_250 : memref<80xi32, #tpu.memory_space<vmem>>) semaphore(%arg9 : memref<!tpu.dma_semaphore, #tpu.memory_space<semaphore_mem>>)
    %dma_wait3A_254 = arith.constant 0 : i32
    %dma_wait3A_255 = arith.constant 1 : i32
    %dma_wait3A_256 = arith.constant 0 : i32
    %dma_wait3A_257 = tpu.memref_slice %arg6[%dma_wait3A_255, %dma_wait3A_256] : memref<10x80xi32, #tpu.memory_space<vmem>> -> memref<1x80xi32, #tpu.memory_space<vmem>>
    %dma_wait3A_258 = tpu.memref_squeeze %dma_wait3A_257 : memref<1x80xi32, #tpu.memory_space<vmem>> -> memref<80xi32, #tpu.memory_space<vmem>>
    %dma_wait3A_259 = arith.constant 0 : i32
    %dma_wait3A_260 = tpu.memref_slice %arg3[%add3A, %dma_wait3A_254, %dma_wait3A_259] : memref<32x125x80xi32, #tpu.memory_space<hbm>> -> memref<1x1x80xi32, #tpu.memory_space<hbm>>
    %dma_wait3A_261 = tpu.memref_squeeze %dma_wait3A_260 : memref<1x1x80xi32, #tpu.memory_space<hbm>> -> memref<80xi32, #tpu.memory_space<hbm>>
    %dma_wait3A_262 = arith.constant 0 : i32
    %dma_wait3A_263 = tpu.memref_slice %arg6[%dma_wait3A_255, %dma_wait3A_262] : memref<10x80xi32, #tpu.memory_space<vmem>> -> memref<1x80xi32, #tpu.memory_space<vmem>>
    %dma_wait3A_264 = tpu.memref_squeeze %dma_wait3A_263 : memref<1x80xi32, #tpu.memory_space<vmem>> -> memref<80xi32, #tpu.memory_space<vmem>>
    %dma_wait3A_265 = arith.constant 0 : i32
    %dma_wait3A_266 = tpu.memref_slice %arg3[%add3A, %dma_wait3A_254, %dma_wait3A_265] : memref<32x125x80xi32, #tpu.memory_space<hbm>> -> memref<1x1x80xi32, #tpu.memory_space<hbm>>
    %dma_wait3A_267 = tpu.memref_squeeze %dma_wait3A_266 : memref<1x1x80xi32, #tpu.memory_space<hbm>> -> memref<80xi32, #tpu.memory_space<hbm>>
    tpu.wait_dma2 semaphore(%arg10 : memref<!tpu.dma_semaphore, #tpu.memory_space<semaphore_mem>>) src(%dma_wait3A_267 : memref<80xi32, #tpu.memory_space<hbm>>) dst(%dma_wait3A_264 : memref<80xi32, #tpu.memory_space<vmem>>)
    %dma_wait3A_268 = arith.constant 0 : i32
    %dma_wait3A_269 = arith.constant 1 : i32
    %dma_wait3A_270 = arith.constant 0 : i32
    %dma_wait3A_271 = tpu.memref_slice %arg7[%dma_wait3A_269, %dma_wait3A_270] : memref<10x80xi32, #tpu.memory_space<vmem>> -> memref<1x80xi32, #tpu.memory_space<vmem>>
    %dma_wait3A_272 = tpu.memref_squeeze %dma_wait3A_271 : memref<1x80xi32, #tpu.memory_space<vmem>> -> memref<80xi32, #tpu.memory_space<vmem>>
    %dma_wait3A_273 = arith.constant 0 : i32
    %dma_wait3A_274 = tpu.memref_slice %arg4[%add3A, %dma_wait3A_268, %dma_wait3A_273] : memref<32x125x80xi32, #tpu.memory_space<hbm>> -> memref<1x1x80xi32, #tpu.memory_space<hbm>>
    %dma_wait3A_275 = tpu.memref_squeeze %dma_wait3A_274 : memref<1x1x80xi32, #tpu.memory_space<hbm>> -> memref<80xi32, #tpu.memory_space<hbm>>
    %dma_wait3A_276 = arith.constant 0 : i32
    %dma_wait3A_277 = tpu.memref_slice %arg7[%dma_wait3A_269, %dma_wait3A_276] : memref<10x80xi32, #tpu.memory_space<vmem>> -> memref<1x80xi32, #tpu.memory_space<vmem>>
    %dma_wait3A_278 = tpu.memref_squeeze %dma_wait3A_277 : memref<1x80xi32, #tpu.memory_space<vmem>> -> memref<80xi32, #tpu.memory_space<vmem>>
    %dma_wait3A_279 = arith.constant 0 : i32
    %dma_wait3A_280 = tpu.memref_slice %arg4[%add3A, %dma_wait3A_268, %dma_wait3A_279] : memref<32x125x80xi32, #tpu.memory_space<hbm>> -> memref<1x1x80xi32, #tpu.memory_space<hbm>>
    %dma_wait3A_281 = tpu.memref_squeeze %dma_wait3A_280 : memref<1x1x80xi32, #tpu.memory_space<hbm>> -> memref<80xi32, #tpu.memory_space<hbm>>
    tpu.wait_dma2 semaphore(%arg10 : memref<!tpu.dma_semaphore, #tpu.memory_space<semaphore_mem>>) src(%dma_wait3A_281 : memref<80xi32, #tpu.memory_space<hbm>>) dst(%dma_wait3A_278 : memref<80xi32, #tpu.memory_space<vmem>>)
    %dma_start3A_282 = arith.constant 1 : i32
    %dma_start3A_283 = arith.constant 1 : i32
    %dma_start3A_284 = arith.constant 0 : i32
    %dma_start3A_285 = arith.constant 0 : i32
    %dma_start3A_286 = tpu.memref_slice %arg8[%dma_start3A_283, %dma_start3A_284, %dma_start3A_285] : memref<6x80x64xf32, #tpu.memory_space<vmem>> -> memref<1x80x64xf32, #tpu.memory_space<vmem>>
    %dma_start3A_287 = tpu.memref_squeeze %dma_start3A_286 : memref<1x80x64xf32, #tpu.memory_space<vmem>> -> memref<80x64xf32, #tpu.memory_space<vmem>>
    %dma_start3A_288 = arith.constant 0 : i32
    %dma_start3A_289 = tpu.memref_slice %arg6[%dma_start3A_282, %dma_start3A_288] : memref<10x80xi32, #tpu.memory_space<vmem>> -> memref<1x80xi32, #tpu.memory_space<vmem>>
    %dma_start3A_290 = tpu.memref_squeeze %dma_start3A_289 : memref<1x80xi32, #tpu.memory_space<vmem>> -> memref<80xi32, #tpu.memory_space<vmem>>
    %dma_start3A_291 = arith.constant 0 : i32
    %dma_start3A_292 = arith.constant 0 : i32
    %dma_start3A_293 = tpu.memref_slice %arg2[%dma_start3A_291, %dma_start3A_292] : memref<10000x64xf32, #tpu.memory_space<hbm>> -> memref<10000x64xf32, #tpu.memory_space<hbm>>
    tpu.enqueue_indirect_dma source(%dma_start3A_293 : memref<10000x64xf32, #tpu.memory_space<hbm>>) target(%dma_start3A_287 : memref<80x64xf32, #tpu.memory_space<vmem>>) offsets(%dma_start3A_290 : memref<80xi32, #tpu.memory_space<vmem>>) semaphore(%arg9 : memref<!tpu.dma_semaphore, #tpu.memory_space<semaphore_mem>>)
    %dma_wait3A_294 = arith.constant 0 : i32
    %dma_wait3A_295 = arith.constant 2 : i32
    %dma_wait3A_296 = arith.constant 0 : i32
    %dma_wait3A_297 = tpu.memref_slice %arg6[%dma_wait3A_295, %dma_wait3A_296] : memref<10x80xi32, #tpu.memory_space<vmem>> -> memref<1x80xi32, #tpu.memory_space<vmem>>
    %dma_wait3A_298 = tpu.memref_squeeze %dma_wait3A_297 : memref<1x80xi32, #tpu.memory_space<vmem>> -> memref<80xi32, #tpu.memory_space<vmem>>
    %dma_wait3A_299 = arith.constant 0 : i32
    %dma_wait3A_300 = tpu.memref_slice %arg3[%add3A, %dma_wait3A_294, %dma_wait3A_299] : memref<32x125x80xi32, #tpu.memory_space<hbm>> -> memref<1x1x80xi32, #tpu.memory_space<hbm>>
    %dma_wait3A_301 = tpu.memref_squeeze %dma_wait3A_300 : memref<1x1x80xi32, #tpu.memory_space<hbm>> -> memref<80xi32, #tpu.memory_space<hbm>>
    %dma_wait3A_302 = arith.constant 0 : i32
    %dma_wait3A_303 = tpu.memref_slice %arg6[%dma_wait3A_295, %dma_wait3A_302] : memref<10x80xi32, #tpu.memory_space<vmem>> -> memref<1x80xi32, #tpu.memory_space<vmem>>
    %dma_wait3A_304 = tpu.memref_squeeze %dma_wait3A_303 : memref<1x80xi32, #tpu.memory_space<vmem>> -> memref<80xi32, #tpu.memory_space<vmem>>
    %dma_wait3A_305 = arith.constant 0 : i32
    %dma_wait3A_306 = tpu.memref_slice %arg3[%add3A, %dma_wait3A_294, %dma_wait3A_305] : memref<32x125x80xi32, #tpu.memory_space<hbm>> -> memref<1x1x80xi32, #tpu.memory_space<hbm>>
    %dma_wait3A_307 = tpu.memref_squeeze %dma_wait3A_306 : memref<1x1x80xi32, #tpu.memory_space<hbm>> -> memref<80xi32, #tpu.memory_space<hbm>>
    tpu.wait_dma2 semaphore(%arg10 : memref<!tpu.dma_semaphore, #tpu.memory_space<semaphore_mem>>) src(%dma_wait3A_307 : memref<80xi32, #tpu.memory_space<hbm>>) dst(%dma_wait3A_304 : memref<80xi32, #tpu.memory_space<vmem>>)
    %dma_wait3A_308 = arith.constant 0 : i32
    %dma_wait3A_309 = arith.constant 2 : i32
    %dma_wait3A_310 = arith.constant 0 : i32
    %dma_wait3A_311 = tpu.memref_slice %arg7[%dma_wait3A_309, %dma_wait3A_310] : memref<10x80xi32, #tpu.memory_space<vmem>> -> memref<1x80xi32, #tpu.memory_space<vmem>>
    %dma_wait3A_312 = tpu.memref_squeeze %dma_wait3A_311 : memref<1x80xi32, #tpu.memory_space<vmem>> -> memref<80xi32, #tpu.memory_space<vmem>>
    %dma_wait3A_313 = arith.constant 0 : i32
    %dma_wait3A_314 = tpu.memref_slice %arg4[%add3A, %dma_wait3A_308, %dma_wait3A_313] : memref<32x125x80xi32, #tpu.memory_space<hbm>> -> memref<1x1x80xi32, #tpu.memory_space<hbm>>
    %dma_wait3A_315 = tpu.memref_squeeze %dma_wait3A_314 : memref<1x1x80xi32, #tpu.memory_space<hbm>> -> memref<80xi32, #tpu.memory_space<hbm>>
    %dma_wait3A_316 = arith.constant 0 : i32
    %dma_wait3A_317 = tpu.memref_slice %arg7[%dma_wait3A_309, %dma_wait3A_316] : memref<10x80xi32, #tpu.memory_space<vmem>> -> memref<1x80xi32, #tpu.memory_space<vmem>>
    %dma_wait3A_318 = tpu.memref_squeeze %dma_wait3A_317 : memref<1x80xi32, #tpu.memory_space<vmem>> -> memref<80xi32, #tpu.memory_space<vmem>>
    %dma_wait3A_319 = arith.constant 0 : i32
    %dma_wait3A_320 = tpu.memref_slice %arg4[%add3A, %dma_wait3A_308, %dma_wait3A_319] : memref<32x125x80xi32, #tpu.memory_space<hbm>> -> memref<1x1x80xi32, #tpu.memory_space<hbm>>
    %dma_wait3A_321 = tpu.memref_squeeze %dma_wait3A_320 : memref<1x1x80xi32, #tpu.memory_space<hbm>> -> memref<80xi32, #tpu.memory_space<hbm>>
    tpu.wait_dma2 semaphore(%arg10 : memref<!tpu.dma_semaphore, #tpu.memory_space<semaphore_mem>>) src(%dma_wait3A_321 : memref<80xi32, #tpu.memory_space<hbm>>) dst(%dma_wait3A_318 : memref<80xi32, #tpu.memory_space<vmem>>)
    %dma_start3A_322 = arith.constant 2 : i32
    %dma_start3A_323 = arith.constant 2 : i32
    %dma_start3A_324 = arith.constant 0 : i32
    %dma_start3A_325 = arith.constant 0 : i32
    %dma_start3A_326 = tpu.memref_slice %arg8[%dma_start3A_323, %dma_start3A_324, %dma_start3A_325] : memref<6x80x64xf32, #tpu.memory_space<vmem>> -> memref<1x80x64xf32, #tpu.memory_space<vmem>>
    %dma_start3A_327 = tpu.memref_squeeze %dma_start3A_326 : memref<1x80x64xf32, #tpu.memory_space<vmem>> -> memref<80x64xf32, #tpu.memory_space<vmem>>
    %dma_start3A_328 = arith.constant 0 : i32
    %dma_start3A_329 = tpu.memref_slice %arg6[%dma_start3A_322, %dma_start3A_328] : memref<10x80xi32, #tpu.memory_space<vmem>> -> memref<1x80xi32, #tpu.memory_space<vmem>>
    %dma_start3A_330 = tpu.memref_squeeze %dma_start3A_329 : memref<1x80xi32, #tpu.memory_space<vmem>> -> memref<80xi32, #tpu.memory_space<vmem>>
    %dma_start3A_331 = arith.constant 0 : i32
    %dma_start3A_332 = arith.constant 0 : i32
    %dma_start3A_333 = tpu.memref_slice %arg2[%dma_start3A_331, %dma_start3A_332] : memref<10000x64xf32, #tpu.memory_space<hbm>> -> memref<10000x64xf32, #tpu.memory_space<hbm>>
    tpu.enqueue_indirect_dma source(%dma_start3A_333 : memref<10000x64xf32, #tpu.memory_space<hbm>>) target(%dma_start3A_327 : memref<80x64xf32, #tpu.memory_space<vmem>>) offsets(%dma_start3A_330 : memref<80xi32, #tpu.memory_space<vmem>>) semaphore(%arg9 : memref<!tpu.dma_semaphore, #tpu.memory_space<semaphore_mem>>)
    %scan3A_334 = arith.constant 0 : i32
    %scan3A_335 = arith.constant 0 : i32
    %scan3A_336 = arith.constant 125 : i32
    %scan3A_337 = arith.addi %scan3A_335, %scan3A_336 : i32
    %scan3A_338 = arith.constant 1 : i32
    scf.for %scan3A_393 = %scan3A_335 to %scan3A_337 step %scan3A_338  : i32 {
      %rem3A_394 = arith.constant 6 : i32
      %rem3A_395 = arith.remsi %scan3A_393, %rem3A_394 : i32
      %rem3A_396 = arith.constant 10 : i32
      %rem3A_397 = arith.remsi %scan3A_393, %rem3A_396 : i32
      %dma_wait3A_398 = arith.constant 0 : i32
      %dma_wait3A_399 = arith.constant 0 : i32
      %dma_wait3A_400 = tpu.memref_slice %arg8[%rem3A_395, %dma_wait3A_398, %dma_wait3A_399] : memref<6x80x64xf32, #tpu.memory_space<vmem>> -> memref<1x80x64xf32, #tpu.memory_space<vmem>>
      %dma_wait3A_401 = tpu.memref_squeeze %dma_wait3A_400 : memref<1x80x64xf32, #tpu.memory_space<vmem>> -> memref<80x64xf32, #tpu.memory_space<vmem>>
      %dma_wait3A_402 = arith.constant 0 : i32
      %dma_wait3A_403 = tpu.memref_slice %arg6[%rem3A_397, %dma_wait3A_402] : memref<10x80xi32, #tpu.memory_space<vmem>> -> memref<1x80xi32, #tpu.memory_space<vmem>>
      %dma_wait3A_404 = tpu.memref_squeeze %dma_wait3A_403 : memref<1x80xi32, #tpu.memory_space<vmem>> -> memref<80xi32, #tpu.memory_space<vmem>>
      %dma_wait3A_405 = arith.constant 0 : i32
      %dma_wait3A_406 = arith.constant 0 : i32
      %dma_wait3A_407 = tpu.memref_slice %arg2[%dma_wait3A_405, %dma_wait3A_406] : memref<10000x64xf32, #tpu.memory_space<hbm>> -> memref<10000x64xf32, #tpu.memory_space<hbm>>
      tpu.wait_indirect_dma semaphore(%arg9 : memref<!tpu.dma_semaphore, #tpu.memory_space<semaphore_mem>>) src(%dma_wait3A_407 : memref<10000x64xf32, #tpu.memory_space<hbm>>) dst(%dma_wait3A_401 : memref<80x64xf32, #tpu.memory_space<vmem>>)
      %dma_start3A_408 = arith.constant 0 : i32
      %dma_start3A_409 = arith.constant 0 : i32
      %dma_start3A_410 = tpu.memref_slice %arg8[%rem3A_395, %dma_start3A_408, %dma_start3A_409] : memref<6x80x64xf32, #tpu.memory_space<vmem>> -> memref<1x80x64xf32, #tpu.memory_space<vmem>>
      %dma_start3A_411 = tpu.memref_squeeze %dma_start3A_410 : memref<1x80x64xf32, #tpu.memory_space<vmem>> -> memref<80x64xf32, #tpu.memory_space<vmem>>
      %dma_start3A_412 = arith.constant 0 : i32
      %dma_start3A_413 = tpu.memref_slice %arg7[%rem3A_397, %dma_start3A_412] : memref<10x80xi32, #tpu.memory_space<vmem>> -> memref<1x80xi32, #tpu.memory_space<vmem>>
      %dma_start3A_414 = tpu.memref_squeeze %dma_start3A_413 : memref<1x80xi32, #tpu.memory_space<vmem>> -> memref<80xi32, #tpu.memory_space<vmem>>
      %dma_start3A_415 = arith.constant 0 : i32
      %dma_start3A_416 = arith.constant 0 : i32
      %dma_start3A_417 = tpu.memref_slice %arg12[%dma_start3A_415, %dma_start3A_416] : memref<10240x64xf32, #tpu.memory_space<vmem_shared>> -> memref<10240x64xf32, #tpu.memory_space<vmem_shared>>
      tpu.enqueue_indirect_dma source(%dma_start3A_411 : memref<80x64xf32, #tpu.memory_space<vmem>>) target(%dma_start3A_417 : memref<10240x64xf32, #tpu.memory_space<vmem_shared>>) offsets(%dma_start3A_414 : memref<80xi32, #tpu.memory_space<vmem>>) semaphore(%arg11 : memref<!tpu.dma_semaphore, #tpu.memory_space<semaphore_mem>>) {add = true}
      %sub3A = arith.constant 3 : i32
      %sub3A_418 = arith.subi %scan3A_393, %sub3A : i32
      %ge3A = arith.constant 0 : i32
      %ge3A_419 = arith.cmpi sge, %sub3A_418, %ge3A : i32
      %convert_element_type3A = arith.extui %ge3A_419 : i1 to i32
      %cond3A = arith.constant 0 : i32
      %cond3A_420 = arith.cmpi ne, %convert_element_type3A, %cond3A : i32
      scf.if %cond3A_420 {
        %sub3A_434 = arith.constant 3 : i32
        %sub3A_435 = arith.subi %scan3A_393, %sub3A_434 : i32
        %rem3A_436 = arith.constant 10 : i32
        %rem3A_437 = arith.remsi %sub3A_435, %rem3A_436 : i32
        %sub3A_438 = arith.constant 3 : i32
        %sub3A_439 = arith.subi %scan3A_393, %sub3A_438 : i32
        %rem3A_440 = arith.constant 6 : i32
        %rem3A_441 = arith.remsi %sub3A_439, %rem3A_440 : i32
        %dma_wait3A_442 = arith.constant 0 : i32
        %dma_wait3A_443 = arith.constant 0 : i32
        %dma_wait3A_444 = tpu.memref_slice %arg8[%rem3A_441, %dma_wait3A_442, %dma_wait3A_443] : memref<6x80x64xf32, #tpu.memory_space<vmem>> -> memref<1x80x64xf32, #tpu.memory_space<vmem>>
        %dma_wait3A_445 = tpu.memref_squeeze %dma_wait3A_444 : memref<1x80x64xf32, #tpu.memory_space<vmem>> -> memref<80x64xf32, #tpu.memory_space<vmem>>
        %dma_wait3A_446 = arith.constant 0 : i32
        %dma_wait3A_447 = tpu.memref_slice %arg7[%rem3A_437, %dma_wait3A_446] : memref<10x80xi32, #tpu.memory_space<vmem>> -> memref<1x80xi32, #tpu.memory_space<vmem>>
        %dma_wait3A_448 = tpu.memref_squeeze %dma_wait3A_447 : memref<1x80xi32, #tpu.memory_space<vmem>> -> memref<80xi32, #tpu.memory_space<vmem>>
        %dma_wait3A_449 = arith.constant 0 : i32
        %dma_wait3A_450 = arith.constant 0 : i32
        %dma_wait3A_451 = tpu.memref_slice %arg12[%dma_wait3A_449, %dma_wait3A_450] : memref<10240x64xf32, #tpu.memory_space<vmem_shared>> -> memref<10240x64xf32, #tpu.memory_space<vmem_shared>>
        tpu.wait_indirect_dma semaphore(%arg11 : memref<!tpu.dma_semaphore, #tpu.memory_space<semaphore_mem>>) src(%dma_wait3A_445 : memref<80x64xf32, #tpu.memory_space<vmem>>) dst(%dma_wait3A_451 : memref<10240x64xf32, #tpu.memory_space<vmem_shared>>)
      } else {
      }
      %add3A_421 = arith.constant 3 : i32
      %add3A_422 = arith.addi %scan3A_393, %add3A_421 : i32
      %lt3A = arith.constant 125 : i32
      %lt3A_423 = arith.cmpi slt, %add3A_422, %lt3A : i32
      %convert_element_type3A_424 = arith.extui %lt3A_423 : i1 to i32
      %cond3A_425 = arith.constant 0 : i32
      %cond3A_426 = arith.cmpi ne, %convert_element_type3A_424, %cond3A_425 : i32
      scf.if %cond3A_426 {
        %add3A_434 = arith.constant 3 : i32
        %add3A_435 = arith.addi %scan3A_393, %add3A_434 : i32
        %rem3A_436 = arith.constant 10 : i32
        %rem3A_437 = arith.remsi %add3A_435, %rem3A_436 : i32
        %dma_wait3A_438 = arith.constant 0 : i32
        %dma_wait3A_439 = arith.constant 0 : i32
        %dma_wait3A_440 = tpu.memref_slice %arg6[%rem3A_437, %dma_wait3A_439] : memref<10x80xi32, #tpu.memory_space<vmem>> -> memref<1x80xi32, #tpu.memory_space<vmem>>
        %dma_wait3A_441 = tpu.memref_squeeze %dma_wait3A_440 : memref<1x80xi32, #tpu.memory_space<vmem>> -> memref<80xi32, #tpu.memory_space<vmem>>
        %dma_wait3A_442 = arith.constant 0 : i32
        %dma_wait3A_443 = tpu.memref_slice %arg3[%add3A, %dma_wait3A_438, %dma_wait3A_442] : memref<32x125x80xi32, #tpu.memory_space<hbm>> -> memref<1x1x80xi32, #tpu.memory_space<hbm>>
        %dma_wait3A_444 = tpu.memref_squeeze %dma_wait3A_443 : memref<1x1x80xi32, #tpu.memory_space<hbm>> -> memref<80xi32, #tpu.memory_space<hbm>>
        %dma_wait3A_445 = arith.constant 0 : i32
        %dma_wait3A_446 = tpu.memref_slice %arg6[%rem3A_437, %dma_wait3A_445] : memref<10x80xi32, #tpu.memory_space<vmem>> -> memref<1x80xi32, #tpu.memory_space<vmem>>
        %dma_wait3A_447 = tpu.memref_squeeze %dma_wait3A_446 : memref<1x80xi32, #tpu.memory_space<vmem>> -> memref<80xi32, #tpu.memory_space<vmem>>
        %dma_wait3A_448 = arith.constant 0 : i32
        %dma_wait3A_449 = tpu.memref_slice %arg3[%add3A, %dma_wait3A_438, %dma_wait3A_448] : memref<32x125x80xi32, #tpu.memory_space<hbm>> -> memref<1x1x80xi32, #tpu.memory_space<hbm>>
        %dma_wait3A_450 = tpu.memref_squeeze %dma_wait3A_449 : memref<1x1x80xi32, #tpu.memory_space<hbm>> -> memref<80xi32, #tpu.memory_space<hbm>>
        tpu.wait_dma2 semaphore(%arg10 : memref<!tpu.dma_semaphore, #tpu.memory_space<semaphore_mem>>) src(%dma_wait3A_450 : memref<80xi32, #tpu.memory_space<hbm>>) dst(%dma_wait3A_447 : memref<80xi32, #tpu.memory_space<vmem>>)
        %dma_wait3A_451 = arith.constant 0 : i32
        %dma_wait3A_452 = arith.constant 0 : i32
        %dma_wait3A_453 = tpu.memref_slice %arg7[%rem3A_437, %dma_wait3A_452] : memref<10x80xi32, #tpu.memory_space<vmem>> -> memref<1x80xi32, #tpu.memory_space<vmem>>
        %dma_wait3A_454 = tpu.memref_squeeze %dma_wait3A_453 : memref<1x80xi32, #tpu.memory_space<vmem>> -> memref<80xi32, #tpu.memory_space<vmem>>
        %dma_wait3A_455 = arith.constant 0 : i32
        %dma_wait3A_456 = tpu.memref_slice %arg4[%add3A, %dma_wait3A_451, %dma_wait3A_455] : memref<32x125x80xi32, #tpu.memory_space<hbm>> -> memref<1x1x80xi32, #tpu.memory_space<hbm>>
        %dma_wait3A_457 = tpu.memref_squeeze %dma_wait3A_456 : memref<1x1x80xi32, #tpu.memory_space<hbm>> -> memref<80xi32, #tpu.memory_space<hbm>>
        %dma_wait3A_458 = arith.constant 0 : i32
        %dma_wait3A_459 = tpu.memref_slice %arg7[%rem3A_437, %dma_wait3A_458] : memref<10x80xi32, #tpu.memory_space<vmem>> -> memref<1x80xi32, #tpu.memory_space<vmem>>
        %dma_wait3A_460 = tpu.memref_squeeze %dma_wait3A_459 : memref<1x80xi32, #tpu.memory_space<vmem>> -> memref<80xi32, #tpu.memory_space<vmem>>
        %dma_wait3A_461 = arith.constant 0 : i32
        %dma_wait3A_462 = tpu.memref_slice %arg4[%add3A, %dma_wait3A_451, %dma_wait3A_461] : memref<32x125x80xi32, #tpu.memory_space<hbm>> -> memref<1x1x80xi32, #tpu.memory_space<hbm>>
        %dma_wait3A_463 = tpu.memref_squeeze %dma_wait3A_462 : memref<1x1x80xi32, #tpu.memory_space<hbm>> -> memref<80xi32, #tpu.memory_space<hbm>>
        tpu.wait_dma2 semaphore(%arg10 : memref<!tpu.dma_semaphore, #tpu.memory_space<semaphore_mem>>) src(%dma_wait3A_463 : memref<80xi32, #tpu.memory_space<hbm>>) dst(%dma_wait3A_460 : memref<80xi32, #tpu.memory_space<vmem>>)
        %add3A_464 = arith.constant 3 : i32
        %add3A_465 = arith.addi %scan3A_393, %add3A_464 : i32
        %rem3A_466 = arith.constant 10 : i32
        %rem3A_467 = arith.remsi %add3A_465, %rem3A_466 : i32
        %add3A_468 = arith.constant 3 : i32
        %add3A_469 = arith.addi %scan3A_393, %add3A_468 : i32
        %rem3A_470 = arith.constant 6 : i32
        %rem3A_471 = arith.remsi %add3A_469, %rem3A_470 : i32
        %dma_start3A_472 = arith.constant 0 : i32
        %dma_start3A_473 = arith.constant 0 : i32
        %dma_start3A_474 = tpu.memref_slice %arg8[%rem3A_471, %dma_start3A_472, %dma_start3A_473] : memref<6x80x64xf32, #tpu.memory_space<vmem>> -> memref<1x80x64xf32, #tpu.memory_space<vmem>>
        %dma_start3A_475 = tpu.memref_squeeze %dma_start3A_474 : memref<1x80x64xf32, #tpu.memory_space<vmem>> -> memref<80x64xf32, #tpu.memory_space<vmem>>
        %dma_start3A_476 = arith.constant 0 : i32
        %dma_start3A_477 = tpu.memref_slice %arg6[%rem3A_467, %dma_start3A_476] : memref<10x80xi32, #tpu.memory_space<vmem>> -> memref<1x80xi32, #tpu.memory_space<vmem>>
        %dma_start3A_478 = tpu.memref_squeeze %dma_start3A_477 : memref<1x80xi32, #tpu.memory_space<vmem>> -> memref<80xi32, #tpu.memory_space<vmem>>
        %dma_start3A_479 = arith.constant 0 : i32
        %dma_start3A_480 = arith.constant 0 : i32
        %dma_start3A_481 = tpu.memref_slice %arg2[%dma_start3A_479, %dma_start3A_480] : memref<10000x64xf32, #tpu.memory_space<hbm>> -> memref<10000x64xf32, #tpu.memory_space<hbm>>
        tpu.enqueue_indirect_dma source(%dma_start3A_481 : memref<10000x64xf32, #tpu.memory_space<hbm>>) target(%dma_start3A_475 : memref<80x64xf32, #tpu.memory_space<vmem>>) offsets(%dma_start3A_478 : memref<80xi32, #tpu.memory_space<vmem>>) semaphore(%arg9 : memref<!tpu.dma_semaphore, #tpu.memory_space<semaphore_mem>>)
      } else {
      }
      %add3A_427 = arith.constant 6 : i32
      %add3A_428 = arith.addi %scan3A_393, %add3A_427 : i32
      %lt3A_429 = arith.constant 125 : i32
      %lt3A_430 = arith.cmpi slt, %add3A_428, %lt3A_429 : i32
      %convert_element_type3A_431 = arith.extui %lt3A_430 : i1 to i32
      %cond3A_432 = arith.constant 0 : i32
      %cond3A_433 = arith.cmpi ne, %convert_element_type3A_431, %cond3A_432 : i32
      scf.if %cond3A_433 {
        %add3A_434 = arith.constant 6 : i32
        %add3A_435 = arith.addi %scan3A_393, %add3A_434 : i32
        %add3A_436 = arith.constant 6 : i32
        %add3A_437 = arith.addi %scan3A_393, %add3A_436 : i32
        %rem3A_438 = arith.constant 10 : i32
        %rem3A_439 = arith.remsi %add3A_437, %rem3A_438 : i32
        %dma_start3A_440 = arith.constant 0 : i32
        %dma_start3A_441 = tpu.memref_slice %arg6[%rem3A_439, %dma_start3A_440] : memref<10x80xi32, #tpu.memory_space<vmem>> -> memref<1x80xi32, #tpu.memory_space<vmem>>
        %dma_start3A_442 = tpu.memref_squeeze %dma_start3A_441 : memref<1x80xi32, #tpu.memory_space<vmem>> -> memref<80xi32, #tpu.memory_space<vmem>>
        %dma_start3A_443 = arith.constant 0 : i32
        %dma_start3A_444 = tpu.memref_slice %arg3[%add3A, %add3A_435, %dma_start3A_443] : memref<32x125x80xi32, #tpu.memory_space<hbm>> -> memref<1x1x80xi32, #tpu.memory_space<hbm>>
        %dma_start3A_445 = tpu.memref_squeeze %dma_start3A_444 : memref<1x1x80xi32, #tpu.memory_space<hbm>> -> memref<80xi32, #tpu.memory_space<hbm>>
        %dma_start3A_446 = arith.constant 0 : i32
        %dma_start3A_447 = tpu.memref_slice %arg6[%rem3A_439, %dma_start3A_446] : memref<10x80xi32, #tpu.memory_space<vmem>> -> memref<1x80xi32, #tpu.memory_space<vmem>>
        %dma_start3A_448 = tpu.memref_squeeze %dma_start3A_447 : memref<1x80xi32, #tpu.memory_space<vmem>> -> memref<80xi32, #tpu.memory_space<vmem>>
        %dma_start3A_449 = arith.constant 0 : i32
        %dma_start3A_450 = tpu.memref_slice %arg3[%add3A, %add3A_435, %dma_start3A_449] : memref<32x125x80xi32, #tpu.memory_space<hbm>> -> memref<1x1x80xi32, #tpu.memory_space<hbm>>
        %dma_start3A_451 = tpu.memref_squeeze %dma_start3A_450 : memref<1x1x80xi32, #tpu.memory_space<hbm>> -> memref<80xi32, #tpu.memory_space<hbm>>
        tpu.enqueue_dma source(%dma_start3A_451 : memref<80xi32, #tpu.memory_space<hbm>>) target(%dma_start3A_448 : memref<80xi32, #tpu.memory_space<vmem>>) target_semaphore(%arg10 : memref<!tpu.dma_semaphore, #tpu.memory_space<semaphore_mem>>)
        %dma_start3A_452 = arith.constant 0 : i32
        %dma_start3A_453 = tpu.memref_slice %arg7[%rem3A_439, %dma_start3A_452] : memref<10x80xi32, #tpu.memory_space<vmem>> -> memref<1x80xi32, #tpu.memory_space<vmem>>
        %dma_start3A_454 = tpu.memref_squeeze %dma_start3A_453 : memref<1x80xi32, #tpu.memory_space<vmem>> -> memref<80xi32, #tpu.memory_space<vmem>>
        %dma_start3A_455 = arith.constant 0 : i32
        %dma_start3A_456 = tpu.memref_slice %arg4[%add3A, %add3A_435, %dma_start3A_455] : memref<32x125x80xi32, #tpu.memory_space<hbm>> -> memref<1x1x80xi32, #tpu.memory_space<hbm>>
        %dma_start3A_457 = tpu.memref_squeeze %dma_start3A_456 : memref<1x1x80xi32, #tpu.memory_space<hbm>> -> memref<80xi32, #tpu.memory_space<hbm>>
        %dma_start3A_458 = arith.constant 0 : i32
        %dma_start3A_459 = tpu.memref_slice %arg7[%rem3A_439, %dma_start3A_458] : memref<10x80xi32, #tpu.memory_space<vmem>> -> memref<1x80xi32, #tpu.memory_space<vmem>>
        %dma_start3A_460 = tpu.memref_squeeze %dma_start3A_459 : memref<1x80xi32, #tpu.memory_space<vmem>> -> memref<80xi32, #tpu.memory_space<vmem>>
        %dma_start3A_461 = arith.constant 0 : i32
        %dma_start3A_462 = tpu.memref_slice %arg4[%add3A, %add3A_435, %dma_start3A_461] : memref<32x125x80xi32, #tpu.memory_space<hbm>> -> memref<1x1x80xi32, #tpu.memory_space<hbm>>
        %dma_start3A_463 = tpu.memref_squeeze %dma_start3A_462 : memref<1x1x80xi32, #tpu.memory_space<hbm>> -> memref<80xi32, #tpu.memory_space<hbm>>
        tpu.enqueue_dma source(%dma_start3A_463 : memref<80xi32, #tpu.memory_space<hbm>>) target(%dma_start3A_460 : memref<80xi32, #tpu.memory_space<vmem>>) target_semaphore(%arg10 : memref<!tpu.dma_semaphore, #tpu.memory_space<semaphore_mem>>)
      } else {
      }
    }
    %scan3A_339 = arith.constant 125 : i32
    %rem3A = arith.constant 122 : i32
    %rem3A_340 = arith.constant 10 : i32
    %rem3A_341 = arith.remsi %rem3A, %rem3A_340 : i32
    %rem3A_342 = arith.constant 122 : i32
    %rem3A_343 = arith.constant 6 : i32
    %rem3A_344 = arith.remsi %rem3A_342, %rem3A_343 : i32
    %dma_wait3A_345 = arith.constant 0 : i32
    %dma_wait3A_346 = arith.constant 0 : i32
    %dma_wait3A_347 = tpu.memref_slice %arg8[%rem3A_344, %dma_wait3A_345, %dma_wait3A_346] : memref<6x80x64xf32, #tpu.memory_space<vmem>> -> memref<1x80x64xf32, #tpu.memory_space<vmem>>
    %dma_wait3A_348 = tpu.memref_squeeze %dma_wait3A_347 : memref<1x80x64xf32, #tpu.memory_space<vmem>> -> memref<80x64xf32, #tpu.memory_space<vmem>>
    %dma_wait3A_349 = arith.constant 0 : i32
    %dma_wait3A_350 = tpu.memref_slice %arg7[%rem3A_341, %dma_wait3A_349] : memref<10x80xi32, #tpu.memory_space<vmem>> -> memref<1x80xi32, #tpu.memory_space<vmem>>
    %dma_wait3A_351 = tpu.memref_squeeze %dma_wait3A_350 : memref<1x80xi32, #tpu.memory_space<vmem>> -> memref<80xi32, #tpu.memory_space<vmem>>
    %dma_wait3A_352 = arith.constant 0 : i32
    %dma_wait3A_353 = arith.constant 0 : i32
    %dma_wait3A_354 = tpu.memref_slice %arg12[%dma_wait3A_352, %dma_wait3A_353] : memref<10240x64xf32, #tpu.memory_space<vmem_shared>> -> memref<10240x64xf32, #tpu.memory_space<vmem_shared>>
    tpu.wait_indirect_dma semaphore(%arg11 : memref<!tpu.dma_semaphore, #tpu.memory_space<semaphore_mem>>) src(%dma_wait3A_348 : memref<80x64xf32, #tpu.memory_space<vmem>>) dst(%dma_wait3A_354 : memref<10240x64xf32, #tpu.memory_space<vmem_shared>>)
    %rem3A_355 = arith.constant 123 : i32
    %rem3A_356 = arith.constant 10 : i32
    %rem3A_357 = arith.remsi %rem3A_355, %rem3A_356 : i32
    %rem3A_358 = arith.constant 123 : i32
    %rem3A_359 = arith.constant 6 : i32
    %rem3A_360 = arith.remsi %rem3A_358, %rem3A_359 : i32
    %dma_wait3A_361 = arith.constant 0 : i32
    %dma_wait3A_362 = arith.constant 0 : i32
    %dma_wait3A_363 = tpu.memref_slice %arg8[%rem3A_360, %dma_wait3A_361, %dma_wait3A_362] : memref<6x80x64xf32, #tpu.memory_space<vmem>> -> memref<1x80x64xf32, #tpu.memory_space<vmem>>
    %dma_wait3A_364 = tpu.memref_squeeze %dma_wait3A_363 : memref<1x80x64xf32, #tpu.memory_space<vmem>> -> memref<80x64xf32, #tpu.memory_space<vmem>>
    %dma_wait3A_365 = arith.constant 0 : i32
    %dma_wait3A_366 = tpu.memref_slice %arg7[%rem3A_357, %dma_wait3A_365] : memref<10x80xi32, #tpu.memory_space<vmem>> -> memref<1x80xi32, #tpu.memory_space<vmem>>
    %dma_wait3A_367 = tpu.memref_squeeze %dma_wait3A_366 : memref<1x80xi32, #tpu.memory_space<vmem>> -> memref<80xi32, #tpu.memory_space<vmem>>
    %dma_wait3A_368 = arith.constant 0 : i32
    %dma_wait3A_369 = arith.constant 0 : i32
    %dma_wait3A_370 = tpu.memref_slice %arg12[%dma_wait3A_368, %dma_wait3A_369] : memref<10240x64xf32, #tpu.memory_space<vmem_shared>> -> memref<10240x64xf32, #tpu.memory_space<vmem_shared>>
    tpu.wait_indirect_dma semaphore(%arg11 : memref<!tpu.dma_semaphore, #tpu.memory_space<semaphore_mem>>) src(%dma_wait3A_364 : memref<80x64xf32, #tpu.memory_space<vmem>>) dst(%dma_wait3A_370 : memref<10240x64xf32, #tpu.memory_space<vmem_shared>>)
    %rem3A_371 = arith.constant 124 : i32
    %rem3A_372 = arith.constant 10 : i32
    %rem3A_373 = arith.remsi %rem3A_371, %rem3A_372 : i32
    %rem3A_374 = arith.constant 124 : i32
    %rem3A_375 = arith.constant 6 : i32
    %rem3A_376 = arith.remsi %rem3A_374, %rem3A_375 : i32
    %dma_wait3A_377 = arith.constant 0 : i32
    %dma_wait3A_378 = arith.constant 0 : i32
    %dma_wait3A_379 = tpu.memref_slice %arg8[%rem3A_376, %dma_wait3A_377, %dma_wait3A_378] : memref<6x80x64xf32, #tpu.memory_space<vmem>> -> memref<1x80x64xf32, #tpu.memory_space<vmem>>
    %dma_wait3A_380 = tpu.memref_squeeze %dma_wait3A_379 : memref<1x80x64xf32, #tpu.memory_space<vmem>> -> memref<80x64xf32, #tpu.memory_space<vmem>>
    %dma_wait3A_381 = arith.constant 0 : i32
    %dma_wait3A_382 = tpu.memref_slice %arg7[%rem3A_373, %dma_wait3A_381] : memref<10x80xi32, #tpu.memory_space<vmem>> -> memref<1x80xi32, #tpu.memory_space<vmem>>
    %dma_wait3A_383 = tpu.memref_squeeze %dma_wait3A_382 : memref<1x80xi32, #tpu.memory_space<vmem>> -> memref<80xi32, #tpu.memory_space<vmem>>
    %dma_wait3A_384 = arith.constant 0 : i32
    %dma_wait3A_385 = arith.constant 0 : i32
    %dma_wait3A_386 = tpu.memref_slice %arg12[%dma_wait3A_384, %dma_wait3A_385] : memref<10240x64xf32, #tpu.memory_space<vmem_shared>> -> memref<10240x64xf32, #tpu.memory_space<vmem_shared>>
    tpu.wait_indirect_dma semaphore(%arg11 : memref<!tpu.dma_semaphore, #tpu.memory_space<semaphore_mem>>) src(%dma_wait3A_380 : memref<80x64xf32, #tpu.memory_space<vmem>>) dst(%dma_wait3A_386 : memref<10240x64xf32, #tpu.memory_space<vmem_shared>>)
    %barrier3A_387 = arith.constant 0 : index
    tpu.barrier barrier_id(%barrier3A_387)
    %mul3A_388 = arith.constant 10240 : i32
    %mul3A_389 = arith.muli %arg0, %mul3A_388 : i32
    %mul3A_390 = arith.constant 640 : i32
    %mul3A_391 = arith.muli %arg1, %mul3A_390 : i32
    %add3A_392 = arith.addi %mul3A_389, %mul3A_391 : i32
    "tpu.region"() ({
      %run_scoped3A_393 = tpu.sem_alloc : memref<!tpu.dma_semaphore, #tpu.memory_space<semaphore_mem>>
      %dma_start3A_394 = arith.constant 0 : i32
      %dma_start3A_395 = tpu.memref_slice %arg5[%add3A_392, %dma_start3A_394] : memref<20480x64xf32, #tpu.memory_space<hbm>> -> memref<640x64xf32, #tpu.memory_space<hbm>>
      %dma_start3A_396 = arith.constant 0 : i32
      %dma_start3A_397 = tpu.memref_slice %arg12[%mul3A_2, %dma_start3A_396] : memref<10240x64xf32, #tpu.memory_space<vmem_shared>> -> memref<640x64xf32, #tpu.memory_space<vmem_shared>>
      tpu.enqueue_dma source(%dma_start3A_397 : memref<640x64xf32, #tpu.memory_space<vmem_shared>>) target(%dma_start3A_395 : memref<640x64xf32, #tpu.memory_space<hbm>>) target_semaphore(%run_scoped3A_393 : memref<!tpu.dma_semaphore, #tpu.memory_space<semaphore_mem>>)
      %dma_wait3A_398 = arith.constant 0 : i32
      %dma_wait3A_399 = tpu.memref_slice %arg5[%add3A_392, %dma_wait3A_398] : memref<20480x64xf32, #tpu.memory_space<hbm>> -> memref<640x64xf32, #tpu.memory_space<hbm>>
      %dma_wait3A_400 = arith.constant 0 : i32
      %dma_wait3A_401 = tpu.memref_slice %arg12[%mul3A_2, %dma_wait3A_400] : memref<10240x64xf32, #tpu.memory_space<vmem_shared>> -> memref<640x64xf32, #tpu.memory_space<vmem_shared>>
      tpu.wait_dma2 semaphore(%run_scoped3A_393 : memref<!tpu.dma_semaphore, #tpu.memory_space<semaphore_mem>>) src(%dma_wait3A_401 : memref<640x64xf32, #tpu.memory_space<vmem_shared>>) dst(%dma_wait3A_399 : memref<640x64xf32, #tpu.memory_space<hbm>>)
      tpu.yield
    }) : () -> ()
    return
  }
}

module attributes {stable_mosaic.version = 14 : i64} {
  func.func @_k1_body(%arg0: memref<10000x128xf32, #tpu.memory_space<vmem>>, %arg1: memref<10000x2xf32, #tpu.memory_space<vmem>>, %arg2: memref<128x128xf32, #tpu.memory_space<vmem>>, %arg3: memref<10000x128xf32, #tpu.memory_space<vmem>>, %arg4: memref<10000x1xf32, #tpu.memory_space<vmem>>) attributes {dimension_semantics = [], scalar_prefetch = 0 : i64, scratch_operands = 0 : i64, tpu.core_type = #tpu.core_type<tc>} {
    %get3A = arith.constant 0 : index
    %get3A_0 = arith.constant 0 : index
    %get3A_1 = vector.load %arg1[%get3A, %get3A_0] : memref<10000x2xf32, #tpu.memory_space<vmem>>, vector<10000x2xf32>
    %slice3A = vector.extract_strided_slice %get3A_1 {offsets = [0, 0], sizes = [10000, 1], strides = [1, 1]} : vector<10000x2xf32> to vector<10000x1xf32>
    %slice3A_2 = vector.extract_strided_slice %get3A_1 {offsets = [0, 1], sizes = [10000, 1], strides = [1, 1]} : vector<10000x2xf32> to vector<10000x1xf32>
    %add3A = arith.addf %slice3A, %slice3A_2 : vector<10000x1xf32>
    %add3A_3 = arith.constant 1.000000e+00 : f32
    %add3A_4 = vector.broadcast %add3A_3 : f32 to vector<10000x1xf32>
    %add3A_5 = arith.addf %add3A, %add3A_4 : vector<10000x1xf32>
    %rsqrt3A = math.rsqrt %add3A_5 : vector<10000x1xf32>
    %swap3A = arith.constant 0 : index
    %swap3A_6 = arith.constant 0 : index
    %swap3A_7 = vector.load %arg4[%swap3A, %swap3A_6] : memref<10000x1xf32, #tpu.memory_space<vmem>>, vector<10000x1xf32>
    tpu.vector_store %arg4[%swap3A, %swap3A_6], %rsqrt3A {strides = array<i32>} : memref<10000x1xf32, #tpu.memory_space<vmem>>, vector<10000x1xf32>,
    %get3A_8 = arith.constant 0 : index
    %get3A_9 = arith.constant 0 : index
    %get3A_10 = vector.load %arg0[%get3A_8, %get3A_9] : memref<10000x128xf32, #tpu.memory_space<vmem>>, vector<10000x128xf32>
    %get3A_11 = arith.constant 0 : index
    %get3A_12 = arith.constant 0 : index
    %get3A_13 = vector.load %arg2[%get3A_11, %get3A_12] : memref<128x128xf32, #tpu.memory_space<vmem>>, vector<128x128xf32>
    %dot_general3A = arith.constant dense<0.000000e+00> : vector<10000x128xf32>
    %dot_general3A_14 = tpu.matmul %get3A_10, %get3A_13, %dot_general3A {dimension_numbers = #tpu.dot_dimension_numbers<[1], [0], [0], [1], [0, 0, 1, 1], [], []>, transpose_lhs_hint = false} : vector<10000x128xf32>, vector<128x128xf32>, vector<10000x128xf32> -> vector<10000x128xf32>
    %mul3A = vector.broadcast %rsqrt3A : vector<10000x1xf32> to vector<10000x128xf32>
    %mul3A_15 = arith.mulf %mul3A, %dot_general3A_14 : vector<10000x128xf32>
    %swap3A_16 = arith.constant 0 : index
    %swap3A_17 = arith.constant 0 : index
    %swap3A_18 = vector.load %arg3[%swap3A_16, %swap3A_17] : memref<10000x128xf32, #tpu.memory_space<vmem>>, vector<10000x128xf32>
    tpu.vector_store %arg3[%swap3A_16, %swap3A_17], %mul3A_15 {strides = array<i32>} : memref<10000x128xf32, #tpu.memory_space<vmem>>, vector<10000x128xf32>,
    return
  }
}

module attributes {stable_mosaic.version = 14 : i64} {
  func.func @_k2_body(%arg0: i32, %arg1: memref<2x10000x128xf32, #tpu.memory_space<vmem>>, %arg2: memref<10000x128xf32, #tpu.memory_space<vmem>>, %arg3: memref<10000x1xf32, #tpu.memory_space<vmem>>, %arg4: memref<1x128xf32, #tpu.memory_space<vmem>>, %arg5: memref<128x64xf32, #tpu.memory_space<vmem>>, %arg6: memref<10000x64xf32, #tpu.memory_space<vmem>>) attributes {dimension_semantics = [#tpu.dimension_semantics<arbitrary>], iteration_bounds = array<i64: 1>, scalar_prefetch = 0 : i64, scratch_operands = 0 : i64, tpu.core_type = #tpu.core_type<tc>, window_params = [{transform_indices = @transform_0, window_bounds = array<i64: 2, 10000, 128>}, {pipeline_mode = #tpu.pipeline_mode<synchronous>, transform_indices = @transform_1, window_bounds = array<i64: 10000, 128>}, {pipeline_mode = #tpu.pipeline_mode<synchronous>, transform_indices = @transform_2, window_bounds = array<i64: 10000, 1>}, {pipeline_mode = #tpu.pipeline_mode<synchronous>, transform_indices = @transform_3, window_bounds = array<i64: 1, 128>}, {pipeline_mode = #tpu.pipeline_mode<synchronous>, transform_indices = @transform_4, window_bounds = array<i64: 128, 64>}, {pipeline_mode = #tpu.pipeline_mode<synchronous>, transform_indices = @transform_5, window_bounds = array<i64: 10000, 64>}]} {
    %get3A = arith.constant 0 : index
    %get3A_0 = arith.constant 0 : index
    %get3A_1 = vector.load %arg3[%get3A, %get3A_0] : memref<10000x1xf32, #tpu.memory_space<vmem>>, vector<10000x1xf32>
    %get3A_2 = arith.constant 0 : index
    %get3A_3 = arith.constant 0 : index
    %get3A_4 = arith.constant 0 : index
    %get3A_5 = vector.load %arg1[%get3A_2, %get3A_3, %get3A_4] : memref<2x10000x128xf32, #tpu.memory_space<vmem>>, vector<1x10000x128xf32>
    %get3A_6 = vector.shape_cast %get3A_5 : vector<1x10000x128xf32> to vector<10000x128xf32>
    %get3A_7 = arith.constant 1 : index
    %get3A_8 = arith.constant 0 : index
    %get3A_9 = arith.constant 0 : index
    %get3A_10 = vector.load %arg1[%get3A_7, %get3A_8, %get3A_9] : memref<2x10000x128xf32, #tpu.memory_space<vmem>>, vector<1x10000x128xf32>
    %get3A_11 = vector.shape_cast %get3A_10 : vector<1x10000x128xf32> to vector<10000x128xf32>
    %add3A = arith.addf %get3A_6, %get3A_11 : vector<10000x128xf32>
    %get3A_12 = arith.constant 0 : index
    %get3A_13 = arith.constant 0 : index
    %get3A_14 = vector.load %arg2[%get3A_12, %get3A_13] : memref<10000x128xf32, #tpu.memory_space<vmem>>, vector<10000x128xf32>
    %add3A_15 = arith.addf %add3A, %get3A_14 : vector<10000x128xf32>
    %mul3A = vector.broadcast %get3A_1 : vector<10000x1xf32> to vector<10000x128xf32>
    %mul3A_16 = arith.mulf %mul3A, %add3A_15 : vector<10000x128xf32>
    %get3A_17 = arith.constant 0 : index
    %get3A_18 = arith.constant 0 : index
    %get3A_19 = vector.load %arg4[%get3A_17, %get3A_18] : memref<1x128xf32, #tpu.memory_space<vmem>>, vector<1x128xf32>
    %add3A_20 = vector.broadcast %get3A_19 : vector<1x128xf32> to vector<10000x128xf32>
    %add3A_21 = arith.addf %mul3A_16, %add3A_20 : vector<10000x128xf32>
    %max3A = arith.constant 0.000000e+00 : f32
    %max3A_22 = vector.broadcast %max3A : f32 to vector<10000x128xf32>
    %max3A_23 = arith.maximumf %add3A_21, %max3A_22 : vector<10000x128xf32>
    %get3A_24 = arith.constant 0 : index
    %get3A_25 = arith.constant 0 : index
    %get3A_26 = vector.load %arg5[%get3A_24, %get3A_25] : memref<128x64xf32, #tpu.memory_space<vmem>>, vector<128x64xf32>
    %dot_general3A = arith.constant dense<0.000000e+00> : vector<10000x64xf32>
    %dot_general3A_27 = tpu.matmul %max3A_23, %get3A_26, %dot_general3A {dimension_numbers = #tpu.dot_dimension_numbers<[1], [0], [0], [1], [0, 0, 1, 1], [], []>, transpose_lhs_hint = false} : vector<10000x128xf32>, vector<128x64xf32>, vector<10000x64xf32> -> vector<10000x64xf32>
    %mul3A_28 = vector.broadcast %get3A_1 : vector<10000x1xf32> to vector<10000x64xf32>
    %mul3A_29 = arith.mulf %mul3A_28, %dot_general3A_27 : vector<10000x64xf32>
    %swap3A = arith.constant 0 : index
    %swap3A_30 = arith.constant 0 : index
    %swap3A_31 = vector.load %arg6[%swap3A, %swap3A_30] : memref<10000x64xf32, #tpu.memory_space<vmem>>, vector<10000x64xf32>
    tpu.vector_store %arg6[%swap3A, %swap3A_30], %mul3A_29 {strides = array<i32>} : memref<10000x64xf32, #tpu.memory_space<vmem>>, vector<10000x64xf32>,
    return
  }
  func.func @transform_0(%arg0: i32) -> (i32, i32, i32) {
    %c0_i32 = arith.constant 0 : i32
    %c0_i32_0 = arith.constant 0 : i32
    %c0_i32_1 = arith.constant 0 : i32
    %c0_i32_2 = arith.constant 0 : i32
    return %c0_i32, %c0_i32_0, %c0_i32_1 : i32, i32, i32
  }
  func.func @transform_1(%arg0: i32) -> (i32, i32) {
    %c0_i32 = arith.constant 0 : i32
    %c0_i32_0 = arith.constant 0 : i32
    %c0_i32_1 = arith.constant 0 : i32
    return %c0_i32, %c0_i32_0 : i32, i32
  }
  func.func @transform_2(%arg0: i32) -> (i32, i32) {
    %c0_i32 = arith.constant 0 : i32
    %c0_i32_0 = arith.constant 0 : i32
    %c0_i32_1 = arith.constant 0 : i32
    return %c0_i32, %c0_i32_0 : i32, i32
  }
  func.func @transform_3(%arg0: i32) -> (i32, i32) {
    %c0_i32 = arith.constant 0 : i32
    %c0_i32_0 = arith.constant 0 : i32
    %c0_i32_1 = arith.constant 0 : i32
    return %c0_i32, %c0_i32_0 : i32, i32
  }
  func.func @transform_4(%arg0: i32) -> (i32, i32) {
    %c0_i32 = arith.constant 0 : i32
    %c0_i32_0 = arith.constant 0 : i32
    %c0_i32_1 = arith.constant 0 : i32
    return %c0_i32, %c0_i32_0 : i32, i32
  }
  func.func @transform_5(%arg0: i32) -> (i32, i32) {
    %c0_i32 = arith.constant 0 : i32
    %c0_i32_0 = arith.constant 0 : i32
    %c0_i32_1 = arith.constant 0 : i32
    return %c0_i32, %c0_i32_0 : i32, i32
  }
}

module attributes {stable_mosaic.version = 14 : i64} {
  func.func @_k3_body(%arg0: i32, %arg1: memref<2x5000x128xf32, #tpu.memory_space<vmem>>, %arg2: memref<5000x128xf32, #tpu.memory_space<vmem>>, %arg3: memref<5000x2xf32, #tpu.memory_space<vmem>>, %arg4: memref<1x64xf32, #tpu.memory_space<vmem>>, %arg5: memref<5000x128xf32, #tpu.memory_space<vmem>>) attributes {dimension_semantics = [#tpu.dimension_semantics<arbitrary>], iteration_bounds = array<i64: 1>, scalar_prefetch = 0 : i64, scratch_operands = 0 : i64, tpu.core_type = #tpu.core_type<tc>, window_params = [{transform_indices = @transform_0, window_bounds = array<i64: 2, 5000, 128>}, {pipeline_mode = #tpu.pipeline_mode<synchronous>, transform_indices = @transform_1, window_bounds = array<i64: 5000, 128>}, {pipeline_mode = #tpu.pipeline_mode<synchronous>, transform_indices = @transform_2, window_bounds = array<i64: 5000, 2>}, {pipeline_mode = #tpu.pipeline_mode<synchronous>, transform_indices = @transform_3, window_bounds = array<i64: 1, 64>}, {pipeline_mode = #tpu.pipeline_mode<synchronous>, transform_indices = @transform_4, window_bounds = array<i64: 5000, 128>}]} {
    %get3A = arith.constant 0 : index
    %get3A_0 = arith.constant 0 : index
    %get3A_1 = arith.constant 0 : index
    %get3A_2 = vector.load %arg1[%get3A, %get3A_0, %get3A_1] : memref<2x5000x128xf32, #tpu.memory_space<vmem>>, vector<1x5000x128xf32>
    %get3A_3 = vector.shape_cast %get3A_2 : vector<1x5000x128xf32> to vector<5000x128xf32>
    %get3A_4 = arith.constant 1 : index
    %get3A_5 = arith.constant 0 : index
    %get3A_6 = arith.constant 0 : index
    %get3A_7 = vector.load %arg1[%get3A_4, %get3A_5, %get3A_6] : memref<2x5000x128xf32, #tpu.memory_space<vmem>>, vector<1x5000x128xf32>
    %get3A_8 = vector.shape_cast %get3A_7 : vector<1x5000x128xf32> to vector<5000x128xf32>
    %add3A = arith.addf %get3A_3, %get3A_8 : vector<5000x128xf32>
    %get3A_9 = arith.constant 0 : index
    %get3A_10 = arith.constant 0 : index
    %get3A_11 = vector.load %arg2[%get3A_9, %get3A_10] : memref<5000x128xf32, #tpu.memory_space<vmem>>, vector<5000x128xf32>
    %add3A_12 = arith.addf %add3A, %get3A_11 : vector<5000x128xf32>
    %get3A_13 = arith.constant 0 : index
    %get3A_14 = arith.constant 0 : index
    %get3A_15 = vector.load %arg3[%get3A_13, %get3A_14] : memref<5000x2xf32, #tpu.memory_space<vmem>>, vector<5000x2xf32>
    %get3A_16 = arith.constant 0 : index
    %get3A_17 = arith.constant 0 : index
    %get3A_18 = vector.load %arg4[%get3A_16, %get3A_17] : memref<1x64xf32, #tpu.memory_space<vmem>>, vector<1x64xf32>
    %slice3A = vector.extract_strided_slice %add3A_12 {offsets = [0, 0], sizes = [5000, 64], strides = [1, 1]} : vector<5000x128xf32> to vector<5000x64xf32>
    %slice3A_19 = vector.extract_strided_slice %get3A_15 {offsets = [0, 0], sizes = [5000, 1], strides = [1, 1]} : vector<5000x2xf32> to vector<5000x1xf32>
    %mul3A = vector.broadcast %slice3A_19 : vector<5000x1xf32> to vector<5000x64xf32>
    %mul3A_20 = arith.mulf %mul3A, %slice3A : vector<5000x64xf32>
    %add3A_21 = vector.broadcast %get3A_18 : vector<1x64xf32> to vector<5000x64xf32>
    %add3A_22 = arith.addf %mul3A_20, %add3A_21 : vector<5000x64xf32>
    %reduce_max3A = arith.constant dense<0xFF800000> : vector<5000xf32>
    %reduce_max3A_23 = vector.multi_reduction <maximumf>, %add3A_22, %reduce_max3A [1] : vector<5000x64xf32> to vector<5000xf32>
    %broadcast_in_dim3A = vector.shape_cast %reduce_max3A_23 : vector<5000xf32> to vector<5000x1xf32>
    %sub3A = vector.broadcast %broadcast_in_dim3A : vector<5000x1xf32> to vector<5000x64xf32>
    %sub3A_24 = arith.subf %add3A_22, %sub3A : vector<5000x64xf32>
    %exp3A = math.exp %sub3A_24 : vector<5000x64xf32>
    %reduce_sum3A = arith.constant dense<0.000000e+00> : vector<5000xf32>
    %reduce_sum3A_25 = vector.multi_reduction <add>, %exp3A, %reduce_sum3A [1] : vector<5000x64xf32> to vector<5000xf32>
    %broadcast_in_dim3A_26 = vector.shape_cast %reduce_sum3A_25 : vector<5000xf32> to vector<5000x1xf32>
    %sub3A_27 = vector.broadcast %broadcast_in_dim3A : vector<5000x1xf32> to vector<5000x64xf32>
    %sub3A_28 = arith.subf %add3A_22, %sub3A_27 : vector<5000x64xf32>
    %log3A = math.log %broadcast_in_dim3A_26 : vector<5000x1xf32>
    %sub3A_29 = vector.broadcast %log3A : vector<5000x1xf32> to vector<5000x64xf32>
    %sub3A_30 = arith.subf %sub3A_28, %sub3A_29 : vector<5000x64xf32>
    %slice3A_31 = vector.extract_strided_slice %add3A_12 {offsets = [0, 64], sizes = [5000, 64], strides = [1, 1]} : vector<5000x128xf32> to vector<5000x64xf32>
    %slice3A_32 = vector.extract_strided_slice %get3A_15 {offsets = [0, 1], sizes = [5000, 1], strides = [1, 1]} : vector<5000x2xf32> to vector<5000x1xf32>
    %mul3A_33 = vector.broadcast %slice3A_32 : vector<5000x1xf32> to vector<5000x64xf32>
    %mul3A_34 = arith.mulf %mul3A_33, %slice3A_31 : vector<5000x64xf32>
    %add3A_35 = vector.broadcast %get3A_18 : vector<1x64xf32> to vector<5000x64xf32>
    %add3A_36 = arith.addf %mul3A_34, %add3A_35 : vector<5000x64xf32>
    %reduce_max3A_37 = arith.constant dense<0xFF800000> : vector<5000xf32>
    %reduce_max3A_38 = vector.multi_reduction <maximumf>, %add3A_36, %reduce_max3A_37 [1] : vector<5000x64xf32> to vector<5000xf32>
    %broadcast_in_dim3A_39 = vector.shape_cast %reduce_max3A_38 : vector<5000xf32> to vector<5000x1xf32>
    %sub3A_40 = vector.broadcast %broadcast_in_dim3A_39 : vector<5000x1xf32> to vector<5000x64xf32>
    %sub3A_41 = arith.subf %add3A_36, %sub3A_40 : vector<5000x64xf32>
    %exp3A_42 = math.exp %sub3A_41 : vector<5000x64xf32>
    %reduce_sum3A_43 = arith.constant dense<0.000000e+00> : vector<5000xf32>
    %reduce_sum3A_44 = vector.multi_reduction <add>, %exp3A_42, %reduce_sum3A_43 [1] : vector<5000x64xf32> to vector<5000xf32>
    %broadcast_in_dim3A_45 = vector.shape_cast %reduce_sum3A_44 : vector<5000xf32> to vector<5000x1xf32>
    %sub3A_46 = vector.broadcast %broadcast_in_dim3A_39 : vector<5000x1xf32> to vector<5000x64xf32>
    %sub3A_47 = arith.subf %add3A_36, %sub3A_46 : vector<5000x64xf32>
    %log3A_48 = math.log %broadcast_in_dim3A_45 : vector<5000x1xf32>
    %sub3A_49 = vector.broadcast %log3A_48 : vector<5000x1xf32> to vector<5000x64xf32>
    %sub3A_50 = arith.subf %sub3A_47, %sub3A_49 : vector<5000x64xf32>
    %concatenate3A = tpu.concatenate %sub3A_30, %sub3A_50 in 1 : vector<5000x64xf32>, vector<5000x64xf32> -> vector<5000x128xf32>
    %swap3A = arith.constant 0 : index
    %swap3A_51 = arith.constant 0 : index
    %swap3A_52 = vector.load %arg5[%swap3A, %swap3A_51] : memref<5000x128xf32, #tpu.memory_space<vmem>>, vector<5000x128xf32>
    tpu.vector_store %arg5[%swap3A, %swap3A_51], %concatenate3A {strides = array<i32>} : memref<5000x128xf32, #tpu.memory_space<vmem>>, vector<5000x128xf32>,
    return
  }
  func.func @transform_0(%arg0: i32) -> (i32, i32, i32) {
    %c0_i32 = arith.constant 0 : i32
    %c0_i32_0 = arith.constant 0 : i32
    %c0_i32_1 = arith.constant 0 : i32
    %c0_i32_2 = arith.constant 0 : i32
    return %c0_i32, %c0_i32_0, %c0_i32_1 : i32, i32, i32
  }
  func.func @transform_1(%arg0: i32) -> (i32, i32) {
    %c0_i32 = arith.constant 0 : i32
    %c0_i32_0 = arith.constant 0 : i32
    %c0_i32_1 = arith.constant 0 : i32
    return %c0_i32, %c0_i32_0 : i32, i32
  }
  func.func @transform_2(%arg0: i32) -> (i32, i32) {
    %c0_i32 = arith.constant 0 : i32
    %c0_i32_0 = arith.constant 0 : i32
    %c0_i32_1 = arith.constant 0 : i32
    return %c0_i32, %c0_i32_0 : i32, i32
  }
  func.func @transform_3(%arg0: i32) -> (i32, i32) {
    %c0_i32 = arith.constant 0 : i32
    %c0_i32_0 = arith.constant 0 : i32
    %c0_i32_1 = arith.constant 0 : i32
    return %c0_i32, %c0_i32_0 : i32, i32
  }
  func.func @transform_4(%arg0: i32) -> (i32, i32) {
    %c0_i32 = arith.constant 0 : i32
    %c0_i32_0 = arith.constant 0 : i32
    %c0_i32_1 = arith.constant 0 : i32
    return %c0_i32, %c0_i32_0 : i32, i32
  }
}

</mosaic_0001>

<sc_bundles>
// kernel: kernel.11.cloned.1.call-start
scs
__scs_entry_jumppad:
0x0: {  	(pc) =	sbr.rel $0x88, $3  }
0x1: {  	(tag) =	ssettag $0x0;
	lr =	simm.s32 $0x1  }
0x2: {  	[smem:$0x3F9B] =	sst lr;
	_ =	strace $0xD0000000  }
0x3: {  	_ = 	snop  }
0x4: {  	_ = 	snop  }
0x5: {  	_ = 	snop  }
0x6: {  	_ = 	snop  }
0x7: {  	_ = 	snop  }
__scs_overlays_trampoline_lowered:
0x8: {  	[smem:$0x3FAA] =	sst s0  }
0x9: {  	[smem:$0x3FAB] =	sst s1  }
0xa: {  	[smem:$0x3FAC] =	sst s2  }
0xb: {  	[smem:$0x3FAD] =	sst s3  }
0xc: {  	[smem:$0x3FAE] =	sst s4  }
0xd: {  	[smem:$0x3FAF] =	sst s5  }
0xe: {  	[smem:$0x3FB0] =	sst s6  }
0xf: {  	[smem:$0x3FB1] =	sst s7  }
0x10: {  	[smem:$0x3FB2] =	sst s8  }
0x11: {  	[smem:$0x3FB3] =	sst s9;
	s0 =	simm.s32 @!p0 $0x0  }
0x12: {  	s1 =	sld [smem:$0x3F99];
	s0 =	simm.s32 @p0 $0x1  }
0x13: {  	[smem:$0x3FB4] =	sst s0;
	s0 =	simm.s32 @!p1 $0x0  }
0x14: {  	s2 =	sld [smem:$0x3F98];
	s0 =	simm.s32 @p1 $0x1  }
0x15: {  	[smem:$0x3FB5] =	sst s0;
	s0 =	simm.s32 @!p2 $0x0  }
0x16: {  	s3 =	sld [smem:$0x3FDB];
	s0 =	simm.s32 @p2 $0x1  }
0x17: {  	s4 =	simm.s32 $0x1BF5;
	[smem:$0x3FB7] =	sst s0  }
0x18: {  	s0 =	sld [smem:$0x3F9A];
	_ =	swait.ge [sflag:s4], $0x0  }
0x19: {  	s7 =	sld [smem:$0x3F9B]  }
0x1a: {  	s8 =	sadd.s32 $0xFFFFE003, lr  }
0x1b: {  	s9 =	sadd.s32 $0xFFFFFEF7, lr;
	s5 =	simm.s32 $0xFFFFFFFF;
	p2 =	slt.u32 s8, $0xFFFFF086  }
0x1c: {  	p1 =	slt.u32 s9, $0xF7A;
	s5 =	simm.s32 @!p2 $0x0  }
0x1d: {  	s5 =	simm.s32 @p1 $0x1;
	p0 =	seq.s32 s7, s2  }
0x1e: {  	s7 =	smul.u32 @!p0 $0xF7A, s2;
	p2 =	seq.s32 @!p0 s5, $0x0  }
0x1f: {  	s9 =	smul.u32 $0xF7A, s1;
	s8 =	simm.s32 @!p0 $0x1BF5;
	p2 =	por !p2, p0  }
0x20: {  	[sflag:s8] =	ssyncset.s32 @!p0 $0xFFFFF086;
	s6 =	sadd.s32 @!p0 s3, s7;
	s7 =	simm.s32 @!p0 $0x108  }
0x21: {  	s3 =	sadd.s32 s3, s9;
	s6 =	sadd.s32 @!p0 $0x88, s6;
	s7 =	simm.s32 @p2 $0x1082  }
0x22: {  	[simem:s7], [sflag:s8] =	dma.local @!p0 [hbm:s6], $0xF7A  }
0x23: {  	s9 =	sor.u32 $0xD0000000, s2;
	s6 =	simm.s32 $0x108;
	_ =	swait.ge @!p0 [sflag:s8], $0x0  }
0x24: {  	s3 =	sadd.s32 $0x88, s3;
	s6 =	simm.s32 @!p1 $0x1082;
	[sflag:s4] =	ssyncset.s32 $0xFFFFF086  }
0x25: {  	[simem:s6], [sflag:s4] =	dma.local [hbm:s3], $0xF7A  }
0x26: {  	[smem:$0x3F9B] =	sst s1;
	(tag) =	ssettag s2;
	_ =	strace s9  }
0x27: {  	s1 =	sld [smem:$0x3FAB]  }
0x28: {  	s2 =	sld [smem:$0x3FAC]  }
0x29: {  	s4 =	sld [smem:$0x3FAE]  }
0x2a: {  	p0 =	seq.s32 s5, $0x0;
	s5 =	sld [smem:$0x3FAF]  }
0x2b: {  	s6 =	sld [smem:$0x3FB0]  }
0x2c: {  	s7 =	sld [smem:$0x3FB1]  }
0x2d: {  	s3 =	simm.s32 $0x108;
	s8 =	sld [smem:$0x3FB2]  }
0x2e: {  	s3 =	simm.s32 @!p0 $0x1082;
	s9 =	sld [smem:$0x3FB3]  }
0x2f: {  	lr =	sadd.s32 s0, s3;
	s0 =	sld [smem:$0x3FAA]  }
0x30: {  	s3 =	sld [smem:$0x3FAD]  }
0x31: {  	[smem:$0x3FB6] =	sst s10  }
0x32: {  	s10 =	sld [smem:$0x3FB4];
	_ =	sdelay $0x3  }
0x33: {  	p0 =	seq.s32 s10, $0x1;
	s10 =	sld [smem:$0x3FB6];
	_ =	sdelay $0x3  }
0x34: {  	[smem:$0x3FB6] =	sst s10  }
0x35: {  	s10 =	sld [smem:$0x3FB5];
	_ =	sdelay $0x3  }
0x36: {  	p1 =	seq.s32 s10, $0x1;
	s10 =	sld [smem:$0x3FB6];
	_ =	sdelay $0x3  }
0x37: {  	[smem:$0x3FB6] =	sst s10  }
0x38: {  	s10 =	sld [smem:$0x3FB7]  }
0x39: {  	_ = 	snop;
	(pc) =	sbr.ind lr, $3  }
0x3a: {  	_ = 	snop  }
0x3b: {  	_ = 	snop  }
0x3c: {  	p2 =	seq.s32 s10, $0x1;
	s10 =	sld [smem:$0x3FB6]  }
0x3d: {  	_ =	shalt  }
0x3e: {  	_ =	shalt  }
0x3f: {  	_ =	shalt  }
0x40: {  	_ =	shalt  }
0x41: {  	_ =	shalt  }
0x42: {  	_ =	shalt  }
0x43: {  	_ =	shalt  }
0x44: {  	_ =	shalt  }
0x45: {  	_ =	shalt  }
0x46: {  	_ =	shalt  }
0x47: {  	_ =	shalt  }
0x48: {  	_ =	shalt  }
0x49: {  	_ =	shalt  }
0x4a: {  	_ =	shalt  }
0x4b: {  	_ =	shalt  }
0x4c: {  	_ =	shalt  }
0x4d: {  	_ =	shalt  }
0x4e: {  	_ =	shalt  }
0x4f: {  	_ =	shalt  }
0x50: {  	_ =	shalt  }
0x51: {  	_ =	shalt  }
0x52: {  	_ =	shalt  }
0x53: {  	_ =	shalt  }
0x54: {  	_ =	shalt  }
0x55: {  	_ =	shalt  }
0x56: {  	_ =	shalt  }
0x57: {  	_ =	shalt  }
0x58: {  	_ =	shalt  }
0x59: {  	_ =	shalt  }
0x5a: {  	_ =	shalt  }
0x5b: {  	_ =	shalt  }
0x5c: {  	_ =	shalt  }
0x5d: {  	_ =	shalt  }
0x5e: {  	_ =	shalt  }
0x5f: {  	_ =	shalt  }
0x60: {  	_ =	shalt  }
0x61: {  	_ =	shalt  }
0x62: {  	_ =	shalt  }
0x63: {  	_ =	shalt  }
0x64: {  	_ =	shalt  }
0x65: {  	_ =	shalt  }
0x66: {  	_ =	shalt  }
0x67: {  	_ =	shalt  }
0x68: {  	_ =	shalt  }
0x69: {  	_ =	shalt  }
0x6a: {  	_ =	shalt  }
0x6b: {  	_ =	shalt  }
0x6c: {  	_ =	shalt  }
0x6d: {  	_ =	shalt  }
0x6e: {  	_ =	shalt  }
0x6f: {  	_ =	shalt  }
0x70: {  	_ =	shalt  }
0x71: {  	_ =	shalt  }
0x72: {  	_ =	shalt  }
0x73: {  	_ =	shalt  }
0x74: {  	_ =	shalt  }
0x75: {  	_ =	shalt  }
0x76: {  	_ =	shalt  }
0x77: {  	_ =	shalt  }
0x78: {  	_ =	shalt  }
0x79: {  	_ =	shalt  }
0x7a: {  	_ =	shalt  }
0x7b: {  	_ =	shalt  }
0x7c: {  	_ =	shalt  }
0x7d: {  	_ =	shalt  }
0x7e: {  	_ =	shalt  }
0x7f: {  	_ =	shalt  }
0x80: {  	_ =	shalt  }
0x81: {  	_ =	shalt  }
0x82: {  	_ =	shalt  }
0x83: {  	_ =	shalt  }
0x84: {  	_ =	shalt  }
0x85: {  	_ =	shalt  }
0x86: {  	_ =	shalt  }
0x87: {  	_ =	shalt  }
.Lfunc_end0:
.L_simem_size_0:
called_computation.1_lowered:
.L_overlay_start_0:
0x88: {  	s2 =	sld [smem:$0x3FD9]  }
0x89: {  	s3 =	sld [smem:$0x3FFE];
	_ =	sdelay $0x1  }
0x8a: {  	s1 =	srdreg.scid  }
0x8b: {  	s0 =	sand.u32 $0x1, s1  }
0x8c: {  	s16 =	sshll.u32 s0, $0xA;
	s2 =	sadd.s32 s3, s2  }
0x8d: {  	s2 =	sadd.s32 s2, s16  }
0x8e: {  	[smem:$0x3FC2] =	sst s2  }
0x8f: {  	_ = 	snop  }
0x90: {  	(tm) =	ssettm $0x1  }
0x91: {  	s17 =	sld [smem:$0x3FFB];
	_ =	sdelay $0x3  }
0x92: {  	_ =	strace s17  }
0x93: {  	s2 =	sld [smem:$0x3FFC];
	_ =	sdelay $0x3  }
0x94: {  	_ =	strace s2  }
0x95: {  	s2 =	sld [smem:$0x3FFD];
	_ =	sdelay $0x3  }
0x96: {  	_ =	strace s2  }
0x97: {  	_ =	strace $0x8FFFFFFF  }
0x98: {  	s18 =	sld [smem:$0x3FDB];
	_ =	sdelay $0x1  }
0x99: {  	s19 =	simm.s32 $_scs_section_size  }
0x9a: {  	s4 =	simm.s32 $_size__tile_overlayer_lowered;
	s5 =	simm.s32 $_tile_overlayer_lowered  }
0x9b: {  	s22 =	simm.s32 $0x1BFF;
	s21 =	sshll.u32 s5, $0x1;
	s2 =	sadd.s32 s19, s18  }
0x9c: {  	s6 =	simm.s32 $0x0;
	s20 =	sshll.u32 s4, $0x1;
	s4 =	sadd.s32 s21, s2  }
0x9d: {  	[timem:s6], [sflag:s22] =	dma.local [hbm:s4], s20  }
0x9e: {  	_ =	swait.ge [sflag:s22], s20  }
0x9f: {  	s3 =	ssub.s32 $0x0, s20;
	[sflag:s22] =	ssyncset.done $0x0  }
0xa0: {  	[sflag:s22] =	ssyncadd.s32 s3;
	_ =	sdelay $0x1  }
0xa1: {  	s23 =	simm.s32 $0x1B8B  }
0xa2: {  	_ =	swait.ge [sflag:s23], $0x1  }
0xa3: {  	[sflag:s23] =	ssyncset.done $0x0  }
0xa4: {  	s25 =	simm.s32 $0x1B8E;
	s24 =	sld [smem:$0x3FFE];
	[sflag:s23] =	ssyncadd.s32 $0xFFFFFFFF  }
0xa5: {  	s26 =	simm.s32 $execute0_lowered;
	[smem:$0x3FD2] =	sst s25  }
0xa6: {  	s4 =	sshll.u32 s26, $0x1;
	_ =	strace $0x80000049;
	[dreg:$0x1] =	wrdreg $0xFFFFFFFF  }
0xa7: {  	s28 =	simm.s32 $_size_execute0_lowered;
	s2 =	sadd.s32 s2, s4;
	[dreg:$0x0] =	wrdreg $0x0  }
0xa8: {  	s4 =	sshll.u32 s28, $0x1;
	[dreg:$0x2] =	wrdreg s2  }
0xa9: {  	[dreg:$0x3] =	wrdreg s4  }
0xaa: {  	[dreg:$0x4] =	wrdreg $0xC0  }
0xab: {  	_ =	task [dreg:s6], $0x5FFFF  }
0xac: {  	[dreg:$0x1] =	wrdreg $0xFFFFFFFF  }
0xad: {  	[dreg:$0x0] =	wrdreg $0x60  }
0xae: {  	[dreg:$0x2] =	wrdreg s24  }
0xaf: {  	[dreg:$0x3] =	wrdreg $0xA3C00  }
0xb0: {  	[dreg:$0x4] =	wrdreg $0x9  }
0xb1: {  	_ =	task.clear_ibuf [dreg:s6], $0x5FFFF;
	_ =	strace $0x90000049  }
0xb2: {  	s29 =	simm.s32 $0x9;
	_ =	strace $0x8000004B  }
0xb3: {  	_ =	swait.ge [sflag:s29], $0x1  }
0xb4: {  	[sflag:s29] =	ssyncadd.s32 $0xFFFFFFFF  }
0xb5: {  	_ =	strace $0x9000004B  }
0xb6: {  	_ =	sfence  }
0xb7: {  	s30 =	sld [smem:$0x0];
	_ =	sdelay $0x2  }
0xb8: {  	s31 =	sshll.u32 s1, $0xD;
	s1 =	sshrl.u32 s1, $0x2  }
0xb9: {  	s3 =	sand.u32 $0x4000, s31;
	s1 =	sadd.s32 s1, s30  }
0xba: {  	s0 =	sor.u32 s3, s0;
	s1 =	sshll.u32 s1, $0x11  }
0xbb: {  	s0 =	sor.u32 s1, s0  }
0xbc: {  	s0 =	sadd.s32 $0x8F2B, s0  }
0xbd: {  	[sflag:s0] =	ssyncadd.remote.s32 $0x1  }
0xbe: {  	_ =	sfence.sel $0xFFFF  }
0xbf: {  	[dreg:$0x0] =	wrdreg $0xFFFFFFFF;
	(pc) =	sbr.abs _section_cstart, $3  }
0xc0: {  	[dreg:$0x1] =	wrdreg $0xFFFFFFFF  }
0xc1: {  	_ =	task.clear_ibuf [dreg:s6], $0x2FFFF;
	_ =	strace $0x9FFFFFFF  }
0xc2: {  	(tm) =	ssettm $0x7FFFFFFF  }
0xc3: {  	_ =	shalt  }
tec
execute0_lowered:
.L_overlay_start_1:
0x0: {  	(tag) =	ssettag $0x1  }
0x1: {  	s0 =	rddreg [dreg:$0x0]  }
0x2: {  	s2 =	rddreg [dreg:$0x1];
	s3 =	simm.s32 $0x0  }
0x3: {  	s1 =	srdreg.scid;
	s14 =	stileid.u32;
	s23 =	simm.s32 $0x3C0  }
0x4: {  	s31 =	simm.s32 $0x2;
	s28 =	simm.s32 $0x0;
	s5 =	smul.u32 $0x2800, s14  }
0x5: {  	[smem:$0x7FF] =	sst s3;
	s1 =	sand.u32 $0x1, s1;
	s7 =	smul.u32 $0x50000, s14  }
0x6: {  	s4 =	sadd.s32 $0x15800, s0;
	s21 =	sadd.s32 $0xBA00, s0;
	s17 =	smul.u32 $0x2710, s14  }
0x7: {  	s22 =	sadd.s32 $0x1C00, s0;
	_ =	strace $0x8000004A;
	s6 =	smul.u32 $0x28000, s1  }
0x8: {  	s24 =	ssub.s32 $0x2, s1;
	s8 =	sshll.u32 s1, $0x4;
	s1 =	smul.u32 $0x27100, s1  }
0x9: {  	s25 =	sshrl.u32 s24, $0x1;
	s7 =	sshrl.u32 s7, $0x2;
	s10 =	sor.u32 s14, s8  }
0xa: {  	s5 =	sadd.s32 s5, s6;
	s6 =	ssub.s32 s24, s25;
	s13 =	smul.u32 $0x2710, s10  }
0xb: {  	s1 =	sadd.s32 s17, s1;
	s24 =	simm.s32 $0x4;
	s25 =	simm.s32 $0x3  }
0xc: {  	s0 =	sadd.s32 s5, s0;
	s5 =	sadd.s32 s7, s2;
	s1 =	sadd.s32 $0xF0, s1  }
0xd: {  	s20 =	smax.u32 s6, $0x1;
	s7 =	sadd.s32 $0x2800, s5;
	s26 =	sadd.s32 $0x5000, s5  }
0xe: {  	s29 =	sadd.s32 $0x7800, s5;
	s9 =	sadd.s32 $0xA000, s5;
	s10 =	sadd.s32 $0xC800, s5  }
0xf: {  	s11 =	sadd.s32 $0xF000, s5;
	s12 =	sadd.s32 $0x11800, s5;
	[dreg:$0x3] =	wrdreg s7  }
0x10: {  	s16 =	sshrl.u32 s13, $0x3;
	s1 =	sshrl.u32 s1, $0x3;
	[dreg:$0x4] =	wrdreg s26  }
.Ltmp0:
0x11: {  	[dreg:$0x5] =	wrdreg s29;
	s13 =	sadd.s32 s21, s16;
	(pc) =	sbr.rel .LBB2_1-.Ltmp0, $4  }
0x12: {  	s14 =	sadd.s32 s22, s16;
	s18 =	sadd.s32 $0xA, s16;
	s19 =	sadd.s32 $0x14, s16  }
0x13: {  	s30 =	sadd.s32 s1, s21;
	s26 =	simm.s32 $0x50;
	s15 =	sadd.s32 s21, s18  }
0x14: {  	s16 =	sadd.s32 s22, s18;
	s17 =	sadd.s32 s21, s19;
	s18 =	sadd.s32 s22, s19  }
0x15: {  	v0 =	vimm.f32 $0.0e+00;
	s19 =	sadd.s32 $0x3CA00, s0;
	s0 =	sadd.s32 s1, s22;
	s1 =	simm.s32 $0x1  }
.LBB2_7:
0x16: {  	_ =	swait.ge [sflag:s25], $0x2800  }
0x17: {  	[sflag:s25] =	ssyncset.done $0x0  }
0x18: {  	[sflag:s25] =	ssyncadd.s32 $0xFFFFD800  }
0x19: {  	s6 =	stileid.u32;
	_ =	swait.ge [sflag:s25], $0x2800  }
0x1a: {  	s7 =	sshrl.u32 s5, $0x3;
	s28 =	sadd.s32 $0x1, s28;
	[sflag:s25] =	ssyncset.done $0x0  }
0x1b: {  	s6 =	sshll.u32 s6, $0x6;
	p0 =	sne.s32 s28, s20;
	[sflag:s25] =	ssyncadd.s32 $0xFFFFD800  }
.Ltmp1:
0x1c: {  	s6 =	sor.u32 $0x1C04, s6;
	[bflag:$0x0] =	sbarrier.arrive $0xFFFF;
	(pc) =	sbr.rel @!p0 .LBB2_8-.Ltmp1, $4  }
0x1d: {  	[hbm:s19], [sflag:s6] =	dma.local [spmem:s7], $0x2800  }
0x1e: {  	_ =	swait.ge [sflag:s24], $0x2800  }
0x1f: {  	[sflag:s24] =	ssyncset.done $0x0  }
0x20: {  	[sflag:s24] =	ssyncadd.s32 $0xFFFFD800  }
.LBB2_1:
0x21: {  	s6 =	simm.s32 $0x0;
	s21 =	simm.s32 $0x200  }
.LBB2_2:
0x22: {  	p0 =	sne.s32 s21, $0x9E00;
	[tilespmem:s6+$0x430] =	vst v0  }
0x23: {  	[tilespmem:s6+$0x3C0] =	vst v0  }
0x24: {  	[tilespmem:s6+$0x3D0] =	vst v0  }
.Ltmp2:
0x25: {  	[tilespmem:s6+$0x3E0] =	vst v0;
	(pc) =	sbr.rel @p0 .LBB2_2-.Ltmp2, $4  }
0x26: {  	[tilespmem:s6+$0x3F0] =	vst v0  }
0x27: {  	[tilespmem:s6+$0x400] =	vst v0  }
0x28: {  	[tilespmem:s6+$0x410] =	vst v0  }
0x29: {  	[tilespmem:s6+$0x420] =	vst v0;
	s6 =	sshra.s32 s21, $0x2;
	s21 =	sadd.s32 $0x200, s21  }
0x2a: {  	[tilespmem:s6+$0x430] =	vst v0  }
0x2b: {  	[tilespmem:s6+$0x3C0] =	vst v0  }
0x2c: {  	[tilespmem:s6+$0x3D0] =	vst v0  }
0x2d: {  	[tilespmem:s6+$0x3E0] =	vst v0  }
0x2e: {  	[tilespmem:s6+$0x3F0] =	vst v0  }
0x2f: {  	[tilespmem:s6+$0x400] =	vst v0  }
0x30: {  	[tilespmem:s6+$0x410] =	vst v0  }
0x31: {  	[tilespmem:s6+$0x420] =	vst v0  }
0x32: {  	[spmem:s5] =	stream.linear.scatter [tilespmem:s23], [sflag:$0x4], $0x2800, $0x38;
	[tilespmem:$0x1E3C0] =	vst v63  }
0x33: {  	_ =	swait.ge [sflag:s24], $0x2800  }
0x34: {  	[sflag:s24] =	ssyncset.done $0x0  }
0x35: {  	s7 =	rddreg [dreg:$0x3];
	[sflag:s24] =	ssyncadd.s32 $0xFFFFD800  }
0x36: {  	[spmem:s7] =	stream.linear.scatter [tilespmem:s23], [sflag:$0x4], $0x2800, $0x38;
	[tilespmem:$0x1E3C0] =	vst v63  }
0x37: {  	_ =	swait.ge [sflag:s24], $0x2800  }
0x38: {  	[sflag:s24] =	ssyncset.done $0x0  }
0x39: {  	s8 =	rddreg [dreg:$0x4];
	[sflag:s24] =	ssyncadd.s32 $0xFFFFD800  }
0x3a: {  	[spmem:s8] =	stream.linear.scatter [tilespmem:s23], [sflag:$0x4], $0x2800, $0x38;
	[tilespmem:$0x1E3C0] =	vst v63  }
0x3b: {  	_ =	swait.ge [sflag:s24], $0x2800  }
0x3c: {  	[sflag:s24] =	ssyncset.done $0x0  }
0x3d: {  	s21 =	rddreg [dreg:$0x5];
	[sflag:s24] =	ssyncadd.s32 $0xFFFFD800  }
0x3e: {  	[spmem:s21] =	stream.linear.scatter [tilespmem:s23], [sflag:$0x4], $0x2800, $0x38;
	[tilespmem:$0x1E3C0] =	vst v63  }
0x3f: {  	_ =	swait.ge [sflag:s24], $0x2800  }
0x40: {  	[sflag:s24] =	ssyncset.done $0x0  }
0x41: {  	[sflag:s24] =	ssyncadd.s32 $0xFFFFD800  }
0x42: {  	[spmem:s9] =	stream.linear.scatter [tilespmem:s23], [sflag:$0x4], $0x2800, $0x38;
	[tilespmem:$0x1E3C0] =	vst v63  }
0x43: {  	_ =	swait.ge [sflag:s24], $0x2800  }
0x44: {  	[sflag:s24] =	ssyncset.done $0x0  }
0x45: {  	[sflag:s24] =	ssyncadd.s32 $0xFFFFD800  }
0x46: {  	[spmem:s10] =	stream.linear.scatter [tilespmem:s23], [sflag:$0x4], $0x2800, $0x38;
	[tilespmem:$0x1E3C0] =	vst v63  }
0x47: {  	_ =	swait.ge [sflag:s24], $0x2800  }
0x48: {  	[sflag:s24] =	ssyncset.done $0x0  }
0x49: {  	[sflag:s24] =	ssyncadd.s32 $0xFFFFD800  }
0x4a: {  	[spmem:s11] =	stream.linear.scatter [tilespmem:s23], [sflag:$0x4], $0x2800, $0x38;
	[tilespmem:$0x1E3C0] =	vst v63  }
0x4b: {  	_ =	swait.ge [sflag:s24], $0x2800  }
0x4c: {  	[sflag:s24] =	ssyncset.done $0x0  }
0x4d: {  	[sflag:s24] =	ssyncadd.s32 $0xFFFFD800  }
0x4e: {  	[spmem:s12] =	stream.linear.scatter [tilespmem:s23], [sflag:$0x4], $0x2800, $0x38;
	[tilespmem:$0x1E3C0] =	vst v63  }
0x4f: {  	_ =	swait.ge [sflag:s24], $0x2800  }
0x50: {  	[sflag:s24] =	ssyncset.done $0x0  }
0x51: {  	[sflag:s24] =	ssyncadd.s32 $0xFFFFD800  }
0x52: {  	[bflag:$0x0] =	sbarrier.arrive $0xFFFF  }
0x53: {  	[tilespmem:s3], [sflag:$0x2] =	stream.linear.gather [hbm4b:s13+s3], $0x50, $0x38;
	[tilespmem:$0x1E3C0] =	vst v63  }
0x54: {  	s22 =	simm.s32 $0x1E0  }
0x55: {  	[tilespmem:s22], [sflag:$0x2] =	stream.linear.gather [hbm4b:s14+s3], $0x50, $0x38;
	[tilespmem:$0x1E3C0] =	vst v63  }
0x56: {  	_ = 	snop  }
0x57: {  	[tilespmem:s26], [sflag:$0x2] =	stream.linear.gather [hbm4b:s15+s3], $0x50, $0x38;
	[tilespmem:$0x1E3C0] =	vst v63  }
0x58: {  	s7 =	simm.s32 $0x230  }
0x59: {  	[tilespmem:s7], [sflag:$0x2] =	stream.linear.gather [hbm4b:s16+s3], $0x50, $0x38;
	[tilespmem:$0x1E3C0] =	vst v63  }
0x5a: {  	s8 =	simm.s32 $0xA0  }
0x5b: {  	[tilespmem:s8], [sflag:$0x2] =	stream.linear.gather [hbm4b:s17+s3], $0x50, $0x38;
	[tilespmem:$0x1E3C0] =	vst v63  }
0x5c: {  	s21 =	simm.s32 $0x280  }
0x5d: {  	[tilespmem:s21], [sflag:$0x2] =	stream.linear.gather [hbm4b:s18+s3], $0x50, $0x38;
	[tilespmem:$0x1E3C0] =	vst v63  }
0x5e: {  	_ =	swait.ge [sflag:s31], $0x50  }
0x5f: {  	[sflag:s31] =	ssyncset.done $0x0  }
0x60: {  	[sflag:s31] =	ssyncadd.s32 $0xFFFFFFB0  }
0x61: {  	_ =	swait.ge [sflag:s31], $0x50  }
0x62: {  	[sflag:s31] =	ssyncset.done $0x0  }
0x63: {  	[sflag:s31] =	ssyncadd.s32 $0xFFFFFFB0  }
0x64: {  	[tilespmem:s23], [sflag:$0x1] =	stream.indirect.gather [hbm4b:s4+s26], $0x80, s3, s26, $0xb8;
	[tilespmem:$0x1E3C0] =	vst v63  }
0x65: {  	_ =	swait.ge [sflag:s31], $0x50  }
0x66: {  	[sflag:s31] =	ssyncset.done $0x0  }
0x67: {  	[sflag:s31] =	ssyncadd.s32 $0xFFFFFFB0  }
.Ltmp3:
0x68: {  	_ =	swait.ge [sflag:s31], $0x50;
	(pc) =	sbr.rel .LBB2_4-.Ltmp3, $4  }
0x69: {  	[sflag:s31] =	ssyncset.done $0x0  }
0x6a: {  	s22 =	simm.s32 $0x2BC0;
	[sflag:s31] =	ssyncadd.s32 $0xFFFFFFB0  }
0x6b: {  	[tilespmem:s22], [sflag:$0x1] =	stream.indirect.gather [hbm4b:s4+s26], $0x80, s26, s26, $0xb8;
	[tilespmem:$0x1E3C0] =	vst v63  }
0x6c: {  	s29 =	simm.s32 $0x3;
	s21 =	smov.u32 s0;
	s22 =	smov.u32 s30  }
.LBB2_6:
0x6d: {  	s29 =	sadd.s32 $0x1, s29  }
0x6e: {  	p0 =	sne.s32 s29, $0x80  }
.Ltmp4:
0x6f: {  	_ = 	snop;
	(pc) =	sbr.rel @!p0 .LBB2_7-.Ltmp4, $2  }
0x70: {  	_ =	sdelay $0x2  }
0x71: {  	s21 =	sadd.s32 $0xA, s21;
	s22 =	sadd.s32 $0xA, s22  }
.LBB2_4:
0x72: {  	s6 =	sadd.s32 $0xFFFFFFFD, s29  }
0x73: {  	s7 =	smul.u32 $0xAB, s6;
	_ =	sdelay $0x1  }
0x74: {  	s7 =	sshrl.u32 s7, $0xA  }
0x75: {  	s7 =	sand.u32 $0x3F, s7  }
0x76: {  	s7 =	smul.u32 $0x6, s7;
	_ =	sdelay $0x1  }
0x77: {  	s8 =	sand.u32 $0x3, s6;
	s7 =	ssub.s32 s6, s7  }
0x78: {  	_ =	swait.ge [sflag:s1], $0x2800;
	s8 =	smul.u32 $0xA000, s8;
	s7 =	sand.u32 $0xFF, s7  }
0x79: {  	[sflag:s1] =	ssyncset.done $0x0;
	s7 =	smul.u32 $0x140, s7  }
0x7a: {  	p0 =	slt.u32 s6, $0x2;
	[sflag:s1] =	ssyncadd.s32 $0xFFFFD800  }
0x7b: {  	p1 =	sgt.u32 @!p0 s6, $0x7A;
	s8 =	sshrl.u32 s8, $0x2;
	s7 =	sshrl.u32 s7, $0x2  }
0x7c: {  	p1 =	por p0, !p1;
	s8 =	sor.u32 $0x3C0, s8;
	s7 =	sadd.s32 $0x1E0, s7  }
0x7d: {  	[spmem:s2] =	stream.indirect.scatter.add.f32 [tilespmem:s8], [sflag:$0x3], $0x80, s7, s26, $0xb8;
	[tilespmem:$0x1E3C0] =	vst v63  }
.Ltmp5:
0x7e: {  	_ = 	snop;
	(pc) =	sbr.rel @!p1 .LBB2_6-.Ltmp5, $4  }
0x7f: {  	s7 =	simm.s32 @!p0 $0x3  }
0x80: {  	_ =	swait.ge @!p0 [sflag:s7], $0x2800  }
0x81: {  	[sflag:s7] =	ssyncset.done @!p0 $0x0  }
0x82: {  	[sflag:s7] =	ssyncadd.s32 @!p0 $0xFFFFD800  }
0x83: {  	s7 =	sadd.s32 $0xFFFFFFFF, s29  }
0x84: {  	s8 =	smul.u32 $0xAB, s7;
	_ =	sdelay $0x1  }
0x85: {  	s8 =	sshrl.u32 s8, $0xA  }
0x86: {  	s8 =	sand.u32 $0x3F, s8  }
0x87: {  	_ =	swait.ge [sflag:s31], $0x50;
	s8 =	smul.u32 $0x6, s8  }
0x88: {  	p0 =	sgt.u32 s6, $0x79;
	[sflag:s31] =	ssyncset.done $0x0;
	s6 =	sand.u32 $0x3, s7  }
0x89: {  	[sflag:s31] =	ssyncadd.s32 $0xFFFFFFB0;
	s8 =	ssub.s32 s7, s8;
	s7 =	smul.u32 @!p0 $0xAB, s29  }
0x8a: {  	s6 =	smul.u32 $0xA000, s6;
	_ =	swait.ge [sflag:s31], $0x50;
	s8 =	sand.u32 $0xFF, s8  }
0x8b: {  	[sflag:s31] =	ssyncset.done $0x0;
	s8 =	smul.u32 $0x140, s8;
	s7 =	sshrl.u32 @!p0 s7, $0xA  }
0x8c: {  	s6 =	sshrl.u32 s6, $0x2;
	[sflag:s31] =	ssyncadd.s32 $0xFFFFFFB0;
	s7 =	sand.u32 @!p0 $0x3F, s7  }
0x8d: {  	s6 =	sor.u32 $0x3C0, s6;
	s8 =	sshrl.u32 s8, $0x2;
	s7 =	smul.u32 @!p0 $0x6, s7  }
0x8e: {  	[tilespmem:s6], [sflag:$0x1] =	stream.indirect.gather [hbm4b:s4+s26], $0x80, s8, s26, $0xb8;
	[tilespmem:$0x1E3C0] =	vst v63  }
0x8f: {  	s6 =	ssub.s32 @!p0 s29, s7  }
0x90: {  	s6 =	sand.u32 @!p0 $0xFF, s6  }
0x91: {  	s6 =	smul.u32 @!p0 $0x50, s6  }
.Ltmp6:
0x92: {  	_ = 	snop;
	(pc) =	sbr.rel .LBB2_6-.Ltmp6, $4  }
0x93: {  	s7 =	simm.s32 @!p0 $0x0  }
0x94: {  	[tilespmem:s6], [sflag:$0x2] =	stream.linear.gather @!p0 [hbm4b:s22+s7], $0x50, $0x38;
	[tilespmem:$0x1E3C0] =	vst v63  }
0x95: {  	s6 =	sadd.s32 @!p0 $0x1E0, s6  }
0x96: {  	[tilespmem:s6], [sflag:$0x2] =	stream.linear.gather @!p0 [hbm4b:s21+s7], $0x50, $0x38;
	[tilespmem:$0x1E3C0] =	vst v63  }
.LBB2_8:
0x97: {  	_ =	sfence.sel $0x180000  }
0x98: {  	[bflag:$0x0] =	sbarrier.arrive $0xFFFF  }
0x99: {  	_ =	strace $0x9000004A  }
0x9a: {  	s0 =	stileid.u32;
	[bflag:$0x2] =	sbarrier.arrive $0xFFFF  }
0x9b: {  	p0 =	sne.s32 s0, $0x0;
	s0 =	rddreg [dreg:$0x2]  }
0x9c: {  	s0 =	sadd.s32 @!p0 $0x100000, s0  }
0x9d: {  	[sflag:s0] =	ssyncadd.tile.s32 @!p0 $0x1;
	_ =	shalt  }
.Lfunc_end2:
_tile_overlayer_lowered:
.L_overlay_start_2:
0x9e: {  	(tag) =	ssettag $0x2  }
0x9f: {  	s0 =	rddreg [dreg:$0x0];
	s2 =	stileid.u32  }
0xa0: {  	s1 =	rddreg [dreg:$0x1];
	p0 =	sne.s32 s2, $0x0  }
0xa1: {  	s3 =	rddreg [dreg:$0x2];
	[bflag:$0x3] =	sbarrier.arrive $0xFFFF;
	s2 =	simm.s32 @!p0 $0x1C04  }
0xa2: {  	[timem:s3], [sflag:s2] =	dma.local @!p0 [hbm:s0], s1  }
0xa3: {  	s0 =	simm.s32 @!p0 $0x4  }
0xa4: {  	_ =	swait.ge @!p0 [sflag:s0], s1  }
0xa5: {  	s1 =	ssub.s32 @!p0 $0x0, s1;
	[sflag:s0] =	ssyncset.done @!p0 $0x0  }
0xa6: {  	[sflag:s0] =	ssyncadd.s32 @!p0 s1  }
0xa7: {  	[bflag:$0x3] =	sbarrier.arrive $0xFFFF  }
0xa8: {  	_ =	shalt  }

// kernel: kernel.14.cloned.1.call-start
scs
__scs_entry_jumppad:
0x0: {  	(pc) =	sbr.rel $0x88, $3  }
0x1: {  	(tag) =	ssettag $0x0;
	lr =	simm.s32 $0x1  }
0x2: {  	[smem:$0x3F9B] =	sst lr;
	_ =	strace $0xD0000000  }
0x3: {  	_ = 	snop  }
0x4: {  	_ = 	snop  }
0x5: {  	_ = 	snop  }
0x6: {  	_ = 	snop  }
0x7: {  	_ = 	snop  }
__scs_overlays_trampoline_lowered:
0x8: {  	[smem:$0x3FAA] =	sst s0  }
0x9: {  	[smem:$0x3FAB] =	sst s1  }
0xa: {  	[smem:$0x3FAC] =	sst s2  }
0xb: {  	[smem:$0x3FAD] =	sst s3  }
0xc: {  	[smem:$0x3FAE] =	sst s4  }
0xd: {  	[smem:$0x3FAF] =	sst s5  }
0xe: {  	[smem:$0x3FB0] =	sst s6  }
0xf: {  	[smem:$0x3FB1] =	sst s7  }
0x10: {  	[smem:$0x3FB2] =	sst s8  }
0x11: {  	[smem:$0x3FB3] =	sst s9;
	s0 =	simm.s32 @!p0 $0x0  }
0x12: {  	s1 =	sld [smem:$0x3F99];
	s0 =	simm.s32 @p0 $0x1  }
0x13: {  	[smem:$0x3FB4] =	sst s0;
	s0 =	simm.s32 @!p1 $0x0  }
0x14: {  	s2 =	sld [smem:$0x3F98];
	s0 =	simm.s32 @p1 $0x1  }
0x15: {  	[smem:$0x3FB5] =	sst s0;
	s0 =	simm.s32 @!p2 $0x0  }
0x16: {  	s3 =	sld [smem:$0x3FDB];
	s0 =	simm.s32 @p2 $0x1  }
0x17: {  	s4 =	simm.s32 $0x1BF5;
	[smem:$0x3FB7] =	sst s0  }
0x18: {  	s0 =	sld [smem:$0x3F9A];
	_ =	swait.ge [sflag:s4], $0x0  }
0x19: {  	s7 =	sld [smem:$0x3F9B]  }
0x1a: {  	s8 =	sadd.s32 $0xFFFFE003, lr  }
0x1b: {  	s9 =	sadd.s32 $0xFFFFFEF7, lr;
	s5 =	simm.s32 $0xFFFFFFFF;
	p2 =	slt.u32 s8, $0xFFFFF086  }
0x1c: {  	p1 =	slt.u32 s9, $0xF7A;
	s5 =	simm.s32 @!p2 $0x0  }
0x1d: {  	s5 =	simm.s32 @p1 $0x1;
	p0 =	seq.s32 s7, s2  }
0x1e: {  	s7 =	smul.u32 @!p0 $0xF7A, s2;
	p2 =	seq.s32 @!p0 s5, $0x0  }
0x1f: {  	s9 =	smul.u32 $0xF7A, s1;
	s8 =	simm.s32 @!p0 $0x1BF5;
	p2 =	por !p2, p0  }
0x20: {  	[sflag:s8] =	ssyncset.s32 @!p0 $0xFFFFF086;
	s6 =	sadd.s32 @!p0 s3, s7;
	s7 =	simm.s32 @!p0 $0x108  }
0x21: {  	s3 =	sadd.s32 s3, s9;
	s6 =	sadd.s32 @!p0 $0x88, s6;
	s7 =	simm.s32 @p2 $0x1082  }
0x22: {  	[simem:s7], [sflag:s8] =	dma.local @!p0 [hbm:s6], $0xF7A  }
0x23: {  	s9 =	sor.u32 $0xD0000000, s2;
	s6 =	simm.s32 $0x108;
	_ =	swait.ge @!p0 [sflag:s8], $0x0  }
0x24: {  	s3 =	sadd.s32 $0x88, s3;
	s6 =	simm.s32 @!p1 $0x1082;
	[sflag:s4] =	ssyncset.s32 $0xFFFFF086  }
0x25: {  	[simem:s6], [sflag:s4] =	dma.local [hbm:s3], $0xF7A  }
0x26: {  	[smem:$0x3F9B] =	sst s1;
	(tag) =	ssettag s2;
	_ =	strace s9  }
0x27: {  	s1 =	sld [smem:$0x3FAB]  }
0x28: {  	s2 =	sld [smem:$0x3FAC]  }
0x29: {  	s4 =	sld [smem:$0x3FAE]  }
0x2a: {  	p0 =	seq.s32 s5, $0x0;
	s5 =	sld [smem:$0x3FAF]  }
0x2b: {  	s6 =	sld [smem:$0x3FB0]  }
0x2c: {  	s7 =	sld [smem:$0x3FB1]  }
0x2d: {  	s3 =	simm.s32 $0x108;
	s8 =	sld [smem:$0x3FB2]  }
0x2e: {  	s3 =	simm.s32 @!p0 $0x1082;
	s9 =	sld [smem:$0x3FB3]  }
0x2f: {  	lr =	sadd.s32 s0, s3;
	s0 =	sld [smem:$0x3FAA]  }
0x30: {  	s3 =	sld [smem:$0x3FAD]  }
0x31: {  	[smem:$0x3FB6] =	sst s10  }
0x32: {  	s10 =	sld [smem:$0x3FB4];
	_ =	sdelay $0x3  }
0x33: {  	p0 =	seq.s32 s10, $0x1;
	s10 =	sld [smem:$0x3FB6];
	_ =	sdelay $0x3  }
0x34: {  	[smem:$0x3FB6] =	sst s10  }
0x35: {  	s10 =	sld [smem:$0x3FB5];
	_ =	sdelay $0x3  }
0x36: {  	p1 =	seq.s32 s10, $0x1;
	s10 =	sld [smem:$0x3FB6];
	_ =	sdelay $0x3  }
0x37: {  	[smem:$0x3FB6] =	sst s10  }
0x38: {  	s10 =	sld [smem:$0x3FB7]  }
0x39: {  	_ = 	snop;
	(pc) =	sbr.ind lr, $3  }
0x3a: {  	_ = 	snop  }
0x3b: {  	_ = 	snop  }
0x3c: {  	p2 =	seq.s32 s10, $0x1;
	s10 =	sld [smem:$0x3FB6]  }
0x3d: {  	_ =	shalt  }
0x3e: {  	_ =	shalt  }
0x3f: {  	_ =	shalt  }
0x40: {  	_ =	shalt  }
0x41: {  	_ =	shalt  }
0x42: {  	_ =	shalt  }
0x43: {  	_ =	shalt  }
0x44: {  	_ =	shalt  }
0x45: {  	_ =	shalt  }
0x46: {  	_ =	shalt  }
0x47: {  	_ =	shalt  }
0x48: {  	_ =	shalt  }
0x49: {  	_ =	shalt  }
0x4a: {  	_ =	shalt  }
0x4b: {  	_ =	shalt  }
0x4c: {  	_ =	shalt  }
0x4d: {  	_ =	shalt  }
0x4e: {  	_ =	shalt  }
0x4f: {  	_ =	shalt  }
0x50: {  	_ =	shalt  }
0x51: {  	_ =	shalt  }
0x52: {  	_ =	shalt  }
0x53: {  	_ =	shalt  }
0x54: {  	_ =	shalt  }
0x55: {  	_ =	shalt  }
0x56: {  	_ =	shalt  }
0x57: {  	_ =	shalt  }
0x58: {  	_ =	shalt  }
0x59: {  	_ =	shalt  }
0x5a: {  	_ =	shalt  }
0x5b: {  	_ =	shalt  }
0x5c: {  	_ =	shalt  }
0x5d: {  	_ =	shalt  }
0x5e: {  	_ =	shalt  }
0x5f: {  	_ =	shalt  }
0x60: {  	_ =	shalt  }
0x61: {  	_ =	shalt  }
0x62: {  	_ =	shalt  }
0x63: {  	_ =	shalt  }
0x64: {  	_ =	shalt  }
0x65: {  	_ =	shalt  }
0x66: {  	_ =	shalt  }
0x67: {  	_ =	shalt  }
0x68: {  	_ =	shalt  }
0x69: {  	_ =	shalt  }
0x6a: {  	_ =	shalt  }
0x6b: {  	_ =	shalt  }
0x6c: {  	_ =	shalt  }
0x6d: {  	_ =	shalt  }
0x6e: {  	_ =	shalt  }
0x6f: {  	_ =	shalt  }
0x70: {  	_ =	shalt  }
0x71: {  	_ =	shalt  }
0x72: {  	_ =	shalt  }
0x73: {  	_ =	shalt  }
0x74: {  	_ =	shalt  }
0x75: {  	_ =	shalt  }
0x76: {  	_ =	shalt  }
0x77: {  	_ =	shalt  }
0x78: {  	_ =	shalt  }
0x79: {  	_ =	shalt  }
0x7a: {  	_ =	shalt  }
0x7b: {  	_ =	shalt  }
0x7c: {  	_ =	shalt  }
0x7d: {  	_ =	shalt  }
0x7e: {  	_ =	shalt  }
0x7f: {  	_ =	shalt  }
0x80: {  	_ =	shalt  }
0x81: {  	_ =	shalt  }
0x82: {  	_ =	shalt  }
0x83: {  	_ =	shalt  }
0x84: {  	_ =	shalt  }
0x85: {  	_ =	shalt  }
0x86: {  	_ =	shalt  }
0x87: {  	_ =	shalt  }
.Lfunc_end0:
.L_simem_size_0:
called_computation.2_lowered:
.L_overlay_start_0:
0x88: {  	s2 =	sld [smem:$0x3FD9]  }
0x89: {  	s3 =	sld [smem:$0x3FFE];
	_ =	sdelay $0x1  }
0x8a: {  	s1 =	srdreg.scid  }
0x8b: {  	s0 =	sand.u32 $0x1, s1  }
0x8c: {  	s17 =	sshll.u32 s0, $0xA;
	s2 =	sadd.s32 s3, s2  }
0x8d: {  	s2 =	sadd.s32 s2, s17  }
0x8e: {  	[smem:$0x3FC2] =	sst s2  }
0x8f: {  	_ = 	snop  }
0x90: {  	s2 =	sld [smem:$0x3FD0];
	(tm) =	ssettm $0x1  }
0x91: {  	s18 =	sld [smem:$0x3FFB];
	_ =	sdelay $0x3  }
0x92: {  	_ =	strace s18  }
0x93: {  	s3 =	sld [smem:$0x3FFC];
	_ =	sdelay $0x3  }
0x94: {  	_ =	strace s3  }
0x95: {  	s3 =	sld [smem:$0x3FFD];
	_ =	sdelay $0x3  }
0x96: {  	_ =	strace s3  }
0x97: {  	_ =	strace $0x8FFFFFFF  }
0x98: {  	s19 =	sld [smem:$0x3FDB];
	_ =	sdelay $0x1  }
0x99: {  	s4 =	simm.s32 $_scs_section_size  }
0x9a: {  	s5 =	simm.s32 $_size__tile_overlayer_lowered;
	s6 =	simm.s32 $_tile_overlayer_lowered  }
0x9b: {  	s22 =	simm.s32 $0x1BFF;
	s21 =	sshll.u32 s6, $0x1;
	s3 =	sadd.s32 s4, s19  }
0x9c: {  	s7 =	simm.s32 $0x0;
	s20 =	sshll.u32 s5, $0x1;
	s5 =	sadd.s32 s21, s3  }
0x9d: {  	[timem:s7], [sflag:s22] =	dma.local [hbm:s5], s20  }
0x9e: {  	_ =	swait.ge [sflag:s22], s20  }
0x9f: {  	s4 =	ssub.s32 $0x0, s20;
	[sflag:s22] =	ssyncset.done $0x0  }
0xa0: {  	[sflag:s22] =	ssyncadd.s32 s4;
	_ =	sdelay $0x1  }
0xa1: {  	s23 =	simm.s32 $0x1B8B  }
0xa2: {  	_ =	swait.ge [sflag:s23], $0x1  }
0xa3: {  	[sflag:s23] =	ssyncset.done $0x0  }
0xa4: {  	s25 =	simm.s32 $0x1B8E;
	s24 =	sld [smem:$0x3FFE];
	[sflag:s23] =	ssyncadd.s32 $0xFFFFFFFF  }
0xa5: {  	s26 =	simm.s32 $execute0_lowered;
	[smem:$0x3FD2] =	sst s25  }
0xa6: {  	s5 =	sshll.u32 s26, $0x1;
	_ =	strace $0x8000004C;
	[dreg:$0x1] =	wrdreg $0xFFFFFFFF  }
0xa7: {  	s28 =	simm.s32 $_size_execute0_lowered;
	s3 =	sadd.s32 s3, s5;
	[dreg:$0x0] =	wrdreg $0x0  }
0xa8: {  	s5 =	sshll.u32 s28, $0x1;
	[dreg:$0x2] =	wrdreg s3  }
0xa9: {  	[dreg:$0x3] =	wrdreg s5  }
0xaa: {  	[dreg:$0x4] =	wrdreg $0xC0  }
0xab: {  	_ =	task [dreg:s7], $0x5FFFF  }
0xac: {  	[dreg:$0x1] =	wrdreg $0xFFFFFFFF  }
0xad: {  	[dreg:$0x0] =	wrdreg $0x60  }
0xae: {  	[dreg:$0x2] =	wrdreg s2  }
0xaf: {  	[dreg:$0x3] =	wrdreg s24  }
0xb0: {  	[dreg:$0x4] =	wrdreg $0x7E400  }
0xb1: {  	[dreg:$0x5] =	wrdreg $0x9  }
0xb2: {  	_ =	task.clear_ibuf [dreg:s7], $0x6FFFF;
	_ =	strace $0x9000004C  }
0xb3: {  	s29 =	simm.s32 $0x9;
	_ =	strace $0x8000004E  }
0xb4: {  	_ =	swait.ge [sflag:s29], $0x1  }
0xb5: {  	[sflag:s29] =	ssyncadd.s32 $0xFFFFFFFF  }
0xb6: {  	_ =	strace $0x9000004E  }
0xb7: {  	_ =	sfence  }
0xb8: {  	s30 =	sld [smem:$0x0];
	_ =	sdelay $0x2  }
0xb9: {  	s31 =	sshll.u32 s1, $0xD;
	s1 =	sshrl.u32 s1, $0x2  }
0xba: {  	s3 =	sand.u32 $0x4000, s31;
	s1 =	sadd.s32 s1, s30  }
0xbb: {  	s0 =	sor.u32 s3, s0;
	s1 =	sshll.u32 s1, $0x11  }
0xbc: {  	s0 =	sor.u32 s1, s0  }
0xbd: {  	s0 =	sadd.s32 $0x8F2B, s0  }
0xbe: {  	[sflag:s0] =	ssyncadd.remote.s32 $0x1  }
0xbf: {  	_ =	sfence.sel $0xFFFF  }
0xc0: {  	[dreg:$0x0] =	wrdreg $0xFFFFFFFF;
	(pc) =	sbr.abs _section_cstart, $3  }
0xc1: {  	[dreg:$0x1] =	wrdreg $0xFFFFFFFF  }
0xc2: {  	_ =	task.clear_ibuf [dreg:s7], $0x2FFFF;
	_ =	strace $0x9FFFFFFF  }
0xc3: {  	(tm) =	ssettm $0x7FFFFFFF  }
tec
execute0_lowered:
.L_overlay_start_1:
0x0: {  	(tag) =	ssettag $0x1  }
0x1: {  	s1 =	rddreg [dreg:$0x0]  }
0x2: {  	s0 =	rddreg [dreg:$0x1]  }
0x3: {  	s3 =	rddreg [dreg:$0x2];
	s12 =	stileid.u32  }
0x4: {  	s2 =	srdreg.scid;
	s4 =	simm.s32 $0x0;
	s5 =	smul.u32 $0x1400, s12  }
0x5: {  	s30 =	simm.s32 $0x640;
	s31 =	simm.s32 $0x4;
	s8 =	smul.u32 $0x28000, s12  }
0x6: {  	s2 =	sand.u32 $0x1, s2;
	[smem:$0x7FF] =	sst s4;
	s17 =	smul.u32 $0x2710, s12  }
0x7: {  	s7 =	sadd.s32 $0xBA00, s0;
	s9 =	sadd.s32 $0x1C00, s0;
	s6 =	smul.u32 $0x14000, s2  }
0x8: {  	_ =	strace $0x8000004D;
	s24 =	sshll.u32 s2, $0x4;
	s10 =	ssub.s32 $0x2, s2  }
0x9: {  	s2 =	smul.u32 $0x27100, s2;
	s11 =	sor.u32 s12, s24;
	s25 =	sshrl.u32 s8, $0x2  }
0xa: {  	s26 =	sshrl.u32 s10, $0x1;
	s6 =	sadd.s32 s5, s6;
	s5 =	sadd.s32 s25, s3  }
0xb: {  	s11 =	smul.u32 $0x2710, s11;
	s2 =	sadd.s32 s17, s2;
	s0 =	sadd.s32 s6, s0  }
0xc: {  	s6 =	ssub.s32 s10, s26;
	s10 =	sadd.s32 $0x1400, s5;
	s13 =	sadd.s32 $0x2800, s5  }
0xd: {  	s14 =	sadd.s32 $0x3C00, s5;
	s2 =	sadd.s32 $0x1E0, s2;
	[dreg:$0x4] =	wrdreg s10  }
0xe: {  	s28 =	sadd.s32 $0x7800, s5;
	s29 =	sadd.s32 $0x8C00, s5;
	[dreg:$0x5] =	wrdreg s13  }
0xf: {  	[dreg:$0x6] =	wrdreg s14;
	s15 =	sshrl.u32 s11, $0x3;
	s2 =	sshrl.u32 s2, $0x3  }
0x10: {  	s18 =	sadd.s32 s7, s15;
	s19 =	sadd.s32 s9, s15;
	s20 =	sadd.s32 $0xA, s15  }
0x11: {  	s22 =	sadd.s32 $0x14, s15;
	s23 =	sadd.s32 $0x1E, s15;
	s26 =	sadd.s32 $0x28, s15  }
0x12: {  	s8 =	sadd.s32 $0x32, s15;
	s11 =	sadd.s32 s2, s9;
	[dreg:$0x7] =	wrdreg s18  }
0x13: {  	[dreg:$0x8] =	wrdreg s19;
	s21 =	sadd.s32 s7, s20;
	s10 =	sadd.s32 s9, s20  }
0x14: {  	s24 =	sadd.s32 s7, s22;
	s25 =	sadd.s32 s7, s23;
	s16 =	sadd.s32 s9, s23  }
0x15: {  	s17 =	sadd.s32 s7, s26;
	s18 =	sadd.s32 s9, s26;
	s19 =	sadd.s32 s7, s8  }
0x16: {  	s20 =	sadd.s32 s9, s8;
	s23 =	sadd.s32 $0x5000, s5;
	[dreg:$0x9] =	wrdreg s21  }
.Ltmp0:
0x17: {  	s26 =	sadd.s32 $0x6400, s5;
	[dreg:$0xa] =	wrdreg s10;
	(pc) =	sbr.rel .LBB2_1-.Ltmp0, $4  }
0x18: {  	s8 =	simm.s32 $0x3;
	[dreg:$0xb] =	wrdreg s24;
	s10 =	sadd.s32 s9, s22  }
0x19: {  	[dreg:$0xd] =	wrdreg s25;
	s24 =	sadd.s32 $0x15800, s0;
	s25 =	smax.u32 s6, $0x1  }
0x1a: {  	s0 =	simm.s32 $0xA0;
	s6 =	simm.s32 $0x2;
	[dreg:$0xc] =	wrdreg s10  }
0x1b: {  	v0 =	vimm.f32 $0.0e+00;
	s10 =	sadd.s32 s2, s7;
	s2 =	simm.s32 $0x50;
	s7 =	simm.s32 $0x1  }
.LBB2_7:
0x1c: {  	_ =	swait.ge [sflag:s8], $0x1400  }
0x1d: {  	[sflag:s8] =	ssyncset.done $0x0  }
0x1e: {  	[sflag:s8] =	ssyncadd.s32 $0xFFFFEC00  }
0x1f: {  	_ =	swait.ge [sflag:s8], $0x1400  }
0x20: {  	[sflag:s8] =	ssyncset.done $0x0  }
0x21: {  	[sflag:s8] =	ssyncadd.s32 $0xFFFFEC00  }
0x22: {  	s9 =	stileid.u32;
	_ =	swait.ge [sflag:s8], $0x1400  }
0x23: {  	s12 =	sshrl.u32 s5, $0x3;
	s4 =	sadd.s32 $0x1, s4;
	[sflag:s8] =	ssyncset.done $0x0  }
0x24: {  	s9 =	sshll.u32 s9, $0x6;
	p0 =	sne.s32 s4, s25;
	[sflag:s8] =	ssyncadd.s32 $0xFFFFEC00  }
.Ltmp1:
0x25: {  	s9 =	sor.u32 $0x1C04, s9;
	[bflag:$0x0] =	sbarrier.arrive $0xFFFF;
	(pc) =	sbr.rel @!p0 .LBB2_8-.Ltmp1, $4  }
0x26: {  	[hbm:s24], [sflag:s9] =	dma.local [spmem:s12], $0x1400  }
0x27: {  	_ =	swait.ge [sflag:s31], $0x1400  }
0x28: {  	[sflag:s31] =	ssyncset.done $0x0  }
0x29: {  	[sflag:s31] =	ssyncadd.s32 $0xFFFFEC00  }
.LBB2_1:
0x2a: {  	s21 =	simm.s32 $0x100;
	s9 =	simm.s32 $0x0  }
.LBB2_2:
0x2b: {  	p0 =	sne.s32 s21, $0x4F00;
	[tilespmem:s9+$0x670] =	vst v0;
	s22 =	smov.u32 s21;
	s21 =	sadd.s32 $0x100, s21  }
.Ltmp2:
0x2c: {  	[tilespmem:s9+$0x660] =	vst v0;
	(pc) =	sbr.rel @p0 .LBB2_2-.Ltmp2, $3  }
0x2d: {  	[tilespmem:s9+$0x640] =	vst v0  }
0x2e: {  	[tilespmem:s9+$0x650] =	vst v0;
	_ =	sdelay $0x1  }
0x2f: {  	s9 =	sshra.s32 s22, $0x2  }
0x30: {  	[tilespmem:s9+$0x670] =	vst v0  }
0x31: {  	[tilespmem:s9+$0x660] =	vst v0  }
0x32: {  	[tilespmem:s9+$0x640] =	vst v0  }
0x33: {  	[tilespmem:s9+$0x650] =	vst v0  }
0x34: {  	[spmem:s5] =	stream.linear.scatter [tilespmem:s30], [sflag:$0x4], $0x1400, $0x38;
	[tilespmem:$0x11E40] =	vst v63  }
0x35: {  	_ =	swait.ge [sflag:s31], $0x1400  }
0x36: {  	[sflag:s31] =	ssyncset.done $0x0  }
0x37: {  	s13 =	rddreg [dreg:$0x4];
	[sflag:s31] =	ssyncadd.s32 $0xFFFFEC00  }
0x38: {  	[spmem:s13] =	stream.linear.scatter [tilespmem:s30], [sflag:$0x4], $0x1400, $0x38;
	[tilespmem:$0x11E40] =	vst v63  }
0x39: {  	_ =	swait.ge [sflag:s31], $0x1400  }
0x3a: {  	[sflag:s31] =	ssyncset.done $0x0  }
0x3b: {  	s14 =	rddreg [dreg:$0x5];
	[sflag:s31] =	ssyncadd.s32 $0xFFFFEC00  }
0x3c: {  	[spmem:s14] =	stream.linear.scatter [tilespmem:s30], [sflag:$0x4], $0x1400, $0x38;
	[tilespmem:$0x11E40] =	vst v63  }
0x3d: {  	_ =	swait.ge [sflag:s31], $0x1400  }
0x3e: {  	[sflag:s31] =	ssyncset.done $0x0  }
0x3f: {  	s15 =	rddreg [dreg:$0x6];
	[sflag:s31] =	ssyncadd.s32 $0xFFFFEC00  }
0x40: {  	[spmem:s15] =	stream.linear.scatter [tilespmem:s30], [sflag:$0x4], $0x1400, $0x38;
	[tilespmem:$0x11E40] =	vst v63  }
0x41: {  	_ =	swait.ge [sflag:s31], $0x1400  }
0x42: {  	[sflag:s31] =	ssyncset.done $0x0  }
0x43: {  	[sflag:s31] =	ssyncadd.s32 $0xFFFFEC00  }
0x44: {  	[spmem:s23] =	stream.linear.scatter [tilespmem:s30], [sflag:$0x4], $0x1400, $0x38;
	[tilespmem:$0x11E40] =	vst v63  }
0x45: {  	_ =	swait.ge [sflag:s31], $0x1400  }
0x46: {  	[sflag:s31] =	ssyncset.done $0x0  }
0x47: {  	[sflag:s31] =	ssyncadd.s32 $0xFFFFEC00  }
0x48: {  	[spmem:s26] =	stream.linear.scatter [tilespmem:s30], [sflag:$0x4], $0x1400, $0x38;
	[tilespmem:$0x11E40] =	vst v63  }
0x49: {  	_ =	swait.ge [sflag:s31], $0x1400  }
0x4a: {  	[sflag:s31] =	ssyncset.done $0x0  }
0x4b: {  	[sflag:s31] =	ssyncadd.s32 $0xFFFFEC00  }
0x4c: {  	[spmem:s28] =	stream.linear.scatter [tilespmem:s30], [sflag:$0x4], $0x1400, $0x38;
	[tilespmem:$0x11E40] =	vst v63  }
0x4d: {  	_ =	swait.ge [sflag:s31], $0x1400  }
0x4e: {  	[sflag:s31] =	ssyncset.done $0x0  }
0x4f: {  	[sflag:s31] =	ssyncadd.s32 $0xFFFFEC00  }
0x50: {  	[spmem:s29] =	stream.linear.scatter [tilespmem:s30], [sflag:$0x4], $0x1400, $0x38;
	[tilespmem:$0x11E40] =	vst v63  }
0x51: {  	_ =	swait.ge [sflag:s31], $0x1400  }
0x52: {  	[sflag:s31] =	ssyncset.done $0x0  }
0x53: {  	[sflag:s31] =	ssyncadd.s32 $0xFFFFEC00  }
0x54: {  	[bflag:$0x0] =	sbarrier.arrive $0xFFFF  }
0x55: {  	s9 =	simm.s32 $0x0;
	s12 =	rddreg [dreg:$0x7]  }
0x56: {  	[tilespmem:s9], [sflag:$0x2] =	stream.linear.gather [hbm4b:s12+s9], $0x50, $0x38;
	[tilespmem:$0x11E40] =	vst v63  }
0x57: {  	s13 =	simm.s32 $0x320;
	s21 =	rddreg [dreg:$0x8]  }
0x58: {  	[tilespmem:s13], [sflag:$0x2] =	stream.linear.gather [hbm4b:s21+s9], $0x50, $0x38;
	[tilespmem:$0x11E40] =	vst v63  }
0x59: {  	s22 =	rddreg [dreg:$0x9]  }
0x5a: {  	[tilespmem:s2], [sflag:$0x2] =	stream.linear.gather [hbm4b:s22+s9], $0x50, $0x38;
	[tilespmem:$0x11E40] =	vst v63  }
0x5b: {  	s14 =	simm.s32 $0x370;
	s13 =	rddreg [dreg:$0xa]  }
0x5c: {  	[tilespmem:s14], [sflag:$0x2] =	stream.linear.gather [hbm4b:s13+s9], $0x50, $0x38;
	[tilespmem:$0x11E40] =	vst v63  }
0x5d: {  	s15 =	rddreg [dreg:$0xb]  }
0x5e: {  	[tilespmem:s0], [sflag:$0x2] =	stream.linear.gather [hbm4b:s15+s9], $0x50, $0x38;
	[tilespmem:$0x11E40] =	vst v63  }
0x5f: {  	s21 =	rddreg [dreg:$0xc];
	s22 =	simm.s32 $0x3C0  }
0x60: {  	[tilespmem:s22], [sflag:$0x2] =	stream.linear.gather [hbm4b:s21+s9], $0x50, $0x38;
	[tilespmem:$0x11E40] =	vst v63  }
0x61: {  	s14 =	rddreg [dreg:$0xd];
	s15 =	simm.s32 $0xF0  }
0x62: {  	[tilespmem:s15], [sflag:$0x2] =	stream.linear.gather [hbm4b:s14+s9], $0x50, $0x38;
	[tilespmem:$0x11E40] =	vst v63  }
0x63: {  	s21 =	simm.s32 $0x410  }
0x64: {  	[tilespmem:s21], [sflag:$0x2] =	stream.linear.gather [hbm4b:s16+s9], $0x50, $0x38;
	[tilespmem:$0x11E40] =	vst v63  }
0x65: {  	s22 =	simm.s32 $0x140  }
0x66: {  	[tilespmem:s22], [sflag:$0x2] =	stream.linear.gather [hbm4b:s17+s9], $0x50, $0x38;
	[tilespmem:$0x11E40] =	vst v63  }
0x67: {  	s13 =	simm.s32 $0x460  }
0x68: {  	[tilespmem:s13], [sflag:$0x2] =	stream.linear.gather [hbm4b:s18+s9], $0x50, $0x38;
	[tilespmem:$0x11E40] =	vst v63  }
0x69: {  	s14 =	simm.s32 $0x190  }
0x6a: {  	[tilespmem:s14], [sflag:$0x2] =	stream.linear.gather [hbm4b:s19+s9], $0x50, $0x38;
	[tilespmem:$0x11E40] =	vst v63  }
0x6b: {  	s15 =	simm.s32 $0x4B0  }
0x6c: {  	[tilespmem:s15], [sflag:$0x2] =	stream.linear.gather [hbm4b:s20+s9], $0x50, $0x38;
	[tilespmem:$0x11E40] =	vst v63  }
0x6d: {  	_ =	swait.ge [sflag:s6], $0x50  }
0x6e: {  	[sflag:s6] =	ssyncset.done $0x0  }
0x6f: {  	[sflag:s6] =	ssyncadd.s32 $0xFFFFFFB0  }
0x70: {  	_ =	swait.ge [sflag:s6], $0x50  }
0x71: {  	[sflag:s6] =	ssyncset.done $0x0  }
0x72: {  	[sflag:s6] =	ssyncadd.s32 $0xFFFFFFB0  }
0x73: {  	[tilespmem:s30], [sflag:$0x1] =	stream.indirect.gather [hbm4b:s1+s2], $0x40, s9, s2, $0xb8;
	[tilespmem:$0x11E40] =	vst v63  }
0x74: {  	_ =	swait.ge [sflag:s6], $0x50  }
0x75: {  	[sflag:s6] =	ssyncset.done $0x0  }
0x76: {  	[sflag:s6] =	ssyncadd.s32 $0xFFFFFFB0  }
0x77: {  	_ =	swait.ge [sflag:s6], $0x50  }
0x78: {  	[sflag:s6] =	ssyncset.done $0x0  }
0x79: {  	s21 =	simm.s32 $0x1A40;
	[sflag:s6] =	ssyncadd.s32 $0xFFFFFFB0  }
0x7a: {  	[tilespmem:s21], [sflag:$0x1] =	stream.indirect.gather [hbm4b:s1+s2], $0x40, s2, s2, $0xb8;
	[tilespmem:$0x11E40] =	vst v63  }
0x7b: {  	_ =	swait.ge [sflag:s6], $0x50  }
0x7c: {  	[sflag:s6] =	ssyncset.done $0x0  }
0x7d: {  	[sflag:s6] =	ssyncadd.s32 $0xFFFFFFB0  }
.Ltmp3:
0x7e: {  	_ =	swait.ge [sflag:s6], $0x50;
	(pc) =	sbr.rel .LBB2_4-.Ltmp3, $4  }
0x7f: {  	[sflag:s6] =	ssyncset.done $0x0  }
0x80: {  	s22 =	simm.s32 $0x2E40;
	[sflag:s6] =	ssyncadd.s32 $0xFFFFFFB0  }
0x81: {  	[tilespmem:s22], [sflag:$0x1] =	stream.indirect.gather [hbm4b:s1+s2], $0x40, s0, s2, $0xb8;
	[tilespmem:$0x11E40] =	vst v63  }
0x82: {  	s21 =	smov.u32 s11;
	s22 =	smov.u32 s10  }
.LBB2_6:
0x83: {  	s9 =	sadd.s32 $0x1, s9  }
0x84: {  	p0 =	sne.s32 s9, $0x7D  }
.Ltmp4:
0x85: {  	_ = 	snop;
	(pc) =	sbr.rel @!p0 .LBB2_7-.Ltmp4, $2  }
0x86: {  	_ =	sdelay $0x2  }
0x87: {  	s21 =	sadd.s32 $0xA, s21;
	s22 =	sadd.s32 $0xA, s22  }
.LBB2_4:
0x88: {  	s12 =	smul.u32 $0xAB, s9  }
0x89: {  	s13 =	smul.u32 $0xCD, s9  }
0x8a: {  	s12 =	sshrl.u32 s12, $0xA  }
0x8b: {  	s13 =	sshrl.u32 s13, $0xB;
	s12 =	sand.u32 $0x3F, s12  }
0x8c: {  	s13 =	sand.u32 $0x1F, s13;
	s12 =	smul.u32 $0x6, s12  }
0x8d: {  	s13 =	smul.u32 $0xA, s13  }
0x8e: {  	s12 =	ssub.s32 s9, s12  }
0x8f: {  	s13 =	ssub.s32 s9, s13;
	s12 =	sand.u32 $0xFF, s12  }
0x90: {  	s13 =	sand.u32 $0xFF, s13;
	s12 =	smul.u32 $0x5000, s12  }
0x91: {  	_ =	swait.ge [sflag:s7], $0x1400;
	p0 =	slt.u32 s9, $0x3;
	s13 =	smul.u32 $0x140, s13  }
0x92: {  	[sflag:s7] =	ssyncset.done $0x0;
	p1 =	sgt.u32 @!p0 s9, $0x79  }
0x93: {  	[sflag:s7] =	ssyncadd.s32 $0xFFFFEC00;
	s12 =	sshrl.u32 s12, $0x2;
	s13 =	sshrl.u32 s13, $0x2  }
0x94: {  	p1 =	por p0, !p1;
	s12 =	sadd.s32 $0x640, s12;
	s13 =	sadd.s32 $0x320, s13  }
0x95: {  	[spmem:s3] =	stream.indirect.scatter.add.f32 [tilespmem:s12], [sflag:$0x3], $0x40, s13, s2, $0xb8;
	[tilespmem:$0x11E40] =	vst v63  }
.Ltmp5:
0x96: {  	_ = 	snop;
	(pc) =	sbr.rel @!p1 .LBB2_6-.Ltmp5, $4  }
0x97: {  	s12 =	simm.s32 @!p0 $0x3  }
0x98: {  	_ =	swait.ge @!p0 [sflag:s12], $0x1400  }
0x99: {  	[sflag:s12] =	ssyncset.done @!p0 $0x0  }
0x9a: {  	[sflag:s12] =	ssyncadd.s32 @!p0 $0xFFFFEC00  }
0x9b: {  	s12 =	sadd.s32 $0x3, s9  }
0x9c: {  	s13 =	sand.u32 $0xFF, s12  }
0x9d: {  	s14 =	smul.u32 $0xCD, s13  }
0x9e: {  	s13 =	smul.u32 $0xAB, s13  }
0x9f: {  	s14 =	sshrl.u32 s14, $0xB  }
0xa0: {  	s13 =	sshrl.u32 s13, $0xA;
	s14 =	smul.u32 $0xA, s14  }
0xa1: {  	_ =	swait.ge [sflag:s6], $0x50;
	s13 =	smul.u32 $0x6, s13  }
0xa2: {  	p0 =	sgt.u32 s9, $0x76;
	[sflag:s6] =	ssyncset.done $0x0  }
0xa3: {  	s14 =	ssub.s32 s12, s14;
	s12 =	ssub.s32 s12, s13;
	s13 =	sadd.s32 @!p0 $0x6, s9  }
0xa4: {  	[sflag:s6] =	ssyncadd.s32 $0xFFFFFFB0;
	s12 =	sand.u32 $0xFF, s12;
	s15 =	smul.u32 @!p0 $0xCD, s13  }
0xa5: {  	_ =	swait.ge [sflag:s6], $0x50;
	s14 =	sand.u32 $0xFF, s14;
	s12 =	smul.u32 $0x5000, s12  }
0xa6: {  	[sflag:s6] =	ssyncset.done $0x0;
	s14 =	smul.u32 $0x140, s14;
	s15 =	sshrl.u32 @!p0 s15, $0xB  }
0xa7: {  	[sflag:s6] =	ssyncadd.s32 $0xFFFFFFB0;
	s12 =	sshrl.u32 s12, $0x2;
	s15 =	sand.u32 @!p0 $0x1F, s15  }
0xa8: {  	s14 =	sshrl.u32 s14, $0x2;
	s12 =	sadd.s32 $0x640, s12;
	s15 =	smul.u32 @!p0 $0xA, s15  }
0xa9: {  	[tilespmem:s12], [sflag:$0x1] =	stream.indirect.gather [hbm4b:s1+s2], $0x40, s14, s2, $0xb8;
	[tilespmem:$0x11E40] =	vst v63  }
0xaa: {  	s12 =	ssub.s32 @!p0 s13, s15  }
0xab: {  	s12 =	sand.u32 @!p0 $0xFF, s12  }
0xac: {  	s12 =	smul.u32 @!p0 $0x50, s12  }
.Ltmp6:
0xad: {  	_ = 	snop;
	(pc) =	sbr.rel .LBB2_6-.Ltmp6, $4  }
0xae: {  	s13 =	simm.s32 @!p0 $0x0  }
0xaf: {  	[tilespmem:s12], [sflag:$0x2] =	stream.linear.gather @!p0 [hbm4b:s22+s13], $0x50, $0x38;
	[tilespmem:$0x11E40] =	vst v63  }
0xb0: {  	s12 =	sadd.s32 @!p0 $0x320, s12  }
0xb1: {  	[tilespmem:s12], [sflag:$0x2] =	stream.linear.gather @!p0 [hbm4b:s21+s13], $0x50, $0x38;
	[tilespmem:$0x11E40] =	vst v63  }
.LBB2_8:
0xb2: {  	_ =	sfence.sel $0x180000  }
0xb3: {  	[bflag:$0x0] =	sbarrier.arrive $0xFFFF  }
0xb4: {  	_ =	strace $0x9000004D  }
0xb5: {  	s0 =	stileid.u32;
	[bflag:$0x2] =	sbarrier.arrive $0xFFFF  }
0xb6: {  	p0 =	sne.s32 s0, $0x0;
	s0 =	rddreg [dreg:$0x3]  }
0xb7: {  	s0 =	sadd.s32 @!p0 $0x100000, s0  }
0xb8: {  	[sflag:s0] =	ssyncadd.tile.s32 @!p0 $0x1;
	_ =	shalt  }
.Lfunc_end2:
_tile_overlayer_lowered:
.L_overlay_start_2:
0xb9: {  	(tag) =	ssettag $0x2  }
0xba: {  	s0 =	rddreg [dreg:$0x0];
	s2 =	stileid.u32  }
0xbb: {  	s1 =	rddreg [dreg:$0x1];
	p0 =	sne.s32 s2, $0x0  }
0xbc: {  	s3 =	rddreg [dreg:$0x2];
	[bflag:$0x3] =	sbarrier.arrive $0xFFFF;
	s2 =	simm.s32 @!p0 $0x1C04  }
0xbd: {  	[timem:s3], [sflag:s2] =	dma.local @!p0 [hbm:s0], s1  }
0xbe: {  	s0 =	simm.s32 @!p0 $0x4  }
0xbf: {  	_ =	swait.ge @!p0 [sflag:s0], s1  }
0xc0: {  	s1 =	ssub.s32 @!p0 $0x0, s1;
	[sflag:s0] =	ssyncset.done @!p0 $0x0  }
0xc1: {  	[sflag:s0] =	ssyncadd.s32 @!p0 s1  }
0xc2: {  	[bflag:$0x3] =	sbarrier.arrive $0xFFFF  }
0xc3: {  	_ =	shalt  }

// kernel: kernel.8.cloned.1.call-start
scs
__scs_entry_jumppad:
0x0: {  	(pc) =	sbr.rel $0x88, $3  }
0x1: {  	(tag) =	ssettag $0x0;
	lr =	simm.s32 $0x1  }
0x2: {  	[smem:$0x3F9B] =	sst lr;
	_ =	strace $0xD0000000  }
0x3: {  	_ = 	snop  }
0x4: {  	_ = 	snop  }
0x5: {  	_ = 	snop  }
0x6: {  	_ = 	snop  }
0x7: {  	_ = 	snop  }
__scs_overlays_trampoline_lowered:
0x8: {  	[smem:$0x3FAA] =	sst s0  }
0x9: {  	[smem:$0x3FAB] =	sst s1  }
0xa: {  	[smem:$0x3FAC] =	sst s2  }
0xb: {  	[smem:$0x3FAD] =	sst s3  }
0xc: {  	[smem:$0x3FAE] =	sst s4  }
0xd: {  	[smem:$0x3FAF] =	sst s5  }
0xe: {  	[smem:$0x3FB0] =	sst s6  }
0xf: {  	[smem:$0x3FB1] =	sst s7  }
0x10: {  	[smem:$0x3FB2] =	sst s8  }
0x11: {  	[smem:$0x3FB3] =	sst s9;
	s0 =	simm.s32 @!p0 $0x0  }
0x12: {  	s1 =	sld [smem:$0x3F99];
	s0 =	simm.s32 @p0 $0x1  }
0x13: {  	[smem:$0x3FB4] =	sst s0;
	s0 =	simm.s32 @!p1 $0x0  }
0x14: {  	s2 =	sld [smem:$0x3F98];
	s0 =	simm.s32 @p1 $0x1  }
0x15: {  	[smem:$0x3FB5] =	sst s0;
	s0 =	simm.s32 @!p2 $0x0  }
0x16: {  	s3 =	sld [smem:$0x3FDB];
	s0 =	simm.s32 @p2 $0x1  }
0x17: {  	s4 =	simm.s32 $0x1BF5;
	[smem:$0x3FB7] =	sst s0  }
0x18: {  	s0 =	sld [smem:$0x3F9A];
	_ =	swait.ge [sflag:s4], $0x0  }
0x19: {  	s7 =	sld [smem:$0x3F9B]  }
0x1a: {  	s8 =	sadd.s32 $0xFFFFE003, lr  }
0x1b: {  	s9 =	sadd.s32 $0xFFFFFEF7, lr;
	s5 =	simm.s32 $0xFFFFFFFF;
	p2 =	slt.u32 s8, $0xFFFFF086  }
0x1c: {  	p1 =	slt.u32 s9, $0xF7A;
	s5 =	simm.s32 @!p2 $0x0  }
0x1d: {  	s5 =	simm.s32 @p1 $0x1;
	p0 =	seq.s32 s7, s2  }
0x1e: {  	s7 =	smul.u32 @!p0 $0xF7A, s2;
	p2 =	seq.s32 @!p0 s5, $0x0  }
0x1f: {  	s9 =	smul.u32 $0xF7A, s1;
	s8 =	simm.s32 @!p0 $0x1BF5;
	p2 =	por !p2, p0  }
0x20: {  	[sflag:s8] =	ssyncset.s32 @!p0 $0xFFFFF086;
	s6 =	sadd.s32 @!p0 s3, s7;
	s7 =	simm.s32 @!p0 $0x108  }
0x21: {  	s3 =	sadd.s32 s3, s9;
	s6 =	sadd.s32 @!p0 $0x88, s6;
	s7 =	simm.s32 @p2 $0x1082  }
0x22: {  	[simem:s7], [sflag:s8] =	dma.local @!p0 [hbm:s6], $0xF7A  }
0x23: {  	s9 =	sor.u32 $0xD0000000, s2;
	s6 =	simm.s32 $0x108;
	_ =	swait.ge @!p0 [sflag:s8], $0x0  }
0x24: {  	s3 =	sadd.s32 $0x88, s3;
	s6 =	simm.s32 @!p1 $0x1082;
	[sflag:s4] =	ssyncset.s32 $0xFFFFF086  }
0x25: {  	[simem:s6], [sflag:s4] =	dma.local [hbm:s3], $0xF7A  }
0x26: {  	[smem:$0x3F9B] =	sst s1;
	(tag) =	ssettag s2;
	_ =	strace s9  }
0x27: {  	s1 =	sld [smem:$0x3FAB]  }
0x28: {  	s2 =	sld [smem:$0x3FAC]  }
0x29: {  	s4 =	sld [smem:$0x3FAE]  }
0x2a: {  	p0 =	seq.s32 s5, $0x0;
	s5 =	sld [smem:$0x3FAF]  }
0x2b: {  	s6 =	sld [smem:$0x3FB0]  }
0x2c: {  	s7 =	sld [smem:$0x3FB1]  }
0x2d: {  	s3 =	simm.s32 $0x108;
	s8 =	sld [smem:$0x3FB2]  }
0x2e: {  	s3 =	simm.s32 @!p0 $0x1082;
	s9 =	sld [smem:$0x3FB3]  }
0x2f: {  	lr =	sadd.s32 s0, s3;
	s0 =	sld [smem:$0x3FAA]  }
0x30: {  	s3 =	sld [smem:$0x3FAD]  }
0x31: {  	[smem:$0x3FB6] =	sst s10  }
0x32: {  	s10 =	sld [smem:$0x3FB4];
	_ =	sdelay $0x3  }
0x33: {  	p0 =	seq.s32 s10, $0x1;
	s10 =	sld [smem:$0x3FB6];
	_ =	sdelay $0x3  }
0x34: {  	[smem:$0x3FB6] =	sst s10  }
0x35: {  	s10 =	sld [smem:$0x3FB5];
	_ =	sdelay $0x3  }
0x36: {  	p1 =	seq.s32 s10, $0x1;
	s10 =	sld [smem:$0x3FB6];
	_ =	sdelay $0x3  }
0x37: {  	[smem:$0x3FB6] =	sst s10  }
0x38: {  	s10 =	sld [smem:$0x3FB7]  }
0x39: {  	_ = 	snop;
	(pc) =	sbr.ind lr, $3  }
0x3a: {  	_ = 	snop  }
0x3b: {  	_ = 	snop  }
0x3c: {  	p2 =	seq.s32 s10, $0x1;
	s10 =	sld [smem:$0x3FB6]  }
0x3d: {  	_ =	shalt  }
0x3e: {  	_ =	shalt  }
0x3f: {  	_ =	shalt  }
0x40: {  	_ =	shalt  }
0x41: {  	_ =	shalt  }
0x42: {  	_ =	shalt  }
0x43: {  	_ =	shalt  }
0x44: {  	_ =	shalt  }
0x45: {  	_ =	shalt  }
0x46: {  	_ =	shalt  }
0x47: {  	_ =	shalt  }
0x48: {  	_ =	shalt  }
0x49: {  	_ =	shalt  }
0x4a: {  	_ =	shalt  }
0x4b: {  	_ =	shalt  }
0x4c: {  	_ =	shalt  }
0x4d: {  	_ =	shalt  }
0x4e: {  	_ =	shalt  }
0x4f: {  	_ =	shalt  }
0x50: {  	_ =	shalt  }
0x51: {  	_ =	shalt  }
0x52: {  	_ =	shalt  }
0x53: {  	_ =	shalt  }
0x54: {  	_ =	shalt  }
0x55: {  	_ =	shalt  }
0x56: {  	_ =	shalt  }
0x57: {  	_ =	shalt  }
0x58: {  	_ =	shalt  }
0x59: {  	_ =	shalt  }
0x5a: {  	_ =	shalt  }
0x5b: {  	_ =	shalt  }
0x5c: {  	_ =	shalt  }
0x5d: {  	_ =	shalt  }
0x5e: {  	_ =	shalt  }
0x5f: {  	_ =	shalt  }
0x60: {  	_ =	shalt  }
0x61: {  	_ =	shalt  }
0x62: {  	_ =	shalt  }
0x63: {  	_ =	shalt  }
0x64: {  	_ =	shalt  }
0x65: {  	_ =	shalt  }
0x66: {  	_ =	shalt  }
0x67: {  	_ =	shalt  }
0x68: {  	_ =	shalt  }
0x69: {  	_ =	shalt  }
0x6a: {  	_ =	shalt  }
0x6b: {  	_ =	shalt  }
0x6c: {  	_ =	shalt  }
0x6d: {  	_ =	shalt  }
0x6e: {  	_ =	shalt  }
0x6f: {  	_ =	shalt  }
0x70: {  	_ =	shalt  }
0x71: {  	_ =	shalt  }
0x72: {  	_ =	shalt  }
0x73: {  	_ =	shalt  }
0x74: {  	_ =	shalt  }
0x75: {  	_ =	shalt  }
0x76: {  	_ =	shalt  }
0x77: {  	_ =	shalt  }
0x78: {  	_ =	shalt  }
0x79: {  	_ =	shalt  }
0x7a: {  	_ =	shalt  }
0x7b: {  	_ =	shalt  }
0x7c: {  	_ =	shalt  }
0x7d: {  	_ =	shalt  }
0x7e: {  	_ =	shalt  }
0x7f: {  	_ =	shalt  }
0x80: {  	_ =	shalt  }
0x81: {  	_ =	shalt  }
0x82: {  	_ =	shalt  }
0x83: {  	_ =	shalt  }
0x84: {  	_ =	shalt  }
0x85: {  	_ =	shalt  }
0x86: {  	_ =	shalt  }
0x87: {  	_ =	shalt  }
.Lfunc_end0:
.L_simem_size_0:
called_computation_lowered:
.L_overlay_start_0:
0x88: {  	s2 =	sld [smem:$0x3FD9]  }
0x89: {  	s3 =	sld [smem:$0x3FFE];
	_ =	sdelay $0x1  }
0x8a: {  	s1 =	srdreg.scid  }
0x8b: {  	s0 =	sand.u32 $0x1, s1  }
0x8c: {  	s17 =	sshll.u32 s0, $0xA;
	s2 =	sadd.s32 s3, s2  }
0x8d: {  	s2 =	sadd.s32 s2, s17  }
0x8e: {  	[smem:$0x3FC2] =	sst s2  }
0x8f: {  	_ = 	snop  }
0x90: {  	s2 =	sld [smem:$0x3FD0];
	(tm) =	ssettm $0x1  }
0x91: {  	s18 =	sld [smem:$0x3FFB];
	_ =	sdelay $0x3  }
0x92: {  	_ =	strace s18  }
0x93: {  	s3 =	sld [smem:$0x3FFC];
	_ =	sdelay $0x3  }
0x94: {  	_ =	strace s3  }
0x95: {  	s3 =	sld [smem:$0x3FFD];
	_ =	sdelay $0x3  }
0x96: {  	_ =	strace s3  }
0x97: {  	_ =	strace $0x8FFFFFFF  }
0x98: {  	s19 =	sld [smem:$0x3FDB];
	_ =	sdelay $0x1  }
0x99: {  	s4 =	simm.s32 $_scs_section_size  }
0x9a: {  	s5 =	simm.s32 $_size__tile_overlayer_lowered;
	s6 =	simm.s32 $_tile_overlayer_lowered  }
0x9b: {  	s22 =	simm.s32 $0x1BFF;
	s21 =	sshll.u32 s6, $0x1;
	s3 =	sadd.s32 s4, s19  }
0x9c: {  	s7 =	simm.s32 $0x0;
	s20 =	sshll.u32 s5, $0x1;
	s5 =	sadd.s32 s21, s3  }
0x9d: {  	[timem:s7], [sflag:s22] =	dma.local [hbm:s5], s20  }
0x9e: {  	_ =	swait.ge [sflag:s22], s20  }
0x9f: {  	s4 =	ssub.s32 $0x0, s20;
	[sflag:s22] =	ssyncset.done $0x0  }
0xa0: {  	[sflag:s22] =	ssyncadd.s32 s4;
	_ =	sdelay $0x1  }
0xa1: {  	s23 =	simm.s32 $0x1B8B  }
0xa2: {  	_ =	swait.ge [sflag:s23], $0x1  }
0xa3: {  	[sflag:s23] =	ssyncset.done $0x0  }
0xa4: {  	s25 =	simm.s32 $0x1B8E;
	s24 =	sld [smem:$0x3FFE];
	[sflag:s23] =	ssyncadd.s32 $0xFFFFFFFF  }
0xa5: {  	s26 =	simm.s32 $execute0_lowered;
	[smem:$0x3FD2] =	sst s25  }
0xa6: {  	s5 =	sshll.u32 s26, $0x1;
	_ =	strace $0x80000046;
	[dreg:$0x1] =	wrdreg $0xFFFFFFFF  }
0xa7: {  	s28 =	simm.s32 $_size_execute0_lowered;
	s3 =	sadd.s32 s3, s5;
	[dreg:$0x0] =	wrdreg $0x0  }
0xa8: {  	s5 =	sshll.u32 s28, $0x1;
	[dreg:$0x2] =	wrdreg s3  }
0xa9: {  	[dreg:$0x3] =	wrdreg s5  }
0xaa: {  	[dreg:$0x4] =	wrdreg $0xC0  }
0xab: {  	_ =	task [dreg:s7], $0x5FFFF  }
0xac: {  	[dreg:$0x1] =	wrdreg $0xFFFFFFFF  }
0xad: {  	[dreg:$0x0] =	wrdreg $0x60  }
0xae: {  	[dreg:$0x2] =	wrdreg s24  }
0xaf: {  	[dreg:$0x3] =	wrdreg s2  }
0xb0: {  	[dreg:$0x4] =	wrdreg $0x29E00  }
0xb1: {  	[dreg:$0x5] =	wrdreg $0x9  }
0xb2: {  	_ =	task.clear_ibuf [dreg:s7], $0x6FFFF;
	_ =	strace $0x90000046  }
0xb3: {  	s29 =	simm.s32 $0x9;
	_ =	strace $0x80000048  }
0xb4: {  	_ =	swait.ge [sflag:s29], $0x1  }
0xb5: {  	[sflag:s29] =	ssyncadd.s32 $0xFFFFFFFF  }
0xb6: {  	_ =	strace $0x90000048  }
0xb7: {  	_ =	sfence  }
0xb8: {  	s30 =	sld [smem:$0x0];
	_ =	sdelay $0x2  }
0xb9: {  	s31 =	sshll.u32 s1, $0xD;
	s1 =	sshrl.u32 s1, $0x2  }
0xba: {  	s3 =	sand.u32 $0x4000, s31;
	s1 =	sadd.s32 s1, s30  }
0xbb: {  	s0 =	sor.u32 s3, s0;
	s1 =	sshll.u32 s1, $0x11  }
0xbc: {  	s0 =	sor.u32 s1, s0  }
0xbd: {  	s0 =	sadd.s32 $0x8F2B, s0  }
0xbe: {  	[sflag:s0] =	ssyncadd.remote.s32 $0x1  }
0xbf: {  	_ =	sfence.sel $0xFFFF  }
0xc0: {  	[dreg:$0x0] =	wrdreg $0xFFFFFFFF;
	(pc) =	sbr.abs _section_cstart, $3  }
0xc1: {  	[dreg:$0x1] =	wrdreg $0xFFFFFFFF  }
0xc2: {  	_ =	task.clear_ibuf [dreg:s7], $0x2FFFF;
	_ =	strace $0x9FFFFFFF  }
0xc3: {  	(tm) =	ssettm $0x7FFFFFFF  }
tec
execute0_lowered:
.L_overlay_start_1:
0x0: {  	(tag) =	ssettag $0x1  }
0x1: {  	s4 =	rddreg [dreg:$0x0]  }
0x2: {  	s6 =	rddreg [dreg:$0x1];
	s0 =	srdreg.scid  }
0x3: {  	s2 =	rddreg [dreg:$0x2];
	s1 =	stileid.u32;
	s3 =	simm.s32 $0x0  }
0x4: {  	s11 =	simm.s32 $0x2710;
	s5 =	sand.u32 $0x1, s0;
	s0 =	rddreg [dreg:$0x3]  }
0x5: {  	s14 =	simm.s32 $0x0;
	s8 =	smul.u32 $0x280, s1;
	[smem:$0x7FF] =	sst s3  }
0x6: {  	s12 =	sshll.u32 s1, $0x6;
	s7 =	sshll.u32 s5, $0x4;
	s9 =	smul.u32 $0x2800, s5  }
0x7: {  	s5 =	ssub.s32 $0x2, s5;
	_ =	strace $0x80000047;
	s7 =	sor.u32 s1, s7  }
0x8: {  	s10 =	sshrl.u32 s5, $0x1;
	s7 =	smul.u32 $0x4E2, s7;
	s9 =	sadd.s32 s8, s9  }
0x9: {  	s12 =	sor.u32 $0x1C01, s12;
	s10 =	ssub.s32 s5, s10;
	s9 =	sshrl.u32 s9, $0x3  }
0xa: {  	s7 =	sadd.s32 s7, s4;
	s4 =	sadd.s32 s8, s2;
	s6 =	sadd.s32 s6, s9  }
0xb: {  	s8 =	simm.s32 $0x2760;
	s9 =	simm.s32 $0x1;
	s5 =	sadd.s32 $0x1C00, s7  }
0xc: {  	v0 =	vimm.f32 $0.0e+00;
	v1 =	vimm.f32 $1.000000000e+00;
	s7 =	smax.u32 s10, $0x1;
	s10 =	simm.s32 $0x50;
	s13 =	sshrl.u32 s4, $0x3  }
.LBB2_1:
0xd: {  	[tilespmem:$0x2760] =	vst v0  }
0xe: {  	[tilespmem:$0x2770] =	vst v0  }
0xf: {  	[tilespmem:$0x2780] =	vst v0  }
0x10: {  	[tilespmem:$0x2790] =	vst v0  }
0x11: {  	[tilespmem:$0x27A0] =	vst v0  }
0x12: {  	[tilespmem:$0x27B0] =	vst v0  }
0x13: {  	[tilespmem:$0x27C0] =	vst v0  }
0x14: {  	[tilespmem:$0x27D0] =	vst v0  }
0x15: {  	[tilespmem:$0x27E0] =	vst v0  }
0x16: {  	[tilespmem:$0x27F0] =	vst v0  }
0x17: {  	[tilespmem:$0x2800] =	vst v0  }
0x18: {  	[tilespmem:$0x2810] =	vst v0  }
0x19: {  	[tilespmem:$0x2820] =	vst v0  }
0x1a: {  	[tilespmem:$0x2830] =	vst v0  }
0x1b: {  	[tilespmem:$0x2840] =	vst v0  }
0x1c: {  	[tilespmem:$0x2850] =	vst v0  }
0x1d: {  	[tilespmem:$0x2860] =	vst v0  }
0x1e: {  	[tilespmem:$0x2870] =	vst v0  }
0x1f: {  	[tilespmem:$0x2880] =	vst v0  }
0x20: {  	[tilespmem:$0x2890] =	vst v0  }
0x21: {  	[tilespmem:$0x28A0] =	vst v0  }
0x22: {  	[tilespmem:$0x28B0] =	vst v0  }
0x23: {  	[tilespmem:$0x28C0] =	vst v0  }
0x24: {  	[tilespmem:$0x28D0] =	vst v0  }
0x25: {  	[tilespmem:$0x28E0] =	vst v0  }
0x26: {  	[tilespmem:$0x28F0] =	vst v0  }
0x27: {  	[tilespmem:$0x2900] =	vst v0  }
0x28: {  	[tilespmem:$0x2910] =	vst v0  }
0x29: {  	[tilespmem:$0x2920] =	vst v0  }
0x2a: {  	[tilespmem:$0x2930] =	vst v0  }
0x2b: {  	[tilespmem:$0x2940] =	vst v0  }
0x2c: {  	[tilespmem:$0x2950] =	vst v0  }
0x2d: {  	[tilespmem:$0x2960] =	vst v0  }
0x2e: {  	[tilespmem:$0x2970] =	vst v0  }
0x2f: {  	[tilespmem:$0x2980] =	vst v0  }
0x30: {  	[tilespmem:$0x2990] =	vst v0  }
0x31: {  	[tilespmem:$0x29A0] =	vst v0  }
0x32: {  	[tilespmem:$0x29B0] =	vst v0  }
0x33: {  	[tilespmem:$0x29C0] =	vst v0  }
0x34: {  	[tilespmem:$0x29D0] =	vst v0  }
0x35: {  	[tilespmem:$0x2710] =	vst v1  }
0x36: {  	[tilespmem:$0x2720] =	vst v1  }
0x37: {  	[tilespmem:$0x2730] =	vst v1  }
0x38: {  	[tilespmem:$0x2740] =	vst v1  }
0x39: {  	[tilespmem:$0x2750] =	vst v1  }
0x3a: {  	[spmem:s4] =	stream.linear.scatter [tilespmem:s8], [sflag:$0x1], $0x280, $0x38;
	[tilespmem:$0x2C60] =	vst v63  }
0x3b: {  	_ =	swait.ge [sflag:s9], $0x280  }
0x3c: {  	[sflag:s9] =	ssyncset.done $0x0  }
0x3d: {  	[sflag:s9] =	ssyncadd.s32 $0xFFFFFD80  }
0x3e: {  	[tilespmem:s3], [sflag:$0x1] =	stream.linear.gather [hbm4b:s5+s3], $0x2710, $0x38;
	[tilespmem:$0x2C60] =	vst v63  }
0x3f: {  	_ =	swait.ge [sflag:s9], $0x2710  }
0x40: {  	[sflag:s9] =	ssyncset.done $0x0  }
0x41: {  	[sflag:s9] =	ssyncadd.s32 $0xFFFFD8F0  }
0x42: {  	s15 =	simm.s32 $0x0;
	[bflag:$0x0] =	sbarrier.arrive $0xFFFF  }
0x43: {  	[spmem:s2] =	stream.indirect.scatter.add.f32 [tilespmem:s11], [sflag:$0x1], $0x1, s15, s10, $0xb8;
	[tilespmem:$0x2C60] =	vst v63  }
0x44: {  	_ =	swait.ge [sflag:s9], $0x50  }
0x45: {  	s15 =	simm.s32 $0x140;
	[sflag:s9] =	ssyncset.done $0x0  }
.LBB2_2:
0x46: {  	s16 =	sshra.s32 s15, $0x2;
	[sflag:s9] =	ssyncadd.s32 $0xFFFFFFB0;
	p0 =	sne.s32 s15, $0x9B00  }
0x47: {  	[spmem:s2] =	stream.indirect.scatter.add.f32 [tilespmem:s11], [sflag:$0x1], $0x1, s16, s10, $0xb8;
	[tilespmem:$0x2C60] =	vst v63  }
.Ltmp0:
0x48: {  	_ = 	snop;
	(pc) =	sbr.rel @p0 .LBB2_2-.Ltmp0, $4  }
0x49: {  	_ = 	snop  }
0x4a: {  	s15 =	sadd.s32 $0x140, s15  }
0x4b: {  	_ =	swait.ge [sflag:s9], $0x50  }
0x4c: {  	[sflag:s9] =	ssyncset.done $0x0  }
0x4d: {  	s14 =	sadd.s32 $0x1, s14  }
0x4e: {  	[sflag:s9] =	ssyncadd.s32 $0xFFFFFFB0;
	p0 =	sne.s32 s14, s7  }
.Ltmp1:
0x4f: {  	[bflag:$0x0] =	sbarrier.arrive $0xFFFF;
	(pc) =	sbr.rel @p0 .LBB2_1-.Ltmp1, $4  }
0x50: {  	[hbm:s6], [sflag:s12] =	dma.local [spmem:s13], $0x50  }
0x51: {  	_ =	swait.ge [sflag:s9], $0x50  }
0x52: {  	[sflag:s9] =	ssyncset.done $0x0  }
0x53: {  	[sflag:s9] =	ssyncadd.s32 $0xFFFFFFB0  }
0x54: {  	_ =	sfence.sel $0x180000  }
0x55: {  	[bflag:$0x0] =	sbarrier.arrive $0xFFFF  }
0x56: {  	p0 =	sne.s32 s1, $0x0;
	_ =	strace $0x90000047  }
0x57: {  	s0 =	sadd.s32 @!p0 $0x100000, s0;
	[bflag:$0x2] =	sbarrier.arrive $0xFFFF  }
0x58: {  	[sflag:s0] =	ssyncadd.tile.s32 @!p0 $0x1;
	_ =	shalt  }
.Lfunc_end2:
_tile_overlayer_lowered:
.L_overlay_start_2:
0x59: {  	(tag) =	ssettag $0x2  }
0x5a: {  	s0 =	rddreg [dreg:$0x0];
	s2 =	stileid.u32  }
0x5b: {  	s1 =	rddreg [dreg:$0x1];
	p0 =	sne.s32 s2, $0x0  }
0x5c: {  	s3 =	rddreg [dreg:$0x2];
	[bflag:$0x3] =	sbarrier.arrive $0xFFFF;
	s2 =	simm.s32 @!p0 $0x1C01  }
0x5d: {  	[timem:s3], [sflag:s2] =	dma.local @!p0 [hbm:s0], s1  }
0x5e: {  	s0 =	simm.s32 @!p0 $0x1  }
0x5f: {  	_ =	swait.ge @!p0 [sflag:s0], s1  }
0x60: {  	s1 =	ssub.s32 @!p0 $0x0, s1;
	[sflag:s0] =	ssyncset.done @!p0 $0x0  }
0x61: {  	[sflag:s0] =	ssyncadd.s32 @!p0 s1  }
0x62: {  	[bflag:$0x3] =	sbarrier.arrive $0xFFFF  }
0x63: {  	_ =	shalt  }

</sc_bundles>
